<compile_context>
chip_gen: v7x
topology: tpu7x:2x2x1
jax: 0.10.2.dev20260603
libtpu: 0.0.44.dev20260713+nightly
codegen_flags: <defaults>
</compile_context>

<pallas_src>
import functools

import jax
import jax.numpy as jnp
import numpy as np
from jax import lax
from jax.experimental import pallas as pl
from jax.experimental.pallas import tpu as pltpu
from jax.experimental.pallas import tpu_sc as plsc

NC = 2
NS = 16
CHUNK = 80
PACK = 16384


def _make_sc_segsum(n, e, w):
    nw = NC * NS
    per_w = e // nw
    assert per_w * nw == e and per_w % CHUNK == 0
    nch = per_w // CHUNK
    assert nch >= 8 and nch % 3 == 2
    rpt = -(-n // (8 * NS)) * 8
    n_pad = rpt * NS
    mesh = plsc.VectorSubcoreMesh(core_axis_name="c", subcore_axis_name="s")

    split = w > 128

    def body(table, pk, zeros, *rest):
        if split:
            (out, outc, pk_v, sbuf0, sbuf1, sbuf2, dbuf0, dbuf1, dbuf2,
             rows0, rows1, rows2, acc, gsem, ssem) = rest
        else:
            (out, pk_v, sbuf0, sbuf1, sbuf2, dbuf0, dbuf1, dbuf2,
             rows0, rows1, rows2, acc, gsem, ssem) = rest
        c = lax.axis_index("c")
        s = lax.axis_index("s")
        g = s * NC + c
        pltpu.sync_copy(zeros, acc.at[pl.ds(s * rpt, rpt)])
        pltpu.sync_copy(pk.at[pl.ds(g * per_w, per_w)], pk_v)
        plsc.subcore_barrier()

        dummy = table.at[pl.ds(0, CHUNK)]
        sbufs = (sbuf0, sbuf1, sbuf2)
        dbufs = (dbuf0, dbuf1, dbuf2)
        rows = (rows0, rows1, rows2)

        def unpack(j, slot):
            base = j * CHUNK
            for k in range(CHUNK // 16):
                p16 = pk_v[pl.ds(base + k * 16, 16)]
                sbufs[slot][pl.ds(k * 16, 16)] = lax.bitwise_and(
                    p16, PACK - 1)
                dbufs[slot][pl.ds(k * 16, 16)] = lax.shift_right_logical(
                    p16, 14)

        def gather(slot):
            pltpu.async_copy(table.at[sbufs[slot]], rows[slot], gsem)

        def scatter(slot):
            pltpu.async_copy(rows[slot], acc.at[dbufs[slot]], ssem,
                             add=True)

        def drain(slot, sem):
            pltpu.make_async_copy(dummy, rows[slot], sem).wait()

        unpack(0, 0)
        gather(0)
        unpack(1, 1)
        gather(1)
        drain(0, gsem)
        scatter(0)
        unpack(2, 2)
        gather(2)
        drain(1, gsem)
        scatter(1)

        def triple(t, carry):
            for k in range(3):
                j = 3 * t + k
                drain(k, ssem)
                unpack(j, k)
                gather(k)
                drain((k + 2) % 3, gsem)
                scatter((k + 2) % 3)
            return carry

        lax.fori_loop(1, (nch - 2) // 3, triple, 0)
        drain(0, ssem)
        unpack(nch - 2, 0)
        gather(0)
        drain(2, gsem)
        scatter(2)
        drain(1, ssem)
        unpack(nch - 1, 1)
        gather(1)
        drain(0, gsem)
        scatter(0)
        drain(1, gsem)
        scatter(1)
        drain(2, ssem)
        drain(0, ssem)
        drain(1, ssem)
        plsc.subcore_barrier()
        if split:
            pltpu.sync_copy(acc.at[pl.ds(s * rpt, rpt), pl.ds(0, 128)],
                            out.at[pl.ds(c * n_pad + s * rpt, rpt)])
            pltpu.sync_copy(acc.at[pl.ds(s * rpt, rpt), pl.ds(128, w - 128)],
                            outc.at[pl.ds(c * n_pad + s * rpt, rpt)])
        else:
            pltpu.sync_copy(acc.at[pl.ds(s * rpt, rpt)],
                            out.at[pl.ds(c * n_pad + s * rpt, rpt)])

    if split:
        out_type = [
            jax.ShapeDtypeStruct((NC * n_pad, 128), jnp.float32),
            jax.ShapeDtypeStruct((NC * n_pad, w - 128), jnp.float32),
        ]
    else:
        out_type = [jax.ShapeDtypeStruct((NC * n_pad, w), jnp.float32)]
    scratch = (
        [pltpu.VMEM((per_w,), jnp.int32)]
        + [pltpu.VMEM((CHUNK,), jnp.int32)] * 6
        + [pltpu.VMEM((CHUNK, w), jnp.float32)] * 3
        + [
            pltpu.VMEM_SHARED((n_pad, w), jnp.float32),
            pltpu.SemaphoreType.DMA,
            pltpu.SemaphoreType.DMA,
        ]
    )
    return pl.kernel(
        body, out_type=out_type, mesh=mesh, scratch_types=scratch,
        compiler_params=pltpu.CompilerParams(
            needs_layout_passes=False, use_tc_tiling_on_sc=False),
    ), n_pad


def _make_sc_pack(e):
    nw = NC * NS
    per_w = e // nw
    assert per_w * nw == e and per_w % 16 == 0
    mesh = plsc.VectorSubcoreMesh(core_axis_name="c", subcore_axis_name="s")

    def body(ei, out, sv, dv, pv):
        c = lax.axis_index("c")
        s = lax.axis_index("s")
        g = s * NC + c
        pltpu.sync_copy(ei.at[0, pl.ds(g * per_w, per_w)], sv)
        pltpu.sync_copy(ei.at[1, pl.ds(g * per_w, per_w)], dv)

        unroll = 5 if per_w % (16 * 5) == 0 else 1

        def step(i, carry):
            for u in range(unroll):
                o = i * 16 * unroll + u * 16
                pv[pl.ds(o, 16)] = lax.bitwise_or(
                    sv[pl.ds(o, 16)],
                    lax.shift_left(dv[pl.ds(o, 16)], 14))
            return carry

        lax.fori_loop(0, per_w // (16 * unroll), step, 0)
        pltpu.sync_copy(pv, out.at[pl.ds(g * per_w, per_w)])

    return pl.kernel(
        body,
        out_type=[jax.ShapeDtypeStruct((e,), jnp.int32)],
        mesh=mesh,
        scratch_types=[pltpu.VMEM((per_w,), jnp.int32)] * 3,
        compiler_params=pltpu.CompilerParams(
            needs_layout_passes=False, use_tc_tiling_on_sc=False),
    )


def _dotT(a, b):
    return lax.dot_general(a, b, (((1,), (1,)), ((), ())),
                           preferred_element_type=jnp.float32)


def _layer1_body(pa_ref, pb_ref, ca_ref, cb_ref, xp_ref, wl_ref, wr_ref,
                 b_ref, h_ref, rcp_ref):
    d = wl_ref.shape[1]
    cnt = ca_ref[:, :1] + cb_ref[:, :1]
    rcp = 1.0 / jnp.maximum(cnt, 1.0)
    mean = (pa_ref[...] + pb_ref[...]) * rcp
    h = (_dotT(mean, wl_ref[...]) + _dotT(xp_ref[:, :d], wr_ref[...])
         + b_ref[...])
    h_ref[...] = jnp.maximum(h, 0.0)
    rcp_ref[...] = rcp


def _layer2_body(pa_ref, pb_ref, h_ref, rcp_ref, wl_ref, wr_ref, b_ref,
                 wlin_ref, blin_ref, o_ref):
    mean = (pa_ref[...] + pb_ref[...]) * rcp_ref[...]
    z = _dotT(mean, wl_ref[...]) + _dotT(h_ref[...], wr_ref[...]) + b_ref[...]
    z = jnp.maximum(z, 0.0)
    o_ref[...] = (jnp.sum(z * wlin_ref[...], axis=1, keepdims=True)
                  + blin_ref[0, 0])


def kernel(x, edge_index, W1l, W1r, b1, W2l, W2r, b2, Wlin, blin):
    n, d = x.shape
    e = edge_index.shape[1]
    h_dim = W1l.shape[0]
    (pk,) = _make_sc_pack(e)(edge_index)

    w1 = d + 8
    seg1, n_pad = _make_sc_segsum(n, e, w1)
    xp = jnp.zeros((n_pad, w1), jnp.float32)
    xp = lax.dynamic_update_slice(
        xp,
        jnp.concatenate([x, jnp.ones((n, 1), jnp.float32)], axis=1),
        (0, 0))

    zeros1 = jnp.zeros((n_pad // NS, w1), jnp.float32)
    p1, c1 = seg1(xp, pk, zeros1)

    rb = n_pad // 8
    assert rb % 8 == 0
    grid = n_pad // rb
    h, rcp = pl.pallas_call(
        _layer1_body,
        grid=(grid,),
        in_specs=[
            pl.BlockSpec((rb, h_dim), lambda i: (i, 0)),
            pl.BlockSpec((rb, h_dim), lambda i: (i + 8, 0)),
            pl.BlockSpec((rb, 8), lambda i: (i, 0)),
            pl.BlockSpec((rb, 8), lambda i: (i + 8, 0)),
            pl.BlockSpec((rb, w1), lambda i: (i, 0)),
            pl.BlockSpec((h_dim, d), lambda i: (0, 0)),
            pl.BlockSpec((h_dim, d), lambda i: (0, 0)),
            pl.BlockSpec((1, h_dim), lambda i: (0, 0)),
        ],
        out_specs=[
            pl.BlockSpec((rb, h_dim), lambda i: (i, 0)),
            pl.BlockSpec((rb, 1), lambda i: (i, 0)),
        ],
        out_shape=[
            jax.ShapeDtypeStruct((n_pad, h_dim), jnp.float32),
            jax.ShapeDtypeStruct((n_pad, 1), jnp.float32),
        ],
    )(p1, p1, c1, c1, xp, W1l, W1r, b1.reshape(1, -1))

    seg2, n_pad2 = _make_sc_segsum(n, e, h_dim)
    assert n_pad2 == n_pad
    zeros2 = jnp.zeros((n_pad // NS, h_dim), jnp.float32)
    (p2,) = seg2(h, pk, zeros2)

    out = pl.pallas_call(
        _layer2_body,
        grid=(grid,),
        in_specs=[
            pl.BlockSpec((rb, h_dim), lambda i: (i, 0)),
            pl.BlockSpec((rb, h_dim), lambda i: (i + 8, 0)),
            pl.BlockSpec((rb, h_dim), lambda i: (i, 0)),
            pl.BlockSpec((rb, 1), lambda i: (i, 0)),
            pl.BlockSpec((h_dim, h_dim), lambda i: (0, 0)),
            pl.BlockSpec((h_dim, h_dim), lambda i: (0, 0)),
            pl.BlockSpec((1, h_dim), lambda i: (0, 0)),
            pl.BlockSpec((1, h_dim), lambda i: (0, 0)),
            pl.BlockSpec((1, 1), lambda i: (0, 0)),
        ],
        out_specs=pl.BlockSpec((rb, 1), lambda i: (i, 0)),
        out_shape=jax.ShapeDtypeStruct((n_pad, 1), jnp.float32),
    )(p2, p2, h, rcp, W2l, W2r, b2.reshape(1, -1), Wlin,
      blin.reshape(1, 1))
    return out[:n]

# --- scband reference (transcript-rebuilt; emitter-appended) ---
"""Pipeline reference for scband-gnn-81681688035648 (READ-ONLY COPY).

The authoritative reference and input builder live on the scoring server;
editing this copy changes nothing except your own understanding.
"""

import jax, jax.numpy as jnp
import numpy as np

N = 10000
E = 320000
D = 128
H = 128


def setup_inputs(seed: int = 0) -> dict:
    key = jax.random.key(seed)
    ks = jax.random.split(key, 12)
    x = jax.random.normal(ks[0], (N, D), dtype=jnp.float32)
    edge_index = jax.random.randint(ks[1], (2, E), 0, N, dtype=jnp.int32)
    # SAGEConv 1: lin_l (on aggregated neighbors), lin_r (root), bias
    s1 = 1.0 / np.sqrt(D)
    W1l = jax.random.uniform(ks[2], (H, D), minval=-s1, maxval=s1, dtype=jnp.float32)
    W1r = jax.random.uniform(ks[3], (H, D), minval=-s1, maxval=s1, dtype=jnp.float32)
    b1 = jnp.zeros((H,), dtype=jnp.float32)
    # SAGEConv 2
    s2 = 1.0 / np.sqrt(H)
    W2l = jax.random.uniform(ks[4], (H, H), minval=-s2, maxval=s2, dtype=jnp.float32)
    W2r = jax.random.uniform(ks[5], (H, H), minval=-s2, maxval=s2, dtype=jnp.float32)
    b2 = jnp.zeros((H,), dtype=jnp.float32)
    # Final Linear(-1, 1)
    Wlin = jax.random.uniform(ks[6], (1, H), minval=-s2, maxval=s2, dtype=jnp.float32)
    blin = jnp.zeros((1,), dtype=jnp.float32)
    return {"x": x, "edge_index": edge_index, "W1l": W1l, "W1r": W1r, "b1": b1,
            "W2l": W2l, "W2r": W2r, "b2": b2, "Wlin": Wlin, "blin": blin}


def _sage_conv(x, edge_index, Wl, Wr, b):
    # PyG SAGEConv with mean aggregation: out = lin_l(mean_j x_j) + lin_r(x_i) + b
    src = edge_index[0]
    dst = edge_index[1]
    msgs = jnp.take(x, src, axis=0)
    summed = jax.ops.segment_sum(msgs, dst, num_segments=N)
    counts = jax.ops.segment_sum(jnp.ones((msgs.shape[0], 1), dtype=x.dtype), dst, num_segments=N)
    mean = summed / jnp.maximum(counts, 1.0)
    return mean @ Wl.T + x @ Wr.T + b


def reference(x, edge_index, W1l, W1r, b1, W2l, W2r, b2, Wlin, blin):
    h = jax.nn.relu(_sage_conv(x, edge_index, W1l, W1r, b1))
    h = jax.nn.relu(_sage_conv(h, edge_index, W2l, W2r, b2))
    return h @ Wlin.T + blin

if __name__ == "__main__":
    import jax
    _d = setup_inputs()
    print(jax.jit(kernel)(*tuple(_d.values())))

</pallas_src>

<mosaic_0001>
#map = affine_map<(d0, d1) -> (0, 0)>
#map1 = affine_map<(d0, d1) -> (0)>
module attributes {stable_mosaic.version = 14 : i64} {
  func.func @body(%arg0: i32, %arg1: i32, %arg2: memref<10112x136xf32, #tpu.memory_space<hbm>>, %arg3: memref<320000xi32, #tpu.memory_space<hbm>>, %arg4: memref<632x136xf32, #tpu.memory_space<hbm>>, %arg5: memref<20224x128xf32, #tpu.memory_space<hbm>>, %arg6: memref<20224x8xf32, #tpu.memory_space<hbm>>, %arg7: memref<10000xi32, #tpu.memory_space<vmem>>, %arg8: memref<80xi32, #tpu.memory_space<vmem>>, %arg9: memref<80xi32, #tpu.memory_space<vmem>>, %arg10: memref<80xi32, #tpu.memory_space<vmem>>, %arg11: memref<80xi32, #tpu.memory_space<vmem>>, %arg12: memref<80xi32, #tpu.memory_space<vmem>>, %arg13: memref<80xi32, #tpu.memory_space<vmem>>, %arg14: memref<80x136xf32, #tpu.memory_space<vmem>>, %arg15: memref<80x136xf32, #tpu.memory_space<vmem>>, %arg16: memref<80x136xf32, #tpu.memory_space<vmem>>, %arg17: memref<10112x136xf32, #tpu.memory_space<vmem_shared>>, %arg18: memref<!tpu.dma_semaphore, #tpu.memory_space<semaphore_mem>>, %arg19: memref<!tpu.dma_semaphore, #tpu.memory_space<semaphore_mem>>) attributes {dimension_semantics = [#tpu.dimension_semantics<core_parallel>, #tpu.dimension_semantics<subcore_parallel>], iteration_bounds = array<i64: 2, 16>, scalar_prefetch = 0 : i64, scratch_operands = 13 : i64, tpu.core_type = #tpu.core_type<sc_vector_subcore>, window_params = [{transform_indices = #map}, {transform_indices = #map1}, {transform_indices = #map}, {transform_indices = #map}, {transform_indices = #map}]} {
    %mul3A = arith.constant 2 : i32
    %mul3A_0 = arith.muli %arg1, %mul3A : i32
    %add3A = arith.addi %mul3A_0, %arg0 : i32
    %mul3A_1 = arith.constant 632 : i32
    %mul3A_2 = arith.muli %arg1, %mul3A_1 : i32
    "tpu.region"() ({
      %run_scoped3A = tpu.sem_alloc : memref<!tpu.dma_semaphore, #tpu.memory_space<semaphore_mem>>
      %dma_start3A_409 = arith.constant 0 : i32
      %dma_start3A_410 = tpu.memref_slice %arg17[%mul3A_2, %dma_start3A_409] : memref<10112x136xf32, #tpu.memory_space<vmem_shared>> -> memref<632x136xf32, #tpu.memory_space<vmem_shared>>
      tpu.enqueue_dma source(%arg4 : memref<632x136xf32, #tpu.memory_space<hbm>>) target(%dma_start3A_410 : memref<632x136xf32, #tpu.memory_space<vmem_shared>>) target_semaphore(%run_scoped3A : memref<!tpu.dma_semaphore, #tpu.memory_space<semaphore_mem>>)
      %dma_wait3A_411 = arith.constant 0 : i32
      %dma_wait3A_412 = tpu.memref_slice %arg17[%mul3A_2, %dma_wait3A_411] : memref<10112x136xf32, #tpu.memory_space<vmem_shared>> -> memref<632x136xf32, #tpu.memory_space<vmem_shared>>
      tpu.wait_dma2 semaphore(%run_scoped3A : memref<!tpu.dma_semaphore, #tpu.memory_space<semaphore_mem>>) src(%arg4 : memref<632x136xf32, #tpu.memory_space<hbm>>) dst(%dma_wait3A_412 : memref<632x136xf32, #tpu.memory_space<vmem_shared>>)
      tpu.yield
    }) : () -> ()
    %mul3A_3 = arith.constant 10000 : i32
    %mul3A_4 = arith.muli %add3A, %mul3A_3 : i32
    "tpu.region"() ({
      %run_scoped3A = tpu.sem_alloc : memref<!tpu.dma_semaphore, #tpu.memory_space<semaphore_mem>>
      %dma_start3A_409 = tpu.memref_slice %arg3[%mul3A_4] : memref<320000xi32, #tpu.memory_space<hbm>> -> memref<10000xi32, #tpu.memory_space<hbm>>
      %dma_start3A_410 = tpu.memref_slice %arg3[%mul3A_4] : memref<320000xi32, #tpu.memory_space<hbm>> -> memref<10000xi32, #tpu.memory_space<hbm>>
      tpu.enqueue_dma source(%dma_start3A_410 : memref<10000xi32, #tpu.memory_space<hbm>>) target(%arg7 : memref<10000xi32, #tpu.memory_space<vmem>>) target_semaphore(%run_scoped3A : memref<!tpu.dma_semaphore, #tpu.memory_space<semaphore_mem>>)
      %dma_wait3A_411 = tpu.memref_slice %arg3[%mul3A_4] : memref<320000xi32, #tpu.memory_space<hbm>> -> memref<10000xi32, #tpu.memory_space<hbm>>
      %dma_wait3A_412 = tpu.memref_slice %arg3[%mul3A_4] : memref<320000xi32, #tpu.memory_space<hbm>> -> memref<10000xi32, #tpu.memory_space<hbm>>
      tpu.wait_dma2 semaphore(%run_scoped3A : memref<!tpu.dma_semaphore, #tpu.memory_space<semaphore_mem>>) src(%dma_wait3A_412 : memref<10000xi32, #tpu.memory_space<hbm>>) dst(%arg7 : memref<10000xi32, #tpu.memory_space<vmem>>)
      tpu.yield
    }) : () -> ()
    %barrier3A = arith.constant 0 : index
    tpu.barrier barrier_id(%barrier3A)
    %get3A = arith.constant 0 : index
    %get3A_5 = tpu.vector_load %arg7[%get3A] {strides = array<i32>} : memref<10000xi32, #tpu.memory_space<vmem>>, vector<16xi32>,
    %and3A = arith.constant 16383 : i32
    %and3A_6 = vector.broadcast %and3A : i32 to vector<16xi32>
    %and3A_7 = arith.andi %get3A_5, %and3A_6 : vector<16xi32>
    %swap3A = arith.constant 0 : index
    %swap3A_8 = tpu.vector_load %arg8[%swap3A] {strides = array<i32>} : memref<80xi32, #tpu.memory_space<vmem>>, vector<16xi32>,
    tpu.vector_store %arg8[%swap3A], %and3A_7 {strides = array<i32>} : memref<80xi32, #tpu.memory_space<vmem>>, vector<16xi32>,
    %shift_right_logical3A = arith.constant 14 : i32
    %shift_right_logical3A_9 = vector.broadcast %shift_right_logical3A : i32 to vector<16xi32>
    %shift_right_logical3A_10 = arith.shrui %get3A_5, %shift_right_logical3A_9 : vector<16xi32>
    %swap3A_11 = arith.constant 0 : index
    %swap3A_12 = tpu.vector_load %arg11[%swap3A_11] {strides = array<i32>} : memref<80xi32, #tpu.memory_space<vmem>>, vector<16xi32>,
    tpu.vector_store %arg11[%swap3A_11], %shift_right_logical3A_10 {strides = array<i32>} : memref<80xi32, #tpu.memory_space<vmem>>, vector<16xi32>,
    %get3A_13 = arith.constant 16 : index
    %get3A_14 = tpu.vector_load %arg7[%get3A_13] {strides = array<i32>} : memref<10000xi32, #tpu.memory_space<vmem>>, vector<16xi32>,
    %and3A_15 = arith.constant 16383 : i32
    %and3A_16 = vector.broadcast %and3A_15 : i32 to vector<16xi32>
    %and3A_17 = arith.andi %get3A_14, %and3A_16 : vector<16xi32>
    %swap3A_18 = arith.constant 16 : index
    %swap3A_19 = tpu.vector_load %arg8[%swap3A_18] {strides = array<i32>} : memref<80xi32, #tpu.memory_space<vmem>>, vector<16xi32>,
    tpu.vector_store %arg8[%swap3A_18], %and3A_17 {strides = array<i32>} : memref<80xi32, #tpu.memory_space<vmem>>, vector<16xi32>,
    %shift_right_logical3A_20 = arith.constant 14 : i32
    %shift_right_logical3A_21 = vector.broadcast %shift_right_logical3A_20 : i32 to vector<16xi32>
    %shift_right_logical3A_22 = arith.shrui %get3A_14, %shift_right_logical3A_21 : vector<16xi32>
    %swap3A_23 = arith.constant 16 : index
    %swap3A_24 = tpu.vector_load %arg11[%swap3A_23] {strides = array<i32>} : memref<80xi32, #tpu.memory_space<vmem>>, vector<16xi32>,
    tpu.vector_store %arg11[%swap3A_23], %shift_right_logical3A_22 {strides = array<i32>} : memref<80xi32, #tpu.memory_space<vmem>>, vector<16xi32>,
    %get3A_25 = arith.constant 32 : index
    %get3A_26 = tpu.vector_load %arg7[%get3A_25] {strides = array<i32>} : memref<10000xi32, #tpu.memory_space<vmem>>, vector<16xi32>,
    %and3A_27 = arith.constant 16383 : i32
    %and3A_28 = vector.broadcast %and3A_27 : i32 to vector<16xi32>
    %and3A_29 = arith.andi %get3A_26, %and3A_28 : vector<16xi32>
    %swap3A_30 = arith.constant 32 : index
    %swap3A_31 = tpu.vector_load %arg8[%swap3A_30] {strides = array<i32>} : memref<80xi32, #tpu.memory_space<vmem>>, vector<16xi32>,
    tpu.vector_store %arg8[%swap3A_30], %and3A_29 {strides = array<i32>} : memref<80xi32, #tpu.memory_space<vmem>>, vector<16xi32>,
    %shift_right_logical3A_32 = arith.constant 14 : i32
    %shift_right_logical3A_33 = vector.broadcast %shift_right_logical3A_32 : i32 to vector<16xi32>
    %shift_right_logical3A_34 = arith.shrui %get3A_26, %shift_right_logical3A_33 : vector<16xi32>
    %swap3A_35 = arith.constant 32 : index
    %swap3A_36 = tpu.vector_load %arg11[%swap3A_35] {strides = array<i32>} : memref<80xi32, #tpu.memory_space<vmem>>, vector<16xi32>,
    tpu.vector_store %arg11[%swap3A_35], %shift_right_logical3A_34 {strides = array<i32>} : memref<80xi32, #tpu.memory_space<vmem>>, vector<16xi32>,
    %get3A_37 = arith.constant 48 : index
    %get3A_38 = tpu.vector_load %arg7[%get3A_37] {strides = array<i32>} : memref<10000xi32, #tpu.memory_space<vmem>>, vector<16xi32>,
    %and3A_39 = arith.constant 16383 : i32
    %and3A_40 = vector.broadcast %and3A_39 : i32 to vector<16xi32>
    %and3A_41 = arith.andi %get3A_38, %and3A_40 : vector<16xi32>
    %swap3A_42 = arith.constant 48 : index
    %swap3A_43 = tpu.vector_load %arg8[%swap3A_42] {strides = array<i32>} : memref<80xi32, #tpu.memory_space<vmem>>, vector<16xi32>,
    tpu.vector_store %arg8[%swap3A_42], %and3A_41 {strides = array<i32>} : memref<80xi32, #tpu.memory_space<vmem>>, vector<16xi32>,
    %shift_right_logical3A_44 = arith.constant 14 : i32
    %shift_right_logical3A_45 = vector.broadcast %shift_right_logical3A_44 : i32 to vector<16xi32>
    %shift_right_logical3A_46 = arith.shrui %get3A_38, %shift_right_logical3A_45 : vector<16xi32>
    %swap3A_47 = arith.constant 48 : index
    %swap3A_48 = tpu.vector_load %arg11[%swap3A_47] {strides = array<i32>} : memref<80xi32, #tpu.memory_space<vmem>>, vector<16xi32>,
    tpu.vector_store %arg11[%swap3A_47], %shift_right_logical3A_46 {strides = array<i32>} : memref<80xi32, #tpu.memory_space<vmem>>, vector<16xi32>,
    %get3A_49 = arith.constant 64 : index
    %get3A_50 = tpu.vector_load %arg7[%get3A_49] {strides = array<i32>} : memref<10000xi32, #tpu.memory_space<vmem>>, vector<16xi32>,
    %and3A_51 = arith.constant 16383 : i32
    %and3A_52 = vector.broadcast %and3A_51 : i32 to vector<16xi32>
    %and3A_53 = arith.andi %get3A_50, %and3A_52 : vector<16xi32>
    %swap3A_54 = arith.constant 64 : index
    %swap3A_55 = tpu.vector_load %arg8[%swap3A_54] {strides = array<i32>} : memref<80xi32, #tpu.memory_space<vmem>>, vector<16xi32>,
    tpu.vector_store %arg8[%swap3A_54], %and3A_53 {strides = array<i32>} : memref<80xi32, #tpu.memory_space<vmem>>, vector<16xi32>,
    %shift_right_logical3A_56 = arith.constant 14 : i32
    %shift_right_logical3A_57 = vector.broadcast %shift_right_logical3A_56 : i32 to vector<16xi32>
    %shift_right_logical3A_58 = arith.shrui %get3A_50, %shift_right_logical3A_57 : vector<16xi32>
    %swap3A_59 = arith.constant 64 : index
    %swap3A_60 = tpu.vector_load %arg11[%swap3A_59] {strides = array<i32>} : memref<80xi32, #tpu.memory_space<vmem>>, vector<16xi32>,
    tpu.vector_store %arg11[%swap3A_59], %shift_right_logical3A_58 {strides = array<i32>} : memref<80xi32, #tpu.memory_space<vmem>>, vector<16xi32>,
    %dma_start3A = arith.constant 0 : i32
    %dma_start3A_61 = arith.constant 0 : i32
    %dma_start3A_62 = tpu.memref_slice %arg2[%dma_start3A, %dma_start3A_61] : memref<10112x136xf32, #tpu.memory_space<hbm>> -> memref<10112x136xf32, #tpu.memory_space<hbm>>
    tpu.enqueue_indirect_dma source(%dma_start3A_62 : memref<10112x136xf32, #tpu.memory_space<hbm>>) target(%arg14 : memref<80x136xf32, #tpu.memory_space<vmem>>) offsets(%arg8 : memref<80xi32, #tpu.memory_space<vmem>>) semaphore(%arg18 : memref<!tpu.dma_semaphore, #tpu.memory_space<semaphore_mem>>)
    %get3A_63 = arith.constant 80 : index
    %get3A_64 = tpu.vector_load %arg7[%get3A_63] {strides = array<i32>} : memref<10000xi32, #tpu.memory_space<vmem>>, vector<16xi32>,
    %and3A_65 = arith.constant 16383 : i32
    %and3A_66 = vector.broadcast %and3A_65 : i32 to vector<16xi32>
    %and3A_67 = arith.andi %get3A_64, %and3A_66 : vector<16xi32>
    %swap3A_68 = arith.constant 0 : index
    %swap3A_69 = tpu.vector_load %arg9[%swap3A_68] {strides = array<i32>} : memref<80xi32, #tpu.memory_space<vmem>>, vector<16xi32>,
    tpu.vector_store %arg9[%swap3A_68], %and3A_67 {strides = array<i32>} : memref<80xi32, #tpu.memory_space<vmem>>, vector<16xi32>,
    %shift_right_logical3A_70 = arith.constant 14 : i32
    %shift_right_logical3A_71 = vector.broadcast %shift_right_logical3A_70 : i32 to vector<16xi32>
    %shift_right_logical3A_72 = arith.shrui %get3A_64, %shift_right_logical3A_71 : vector<16xi32>
    %swap3A_73 = arith.constant 0 : index
    %swap3A_74 = tpu.vector_load %arg12[%swap3A_73] {strides = array<i32>} : memref<80xi32, #tpu.memory_space<vmem>>, vector<16xi32>,
    tpu.vector_store %arg12[%swap3A_73], %shift_right_logical3A_72 {strides = array<i32>} : memref<80xi32, #tpu.memory_space<vmem>>, vector<16xi32>,
    %get3A_75 = arith.constant 96 : index
    %get3A_76 = tpu.vector_load %arg7[%get3A_75] {strides = array<i32>} : memref<10000xi32, #tpu.memory_space<vmem>>, vector<16xi32>,
    %and3A_77 = arith.constant 16383 : i32
    %and3A_78 = vector.broadcast %and3A_77 : i32 to vector<16xi32>
    %and3A_79 = arith.andi %get3A_76, %and3A_78 : vector<16xi32>
    %swap3A_80 = arith.constant 16 : index
    %swap3A_81 = tpu.vector_load %arg9[%swap3A_80] {strides = array<i32>} : memref<80xi32, #tpu.memory_space<vmem>>, vector<16xi32>,
    tpu.vector_store %arg9[%swap3A_80], %and3A_79 {strides = array<i32>} : memref<80xi32, #tpu.memory_space<vmem>>, vector<16xi32>,
    %shift_right_logical3A_82 = arith.constant 14 : i32
    %shift_right_logical3A_83 = vector.broadcast %shift_right_logical3A_82 : i32 to vector<16xi32>
    %shift_right_logical3A_84 = arith.shrui %get3A_76, %shift_right_logical3A_83 : vector<16xi32>
    %swap3A_85 = arith.constant 16 : index
    %swap3A_86 = tpu.vector_load %arg12[%swap3A_85] {strides = array<i32>} : memref<80xi32, #tpu.memory_space<vmem>>, vector<16xi32>,
    tpu.vector_store %arg12[%swap3A_85], %shift_right_logical3A_84 {strides = array<i32>} : memref<80xi32, #tpu.memory_space<vmem>>, vector<16xi32>,
    %get3A_87 = arith.constant 112 : index
    %get3A_88 = tpu.vector_load %arg7[%get3A_87] {strides = array<i32>} : memref<10000xi32, #tpu.memory_space<vmem>>, vector<16xi32>,
    %and3A_89 = arith.constant 16383 : i32
    %and3A_90 = vector.broadcast %and3A_89 : i32 to vector<16xi32>
    %and3A_91 = arith.andi %get3A_88, %and3A_90 : vector<16xi32>
    %swap3A_92 = arith.constant 32 : index
    %swap3A_93 = tpu.vector_load %arg9[%swap3A_92] {strides = array<i32>} : memref<80xi32, #tpu.memory_space<vmem>>, vector<16xi32>,
    tpu.vector_store %arg9[%swap3A_92], %and3A_91 {strides = array<i32>} : memref<80xi32, #tpu.memory_space<vmem>>, vector<16xi32>,
    %shift_right_logical3A_94 = arith.constant 14 : i32
    %shift_right_logical3A_95 = vector.broadcast %shift_right_logical3A_94 : i32 to vector<16xi32>
    %shift_right_logical3A_96 = arith.shrui %get3A_88, %shift_right_logical3A_95 : vector<16xi32>
    %swap3A_97 = arith.constant 32 : index
    %swap3A_98 = tpu.vector_load %arg12[%swap3A_97] {strides = array<i32>} : memref<80xi32, #tpu.memory_space<vmem>>, vector<16xi32>,
    tpu.vector_store %arg12[%swap3A_97], %shift_right_logical3A_96 {strides = array<i32>} : memref<80xi32, #tpu.memory_space<vmem>>, vector<16xi32>,
    %get3A_99 = arith.constant 128 : index
    %get3A_100 = tpu.vector_load %arg7[%get3A_99] {strides = array<i32>} : memref<10000xi32, #tpu.memory_space<vmem>>, vector<16xi32>,
    %and3A_101 = arith.constant 16383 : i32
    %and3A_102 = vector.broadcast %and3A_101 : i32 to vector<16xi32>
    %and3A_103 = arith.andi %get3A_100, %and3A_102 : vector<16xi32>
    %swap3A_104 = arith.constant 48 : index
    %swap3A_105 = tpu.vector_load %arg9[%swap3A_104] {strides = array<i32>} : memref<80xi32, #tpu.memory_space<vmem>>, vector<16xi32>,
    tpu.vector_store %arg9[%swap3A_104], %and3A_103 {strides = array<i32>} : memref<80xi32, #tpu.memory_space<vmem>>, vector<16xi32>,
    %shift_right_logical3A_106 = arith.constant 14 : i32
    %shift_right_logical3A_107 = vector.broadcast %shift_right_logical3A_106 : i32 to vector<16xi32>
    %shift_right_logical3A_108 = arith.shrui %get3A_100, %shift_right_logical3A_107 : vector<16xi32>
    %swap3A_109 = arith.constant 48 : index
    %swap3A_110 = tpu.vector_load %arg12[%swap3A_109] {strides = array<i32>} : memref<80xi32, #tpu.memory_space<vmem>>, vector<16xi32>,
    tpu.vector_store %arg12[%swap3A_109], %shift_right_logical3A_108 {strides = array<i32>} : memref<80xi32, #tpu.memory_space<vmem>>, vector<16xi32>,
    %get3A_111 = arith.constant 144 : index
    %get3A_112 = tpu.vector_load %arg7[%get3A_111] {strides = array<i32>} : memref<10000xi32, #tpu.memory_space<vmem>>, vector<16xi32>,
    %and3A_113 = arith.constant 16383 : i32
    %and3A_114 = vector.broadcast %and3A_113 : i32 to vector<16xi32>
    %and3A_115 = arith.andi %get3A_112, %and3A_114 : vector<16xi32>
    %swap3A_116 = arith.constant 64 : index
    %swap3A_117 = tpu.vector_load %arg9[%swap3A_116] {strides = array<i32>} : memref<80xi32, #tpu.memory_space<vmem>>, vector<16xi32>,
    tpu.vector_store %arg9[%swap3A_116], %and3A_115 {strides = array<i32>} : memref<80xi32, #tpu.memory_space<vmem>>, vector<16xi32>,
    %shift_right_logical3A_118 = arith.constant 14 : i32
    %shift_right_logical3A_119 = vector.broadcast %shift_right_logical3A_118 : i32 to vector<16xi32>
    %shift_right_logical3A_120 = arith.shrui %get3A_112, %shift_right_logical3A_119 : vector<16xi32>
    %swap3A_121 = arith.constant 64 : index
    %swap3A_122 = tpu.vector_load %arg12[%swap3A_121] {strides = array<i32>} : memref<80xi32, #tpu.memory_space<vmem>>, vector<16xi32>,
    tpu.vector_store %arg12[%swap3A_121], %shift_right_logical3A_120 {strides = array<i32>} : memref<80xi32, #tpu.memory_space<vmem>>, vector<16xi32>,
    %dma_start3A_123 = arith.constant 0 : i32
    %dma_start3A_124 = arith.constant 0 : i32
    %dma_start3A_125 = tpu.memref_slice %arg2[%dma_start3A_123, %dma_start3A_124] : memref<10112x136xf32, #tpu.memory_space<hbm>> -> memref<10112x136xf32, #tpu.memory_space<hbm>>
    tpu.enqueue_indirect_dma source(%dma_start3A_125 : memref<10112x136xf32, #tpu.memory_space<hbm>>) target(%arg15 : memref<80x136xf32, #tpu.memory_space<vmem>>) offsets(%arg9 : memref<80xi32, #tpu.memory_space<vmem>>) semaphore(%arg18 : memref<!tpu.dma_semaphore, #tpu.memory_space<semaphore_mem>>)
    %dma_wait3A = arith.constant 0 : i32
    %dma_wait3A_126 = arith.constant 0 : i32
    %dma_wait3A_127 = tpu.memref_slice %arg2[%dma_wait3A, %dma_wait3A_126] : memref<10112x136xf32, #tpu.memory_space<hbm>> -> memref<80x136xf32, #tpu.memory_space<hbm>>
    %dma_wait3A_128 = arith.constant 0 : i32
    %dma_wait3A_129 = arith.constant 0 : i32
    %dma_wait3A_130 = tpu.memref_slice %arg2[%dma_wait3A_128, %dma_wait3A_129] : memref<10112x136xf32, #tpu.memory_space<hbm>> -> memref<80x136xf32, #tpu.memory_space<hbm>>
    tpu.wait_dma2 semaphore(%arg18 : memref<!tpu.dma_semaphore, #tpu.memory_space<semaphore_mem>>) src(%dma_wait3A_130 : memref<80x136xf32, #tpu.memory_space<hbm>>) dst(%arg14 : memref<80x136xf32, #tpu.memory_space<vmem>>)
    %dma_start3A_131 = arith.constant 0 : i32
    %dma_start3A_132 = arith.constant 0 : i32
    %dma_start3A_133 = tpu.memref_slice %arg17[%dma_start3A_131, %dma_start3A_132] : memref<10112x136xf32, #tpu.memory_space<vmem_shared>> -> memref<10112x136xf32, #tpu.memory_space<vmem_shared>>
    tpu.enqueue_indirect_dma source(%arg14 : memref<80x136xf32, #tpu.memory_space<vmem>>) target(%dma_start3A_133 : memref<10112x136xf32, #tpu.memory_space<vmem_shared>>) offsets(%arg11 : memref<80xi32, #tpu.memory_space<vmem>>) semaphore(%arg19 : memref<!tpu.dma_semaphore, #tpu.memory_space<semaphore_mem>>) {add = true}
    %get3A_134 = arith.constant 160 : index
    %get3A_135 = tpu.vector_load %arg7[%get3A_134] {strides = array<i32>} : memref<10000xi32, #tpu.memory_space<vmem>>, vector<16xi32>,
    %and3A_136 = arith.constant 16383 : i32
    %and3A_137 = vector.broadcast %and3A_136 : i32 to vector<16xi32>
    %and3A_138 = arith.andi %get3A_135, %and3A_137 : vector<16xi32>
    %swap3A_139 = arith.constant 0 : index
    %swap3A_140 = tpu.vector_load %arg10[%swap3A_139] {strides = array<i32>} : memref<80xi32, #tpu.memory_space<vmem>>, vector<16xi32>,
    tpu.vector_store %arg10[%swap3A_139], %and3A_138 {strides = array<i32>} : memref<80xi32, #tpu.memory_space<vmem>>, vector<16xi32>,
    %shift_right_logical3A_141 = arith.constant 14 : i32
    %shift_right_logical3A_142 = vector.broadcast %shift_right_logical3A_141 : i32 to vector<16xi32>
    %shift_right_logical3A_143 = arith.shrui %get3A_135, %shift_right_logical3A_142 : vector<16xi32>
    %swap3A_144 = arith.constant 0 : index
    %swap3A_145 = tpu.vector_load %arg13[%swap3A_144] {strides = array<i32>} : memref<80xi32, #tpu.memory_space<vmem>>, vector<16xi32>,
    tpu.vector_store %arg13[%swap3A_144], %shift_right_logical3A_143 {strides = array<i32>} : memref<80xi32, #tpu.memory_space<vmem>>, vector<16xi32>,
    %get3A_146 = arith.constant 176 : index
    %get3A_147 = tpu.vector_load %arg7[%get3A_146] {strides = array<i32>} : memref<10000xi32, #tpu.memory_space<vmem>>, vector<16xi32>,
    %and3A_148 = arith.constant 16383 : i32
    %and3A_149 = vector.broadcast %and3A_148 : i32 to vector<16xi32>
    %and3A_150 = arith.andi %get3A_147, %and3A_149 : vector<16xi32>
    %swap3A_151 = arith.constant 16 : index
    %swap3A_152 = tpu.vector_load %arg10[%swap3A_151] {strides = array<i32>} : memref<80xi32, #tpu.memory_space<vmem>>, vector<16xi32>,
    tpu.vector_store %arg10[%swap3A_151], %and3A_150 {strides = array<i32>} : memref<80xi32, #tpu.memory_space<vmem>>, vector<16xi32>,
    %shift_right_logical3A_153 = arith.constant 14 : i32
    %shift_right_logical3A_154 = vector.broadcast %shift_right_logical3A_153 : i32 to vector<16xi32>
    %shift_right_logical3A_155 = arith.shrui %get3A_147, %shift_right_logical3A_154 : vector<16xi32>
    %swap3A_156 = arith.constant 16 : index
    %swap3A_157 = tpu.vector_load %arg13[%swap3A_156] {strides = array<i32>} : memref<80xi32, #tpu.memory_space<vmem>>, vector<16xi32>,
    tpu.vector_store %arg13[%swap3A_156], %shift_right_logical3A_155 {strides = array<i32>} : memref<80xi32, #tpu.memory_space<vmem>>, vector<16xi32>,
    %get3A_158 = arith.constant 192 : index
    %get3A_159 = tpu.vector_load %arg7[%get3A_158] {strides = array<i32>} : memref<10000xi32, #tpu.memory_space<vmem>>, vector<16xi32>,
    %and3A_160 = arith.constant 16383 : i32
    %and3A_161 = vector.broadcast %and3A_160 : i32 to vector<16xi32>
    %and3A_162 = arith.andi %get3A_159, %and3A_161 : vector<16xi32>
    %swap3A_163 = arith.constant 32 : index
    %swap3A_164 = tpu.vector_load %arg10[%swap3A_163] {strides = array<i32>} : memref<80xi32, #tpu.memory_space<vmem>>, vector<16xi32>,
    tpu.vector_store %arg10[%swap3A_163], %and3A_162 {strides = array<i32>} : memref<80xi32, #tpu.memory_space<vmem>>, vector<16xi32>,
    %shift_right_logical3A_165 = arith.constant 14 : i32
    %shift_right_logical3A_166 = vector.broadcast %shift_right_logical3A_165 : i32 to vector<16xi32>
    %shift_right_logical3A_167 = arith.shrui %get3A_159, %shift_right_logical3A_166 : vector<16xi32>
    %swap3A_168 = arith.constant 32 : index
    %swap3A_169 = tpu.vector_load %arg13[%swap3A_168] {strides = array<i32>} : memref<80xi32, #tpu.memory_space<vmem>>, vector<16xi32>,
    tpu.vector_store %arg13[%swap3A_168], %shift_right_logical3A_167 {strides = array<i32>} : memref<80xi32, #tpu.memory_space<vmem>>, vector<16xi32>,
    %get3A_170 = arith.constant 208 : index
    %get3A_171 = tpu.vector_load %arg7[%get3A_170] {strides = array<i32>} : memref<10000xi32, #tpu.memory_space<vmem>>, vector<16xi32>,
    %and3A_172 = arith.constant 16383 : i32
    %and3A_173 = vector.broadcast %and3A_172 : i32 to vector<16xi32>
    %and3A_174 = arith.andi %get3A_171, %and3A_173 : vector<16xi32>
    %swap3A_175 = arith.constant 48 : index
    %swap3A_176 = tpu.vector_load %arg10[%swap3A_175] {strides = array<i32>} : memref<80xi32, #tpu.memory_space<vmem>>, vector<16xi32>,
    tpu.vector_store %arg10[%swap3A_175], %and3A_174 {strides = array<i32>} : memref<80xi32, #tpu.memory_space<vmem>>, vector<16xi32>,
    %shift_right_logical3A_177 = arith.constant 14 : i32
    %shift_right_logical3A_178 = vector.broadcast %shift_right_logical3A_177 : i32 to vector<16xi32>
    %shift_right_logical3A_179 = arith.shrui %get3A_171, %shift_right_logical3A_178 : vector<16xi32>
    %swap3A_180 = arith.constant 48 : index
    %swap3A_181 = tpu.vector_load %arg13[%swap3A_180] {strides = array<i32>} : memref<80xi32, #tpu.memory_space<vmem>>, vector<16xi32>,
    tpu.vector_store %arg13[%swap3A_180], %shift_right_logical3A_179 {strides = array<i32>} : memref<80xi32, #tpu.memory_space<vmem>>, vector<16xi32>,
    %get3A_182 = arith.constant 224 : index
    %get3A_183 = tpu.vector_load %arg7[%get3A_182] {strides = array<i32>} : memref<10000xi32, #tpu.memory_space<vmem>>, vector<16xi32>,
    %and3A_184 = arith.constant 16383 : i32
    %and3A_185 = vector.broadcast %and3A_184 : i32 to vector<16xi32>
    %and3A_186 = arith.andi %get3A_183, %and3A_185 : vector<16xi32>
    %swap3A_187 = arith.constant 64 : index
    %swap3A_188 = tpu.vector_load %arg10[%swap3A_187] {strides = array<i32>} : memref<80xi32, #tpu.memory_space<vmem>>, vector<16xi32>,
    tpu.vector_store %arg10[%swap3A_187], %and3A_186 {strides = array<i32>} : memref<80xi32, #tpu.memory_space<vmem>>, vector<16xi32>,
    %shift_right_logical3A_189 = arith.constant 14 : i32
    %shift_right_logical3A_190 = vector.broadcast %shift_right_logical3A_189 : i32 to vector<16xi32>
    %shift_right_logical3A_191 = arith.shrui %get3A_183, %shift_right_logical3A_190 : vector<16xi32>
    %swap3A_192 = arith.constant 64 : index
    %swap3A_193 = tpu.vector_load %arg13[%swap3A_192] {strides = array<i32>} : memref<80xi32, #tpu.memory_space<vmem>>, vector<16xi32>,
    tpu.vector_store %arg13[%swap3A_192], %shift_right_logical3A_191 {strides = array<i32>} : memref<80xi32, #tpu.memory_space<vmem>>, vector<16xi32>,
    %dma_start3A_194 = arith.constant 0 : i32
    %dma_start3A_195 = arith.constant 0 : i32
    %dma_start3A_196 = tpu.memref_slice %arg2[%dma_start3A_194, %dma_start3A_195] : memref<10112x136xf32, #tpu.memory_space<hbm>> -> memref<10112x136xf32, #tpu.memory_space<hbm>>
    tpu.enqueue_indirect_dma source(%dma_start3A_196 : memref<10112x136xf32, #tpu.memory_space<hbm>>) target(%arg16 : memref<80x136xf32, #tpu.memory_space<vmem>>) offsets(%arg10 : memref<80xi32, #tpu.memory_space<vmem>>) semaphore(%arg18 : memref<!tpu.dma_semaphore, #tpu.memory_space<semaphore_mem>>)
    %dma_wait3A_197 = arith.constant 0 : i32
    %dma_wait3A_198 = arith.constant 0 : i32
    %dma_wait3A_199 = tpu.memref_slice %arg2[%dma_wait3A_197, %dma_wait3A_198] : memref<10112x136xf32, #tpu.memory_space<hbm>> -> memref<80x136xf32, #tpu.memory_space<hbm>>
    %dma_wait3A_200 = arith.constant 0 : i32
    %dma_wait3A_201 = arith.constant 0 : i32
    %dma_wait3A_202 = tpu.memref_slice %arg2[%dma_wait3A_200, %dma_wait3A_201] : memref<10112x136xf32, #tpu.memory_space<hbm>> -> memref<80x136xf32, #tpu.memory_space<hbm>>
    tpu.wait_dma2 semaphore(%arg18 : memref<!tpu.dma_semaphore, #tpu.memory_space<semaphore_mem>>) src(%dma_wait3A_202 : memref<80x136xf32, #tpu.memory_space<hbm>>) dst(%arg15 : memref<80x136xf32, #tpu.memory_space<vmem>>)
    %dma_start3A_203 = arith.constant 0 : i32
    %dma_start3A_204 = arith.constant 0 : i32
    %dma_start3A_205 = tpu.memref_slice %arg17[%dma_start3A_203, %dma_start3A_204] : memref<10112x136xf32, #tpu.memory_space<vmem_shared>> -> memref<10112x136xf32, #tpu.memory_space<vmem_shared>>
    tpu.enqueue_indirect_dma source(%arg15 : memref<80x136xf32, #tpu.memory_space<vmem>>) target(%dma_start3A_205 : memref<10112x136xf32, #tpu.memory_space<vmem_shared>>) offsets(%arg12 : memref<80xi32, #tpu.memory_space<vmem>>) semaphore(%arg19 : memref<!tpu.dma_semaphore, #tpu.memory_space<semaphore_mem>>) {add = true}
    %scan3A = arith.constant 0 : i32
    %scan3A_206 = arith.constant 1 : i32
    %scan3A_207 = arith.constant 40 : i32
    %scan3A_208 = arith.addi %scan3A_206, %scan3A_207 : i32
    %scan3A_209 = arith.constant 1 : i32
    scf.for %scan3A_409 = %scan3A_206 to %scan3A_208 step %scan3A_209  : i32 {
      %mul3A_410 = arith.constant 3 : i32
      %mul3A_411 = arith.muli %mul3A_410, %scan3A_409 : i32
      %add3A_412 = arith.constant 0 : i32
      %add3A_413 = arith.addi %mul3A_411, %add3A_412 : i32
      %dma_wait3A_414 = arith.constant 0 : i32
      %dma_wait3A_415 = arith.constant 0 : i32
      %dma_wait3A_416 = tpu.memref_slice %arg2[%dma_wait3A_414, %dma_wait3A_415] : memref<10112x136xf32, #tpu.memory_space<hbm>> -> memref<80x136xf32, #tpu.memory_space<hbm>>
      %dma_wait3A_417 = arith.constant 0 : i32
      %dma_wait3A_418 = arith.constant 0 : i32
      %dma_wait3A_419 = tpu.memref_slice %arg2[%dma_wait3A_417, %dma_wait3A_418] : memref<10112x136xf32, #tpu.memory_space<hbm>> -> memref<80x136xf32, #tpu.memory_space<hbm>>
      tpu.wait_dma2 semaphore(%arg19 : memref<!tpu.dma_semaphore, #tpu.memory_space<semaphore_mem>>) src(%dma_wait3A_419 : memref<80x136xf32, #tpu.memory_space<hbm>>) dst(%arg14 : memref<80x136xf32, #tpu.memory_space<vmem>>)
      %mul3A_420 = arith.constant 80 : i32
      %mul3A_421 = arith.muli %add3A_413, %mul3A_420 : i32
      %add3A_422 = arith.constant 0 : i32
      %add3A_423 = arith.addi %mul3A_421, %add3A_422 : i32
      %get3A_424 = arith.index_cast %add3A_423 : i32 to index
      %get3A_425 = tpu.vector_load %arg7[%get3A_424] {strides = array<i32>} : memref<10000xi32, #tpu.memory_space<vmem>>, vector<16xi32>,
      %and3A_426 = arith.constant 16383 : i32
      %and3A_427 = vector.broadcast %and3A_426 : i32 to vector<16xi32>
      %and3A_428 = arith.andi %get3A_425, %and3A_427 : vector<16xi32>
      %swap3A_429 = arith.constant 0 : index
      %swap3A_430 = tpu.vector_load %arg8[%swap3A_429] {strides = array<i32>} : memref<80xi32, #tpu.memory_space<vmem>>, vector<16xi32>,
      tpu.vector_store %arg8[%swap3A_429], %and3A_428 {strides = array<i32>} : memref<80xi32, #tpu.memory_space<vmem>>, vector<16xi32>,
      %shift_right_logical3A_431 = arith.constant 14 : i32
      %shift_right_logical3A_432 = vector.broadcast %shift_right_logical3A_431 : i32 to vector<16xi32>
      %shift_right_logical3A_433 = arith.shrui %get3A_425, %shift_right_logical3A_432 : vector<16xi32>
      %swap3A_434 = arith.constant 0 : index
      %swap3A_435 = tpu.vector_load %arg11[%swap3A_434] {strides = array<i32>} : memref<80xi32, #tpu.memory_space<vmem>>, vector<16xi32>,
      tpu.vector_store %arg11[%swap3A_434], %shift_right_logical3A_433 {strides = array<i32>} : memref<80xi32, #tpu.memory_space<vmem>>, vector<16xi32>,
      %add3A_436 = arith.constant 16 : i32
      %add3A_437 = arith.addi %mul3A_421, %add3A_436 : i32
      %get3A_438 = arith.index_cast %add3A_437 : i32 to index
      %get3A_439 = tpu.vector_load %arg7[%get3A_438] {strides = array<i32>} : memref<10000xi32, #tpu.memory_space<vmem>>, vector<16xi32>,
      %and3A_440 = arith.constant 16383 : i32
      %and3A_441 = vector.broadcast %and3A_440 : i32 to vector<16xi32>
      %and3A_442 = arith.andi %get3A_439, %and3A_441 : vector<16xi32>
      %swap3A_443 = arith.constant 16 : index
      %swap3A_444 = tpu.vector_load %arg8[%swap3A_443] {strides = array<i32>} : memref<80xi32, #tpu.memory_space<vmem>>, vector<16xi32>,
      tpu.vector_store %arg8[%swap3A_443], %and3A_442 {strides = array<i32>} : memref<80xi32, #tpu.memory_space<vmem>>, vector<16xi32>,
      %shift_right_logical3A_445 = arith.constant 14 : i32
      %shift_right_logical3A_446 = vector.broadcast %shift_right_logical3A_445 : i32 to vector<16xi32>
      %shift_right_logical3A_447 = arith.shrui %get3A_439, %shift_right_logical3A_446 : vector<16xi32>
      %swap3A_448 = arith.constant 16 : index
      %swap3A_449 = tpu.vector_load %arg11[%swap3A_448] {strides = array<i32>} : memref<80xi32, #tpu.memory_space<vmem>>, vector<16xi32>,
      tpu.vector_store %arg11[%swap3A_448], %shift_right_logical3A_447 {strides = array<i32>} : memref<80xi32, #tpu.memory_space<vmem>>, vector<16xi32>,
      %add3A_450 = arith.constant 32 : i32
      %add3A_451 = arith.addi %mul3A_421, %add3A_450 : i32
      %get3A_452 = arith.index_cast %add3A_451 : i32 to index
      %get3A_453 = tpu.vector_load %arg7[%get3A_452] {strides = array<i32>} : memref<10000xi32, #tpu.memory_space<vmem>>, vector<16xi32>,
      %and3A_454 = arith.constant 16383 : i32
      %and3A_455 = vector.broadcast %and3A_454 : i32 to vector<16xi32>
      %and3A_456 = arith.andi %get3A_453, %and3A_455 : vector<16xi32>
      %swap3A_457 = arith.constant 32 : index
      %swap3A_458 = tpu.vector_load %arg8[%swap3A_457] {strides = array<i32>} : memref<80xi32, #tpu.memory_space<vmem>>, vector<16xi32>,
      tpu.vector_store %arg8[%swap3A_457], %and3A_456 {strides = array<i32>} : memref<80xi32, #tpu.memory_space<vmem>>, vector<16xi32>,
      %shift_right_logical3A_459 = arith.constant 14 : i32
      %shift_right_logical3A_460 = vector.broadcast %shift_right_logical3A_459 : i32 to vector<16xi32>
      %shift_right_logical3A_461 = arith.shrui %get3A_453, %shift_right_logical3A_460 : vector<16xi32>
      %swap3A_462 = arith.constant 32 : index
      %swap3A_463 = tpu.vector_load %arg11[%swap3A_462] {strides = array<i32>} : memref<80xi32, #tpu.memory_space<vmem>>, vector<16xi32>,
      tpu.vector_store %arg11[%swap3A_462], %shift_right_logical3A_461 {strides = array<i32>} : memref<80xi32, #tpu.memory_space<vmem>>, vector<16xi32>,
      %add3A_464 = arith.constant 48 : i32
      %add3A_465 = arith.addi %mul3A_421, %add3A_464 : i32
      %get3A_466 = arith.index_cast %add3A_465 : i32 to index
      %get3A_467 = tpu.vector_load %arg7[%get3A_466] {strides = array<i32>} : memref<10000xi32, #tpu.memory_space<vmem>>, vector<16xi32>,
      %and3A_468 = arith.constant 16383 : i32
      %and3A_469 = vector.broadcast %and3A_468 : i32 to vector<16xi32>
      %and3A_470 = arith.andi %get3A_467, %and3A_469 : vector<16xi32>
      %swap3A_471 = arith.constant 48 : index
      %swap3A_472 = tpu.vector_load %arg8[%swap3A_471] {strides = array<i32>} : memref<80xi32, #tpu.memory_space<vmem>>, vector<16xi32>,
      tpu.vector_store %arg8[%swap3A_471], %and3A_470 {strides = array<i32>} : memref<80xi32, #tpu.memory_space<vmem>>, vector<16xi32>,
      %shift_right_logical3A_473 = arith.constant 14 : i32
      %shift_right_logical3A_474 = vector.broadcast %shift_right_logical3A_473 : i32 to vector<16xi32>
      %shift_right_logical3A_475 = arith.shrui %get3A_467, %shift_right_logical3A_474 : vector<16xi32>
      %swap3A_476 = arith.constant 48 : index
      %swap3A_477 = tpu.vector_load %arg11[%swap3A_476] {strides = array<i32>} : memref<80xi32, #tpu.memory_space<vmem>>, vector<16xi32>,
      tpu.vector_store %arg11[%swap3A_476], %shift_right_logical3A_475 {strides = array<i32>} : memref<80xi32, #tpu.memory_space<vmem>>, vector<16xi32>,
      %add3A_478 = arith.constant 64 : i32
      %add3A_479 = arith.addi %mul3A_421, %add3A_478 : i32
      %get3A_480 = arith.index_cast %add3A_479 : i32 to index
      %get3A_481 = tpu.vector_load %arg7[%get3A_480] {strides = array<i32>} : memref<10000xi32, #tpu.memory_space<vmem>>, vector<16xi32>,
      %and3A_482 = arith.constant 16383 : i32
      %and3A_483 = vector.broadcast %and3A_482 : i32 to vector<16xi32>
      %and3A_484 = arith.andi %get3A_481, %and3A_483 : vector<16xi32>
      %swap3A_485 = arith.constant 64 : index
      %swap3A_486 = tpu.vector_load %arg8[%swap3A_485] {strides = array<i32>} : memref<80xi32, #tpu.memory_space<vmem>>, vector<16xi32>,
      tpu.vector_store %arg8[%swap3A_485], %and3A_484 {strides = array<i32>} : memref<80xi32, #tpu.memory_space<vmem>>, vector<16xi32>,
      %shift_right_logical3A_487 = arith.constant 14 : i32
      %shift_right_logical3A_488 = vector.broadcast %shift_right_logical3A_487 : i32 to vector<16xi32>
      %shift_right_logical3A_489 = arith.shrui %get3A_481, %shift_right_logical3A_488 : vector<16xi32>
      %swap3A_490 = arith.constant 64 : index
      %swap3A_491 = tpu.vector_load %arg11[%swap3A_490] {strides = array<i32>} : memref<80xi32, #tpu.memory_space<vmem>>, vector<16xi32>,
      tpu.vector_store %arg11[%swap3A_490], %shift_right_logical3A_489 {strides = array<i32>} : memref<80xi32, #tpu.memory_space<vmem>>, vector<16xi32>,
      %dma_start3A_492 = arith.constant 0 : i32
      %dma_start3A_493 = arith.constant 0 : i32
      %dma_start3A_494 = tpu.memref_slice %arg2[%dma_start3A_492, %dma_start3A_493] : memref<10112x136xf32, #tpu.memory_space<hbm>> -> memref<10112x136xf32, #tpu.memory_space<hbm>>
      tpu.enqueue_indirect_dma source(%dma_start3A_494 : memref<10112x136xf32, #tpu.memory_space<hbm>>) target(%arg14 : memref<80x136xf32, #tpu.memory_space<vmem>>) offsets(%arg8 : memref<80xi32, #tpu.memory_space<vmem>>) semaphore(%arg18 : memref<!tpu.dma_semaphore, #tpu.memory_space<semaphore_mem>>)
      %dma_wait3A_495 = arith.constant 0 : i32
      %dma_wait3A_496 = arith.constant 0 : i32
      %dma_wait3A_497 = tpu.memref_slice %arg2[%dma_wait3A_495, %dma_wait3A_496] : memref<10112x136xf32, #tpu.memory_space<hbm>> -> memref<80x136xf32, #tpu.memory_space<hbm>>
      %dma_wait3A_498 = arith.constant 0 : i32
      %dma_wait3A_499 = arith.constant 0 : i32
      %dma_wait3A_500 = tpu.memref_slice %arg2[%dma_wait3A_498, %dma_wait3A_499] : memref<10112x136xf32, #tpu.memory_space<hbm>> -> memref<80x136xf32, #tpu.memory_space<hbm>>
      tpu.wait_dma2 semaphore(%arg18 : memref<!tpu.dma_semaphore, #tpu.memory_space<semaphore_mem>>) src(%dma_wait3A_500 : memref<80x136xf32, #tpu.memory_space<hbm>>) dst(%arg16 : memref<80x136xf32, #tpu.memory_space<vmem>>)
      %dma_start3A_501 = arith.constant 0 : i32
      %dma_start3A_502 = arith.constant 0 : i32
      %dma_start3A_503 = tpu.memref_slice %arg17[%dma_start3A_501, %dma_start3A_502] : memref<10112x136xf32, #tpu.memory_space<vmem_shared>> -> memref<10112x136xf32, #tpu.memory_space<vmem_shared>>
      tpu.enqueue_indirect_dma source(%arg16 : memref<80x136xf32, #tpu.memory_space<vmem>>) target(%dma_start3A_503 : memref<10112x136xf32, #tpu.memory_space<vmem_shared>>) offsets(%arg13 : memref<80xi32, #tpu.memory_space<vmem>>) semaphore(%arg19 : memref<!tpu.dma_semaphore, #tpu.memory_space<semaphore_mem>>) {add = true}
      %mul3A_504 = arith.constant 3 : i32
      %mul3A_505 = arith.muli %mul3A_504, %scan3A_409 : i32
      %add3A_506 = arith.constant 1 : i32
      %add3A_507 = arith.addi %mul3A_505, %add3A_506 : i32
      %dma_wait3A_508 = arith.constant 0 : i32
      %dma_wait3A_509 = arith.constant 0 : i32
      %dma_wait3A_510 = tpu.memref_slice %arg2[%dma_wait3A_508, %dma_wait3A_509] : memref<10112x136xf32, #tpu.memory_space<hbm>> -> memref<80x136xf32, #tpu.memory_space<hbm>>
      %dma_wait3A_511 = arith.constant 0 : i32
      %dma_wait3A_512 = arith.constant 0 : i32
      %dma_wait3A_513 = tpu.memref_slice %arg2[%dma_wait3A_511, %dma_wait3A_512] : memref<10112x136xf32, #tpu.memory_space<hbm>> -> memref<80x136xf32, #tpu.memory_space<hbm>>
      tpu.wait_dma2 semaphore(%arg19 : memref<!tpu.dma_semaphore, #tpu.memory_space<semaphore_mem>>) src(%dma_wait3A_513 : memref<80x136xf32, #tpu.memory_space<hbm>>) dst(%arg15 : memref<80x136xf32, #tpu.memory_space<vmem>>)
      %mul3A_514 = arith.constant 80 : i32
      %mul3A_515 = arith.muli %add3A_507, %mul3A_514 : i32
      %add3A_516 = arith.constant 0 : i32
      %add3A_517 = arith.addi %mul3A_515, %add3A_516 : i32
      %get3A_518 = arith.index_cast %add3A_517 : i32 to index
      %get3A_519 = tpu.vector_load %arg7[%get3A_518] {strides = array<i32>} : memref<10000xi32, #tpu.memory_space<vmem>>, vector<16xi32>,
      %and3A_520 = arith.constant 16383 : i32
      %and3A_521 = vector.broadcast %and3A_520 : i32 to vector<16xi32>
      %and3A_522 = arith.andi %get3A_519, %and3A_521 : vector<16xi32>
      %swap3A_523 = arith.constant 0 : index
      %swap3A_524 = tpu.vector_load %arg9[%swap3A_523] {strides = array<i32>} : memref<80xi32, #tpu.memory_space<vmem>>, vector<16xi32>,
      tpu.vector_store %arg9[%swap3A_523], %and3A_522 {strides = array<i32>} : memref<80xi32, #tpu.memory_space<vmem>>, vector<16xi32>,
      %shift_right_logical3A_525 = arith.constant 14 : i32
      %shift_right_logical3A_526 = vector.broadcast %shift_right_logical3A_525 : i32 to vector<16xi32>
      %shift_right_logical3A_527 = arith.shrui %get3A_519, %shift_right_logical3A_526 : vector<16xi32>
      %swap3A_528 = arith.constant 0 : index
      %swap3A_529 = tpu.vector_load %arg12[%swap3A_528] {strides = array<i32>} : memref<80xi32, #tpu.memory_space<vmem>>, vector<16xi32>,
      tpu.vector_store %arg12[%swap3A_528], %shift_right_logical3A_527 {strides = array<i32>} : memref<80xi32, #tpu.memory_space<vmem>>, vector<16xi32>,
      %add3A_530 = arith.constant 16 : i32
      %add3A_531 = arith.addi %mul3A_515, %add3A_530 : i32
      %get3A_532 = arith.index_cast %add3A_531 : i32 to index
      %get3A_533 = tpu.vector_load %arg7[%get3A_532] {strides = array<i32>} : memref<10000xi32, #tpu.memory_space<vmem>>, vector<16xi32>,
      %and3A_534 = arith.constant 16383 : i32
      %and3A_535 = vector.broadcast %and3A_534 : i32 to vector<16xi32>
      %and3A_536 = arith.andi %get3A_533, %and3A_535 : vector<16xi32>
      %swap3A_537 = arith.constant 16 : index
      %swap3A_538 = tpu.vector_load %arg9[%swap3A_537] {strides = array<i32>} : memref<80xi32, #tpu.memory_space<vmem>>, vector<16xi32>,
      tpu.vector_store %arg9[%swap3A_537], %and3A_536 {strides = array<i32>} : memref<80xi32, #tpu.memory_space<vmem>>, vector<16xi32>,
      %shift_right_logical3A_539 = arith.constant 14 : i32
      %shift_right_logical3A_540 = vector.broadcast %shift_right_logical3A_539 : i32 to vector<16xi32>
      %shift_right_logical3A_541 = arith.shrui %get3A_533, %shift_right_logical3A_540 : vector<16xi32>
      %swap3A_542 = arith.constant 16 : index
      %swap3A_543 = tpu.vector_load %arg12[%swap3A_542] {strides = array<i32>} : memref<80xi32, #tpu.memory_space<vmem>>, vector<16xi32>,
      tpu.vector_store %arg12[%swap3A_542], %shift_right_logical3A_541 {strides = array<i32>} : memref<80xi32, #tpu.memory_space<vmem>>, vector<16xi32>,
      %add3A_544 = arith.constant 32 : i32
      %add3A_545 = arith.addi %mul3A_515, %add3A_544 : i32
      %get3A_546 = arith.index_cast %add3A_545 : i32 to index
      %get3A_547 = tpu.vector_load %arg7[%get3A_546] {strides = array<i32>} : memref<10000xi32, #tpu.memory_space<vmem>>, vector<16xi32>,
      %and3A_548 = arith.constant 16383 : i32
      %and3A_549 = vector.broadcast %and3A_548 : i32 to vector<16xi32>
      %and3A_550 = arith.andi %get3A_547, %and3A_549 : vector<16xi32>
      %swap3A_551 = arith.constant 32 : index
      %swap3A_552 = tpu.vector_load %arg9[%swap3A_551] {strides = array<i32>} : memref<80xi32, #tpu.memory_space<vmem>>, vector<16xi32>,
      tpu.vector_store %arg9[%swap3A_551], %and3A_550 {strides = array<i32>} : memref<80xi32, #tpu.memory_space<vmem>>, vector<16xi32>,
      %shift_right_logical3A_553 = arith.constant 14 : i32
      %shift_right_logical3A_554 = vector.broadcast %shift_right_logical3A_553 : i32 to vector<16xi32>
      %shift_right_logical3A_555 = arith.shrui %get3A_547, %shift_right_logical3A_554 : vector<16xi32>
      %swap3A_556 = arith.constant 32 : index
      %swap3A_557 = tpu.vector_load %arg12[%swap3A_556] {strides = array<i32>} : memref<80xi32, #tpu.memory_space<vmem>>, vector<16xi32>,
      tpu.vector_store %arg12[%swap3A_556], %shift_right_logical3A_555 {strides = array<i32>} : memref<80xi32, #tpu.memory_space<vmem>>, vector<16xi32>,
      %add3A_558 = arith.constant 48 : i32
      %add3A_559 = arith.addi %mul3A_515, %add3A_558 : i32
      %get3A_560 = arith.index_cast %add3A_559 : i32 to index
      %get3A_561 = tpu.vector_load %arg7[%get3A_560] {strides = array<i32>} : memref<10000xi32, #tpu.memory_space<vmem>>, vector<16xi32>,
      %and3A_562 = arith.constant 16383 : i32
      %and3A_563 = vector.broadcast %and3A_562 : i32 to vector<16xi32>
      %and3A_564 = arith.andi %get3A_561, %and3A_563 : vector<16xi32>
      %swap3A_565 = arith.constant 48 : index
      %swap3A_566 = tpu.vector_load %arg9[%swap3A_565] {strides = array<i32>} : memref<80xi32, #tpu.memory_space<vmem>>, vector<16xi32>,
      tpu.vector_store %arg9[%swap3A_565], %and3A_564 {strides = array<i32>} : memref<80xi32, #tpu.memory_space<vmem>>, vector<16xi32>,
      %shift_right_logical3A_567 = arith.constant 14 : i32
      %shift_right_logical3A_568 = vector.broadcast %shift_right_logical3A_567 : i32 to vector<16xi32>
      %shift_right_logical3A_569 = arith.shrui %get3A_561, %shift_right_logical3A_568 : vector<16xi32>
      %swap3A_570 = arith.constant 48 : index
      %swap3A_571 = tpu.vector_load %arg12[%swap3A_570] {strides = array<i32>} : memref<80xi32, #tpu.memory_space<vmem>>, vector<16xi32>,
      tpu.vector_store %arg12[%swap3A_570], %shift_right_logical3A_569 {strides = array<i32>} : memref<80xi32, #tpu.memory_space<vmem>>, vector<16xi32>,
      %add3A_572 = arith.constant 64 : i32
      %add3A_573 = arith.addi %mul3A_515, %add3A_572 : i32
      %get3A_574 = arith.index_cast %add3A_573 : i32 to index
      %get3A_575 = tpu.vector_load %arg7[%get3A_574] {strides = array<i32>} : memref<10000xi32, #tpu.memory_space<vmem>>, vector<16xi32>,
      %and3A_576 = arith.constant 16383 : i32
      %and3A_577 = vector.broadcast %and3A_576 : i32 to vector<16xi32>
      %and3A_578 = arith.andi %get3A_575, %and3A_577 : vector<16xi32>
      %swap3A_579 = arith.constant 64 : index
      %swap3A_580 = tpu.vector_load %arg9[%swap3A_579] {strides = array<i32>} : memref<80xi32, #tpu.memory_space<vmem>>, vector<16xi32>,
      tpu.vector_store %arg9[%swap3A_579], %and3A_578 {strides = array<i32>} : memref<80xi32, #tpu.memory_space<vmem>>, vector<16xi32>,
      %shift_right_logical3A_581 = arith.constant 14 : i32
      %shift_right_logical3A_582 = vector.broadcast %shift_right_logical3A_581 : i32 to vector<16xi32>
      %shift_right_logical3A_583 = arith.shrui %get3A_575, %shift_right_logical3A_582 : vector<16xi32>
      %swap3A_584 = arith.constant 64 : index
      %swap3A_585 = tpu.vector_load %arg12[%swap3A_584] {strides = array<i32>} : memref<80xi32, #tpu.memory_space<vmem>>, vector<16xi32>,
      tpu.vector_store %arg12[%swap3A_584], %shift_right_logical3A_583 {strides = array<i32>} : memref<80xi32, #tpu.memory_space<vmem>>, vector<16xi32>,
      %dma_start3A_586 = arith.constant 0 : i32
      %dma_start3A_587 = arith.constant 0 : i32
      %dma_start3A_588 = tpu.memref_slice %arg2[%dma_start3A_586, %dma_start3A_587] : memref<10112x136xf32, #tpu.memory_space<hbm>> -> memref<10112x136xf32, #tpu.memory_space<hbm>>
      tpu.enqueue_indirect_dma source(%dma_start3A_588 : memref<10112x136xf32, #tpu.memory_space<hbm>>) target(%arg15 : memref<80x136xf32, #tpu.memory_space<vmem>>) offsets(%arg9 : memref<80xi32, #tpu.memory_space<vmem>>) semaphore(%arg18 : memref<!tpu.dma_semaphore, #tpu.memory_space<semaphore_mem>>)
      %dma_wait3A_589 = arith.constant 0 : i32
      %dma_wait3A_590 = arith.constant 0 : i32
      %dma_wait3A_591 = tpu.memref_slice %arg2[%dma_wait3A_589, %dma_wait3A_590] : memref<10112x136xf32, #tpu.memory_space<hbm>> -> memref<80x136xf32, #tpu.memory_space<hbm>>
      %dma_wait3A_592 = arith.constant 0 : i32
      %dma_wait3A_593 = arith.constant 0 : i32
      %dma_wait3A_594 = tpu.memref_slice %arg2[%dma_wait3A_592, %dma_wait3A_593] : memref<10112x136xf32, #tpu.memory_space<hbm>> -> memref<80x136xf32, #tpu.memory_space<hbm>>
      tpu.wait_dma2 semaphore(%arg18 : memref<!tpu.dma_semaphore, #tpu.memory_space<semaphore_mem>>) src(%dma_wait3A_594 : memref<80x136xf32, #tpu.memory_space<hbm>>) dst(%arg14 : memref<80x136xf32, #tpu.memory_space<vmem>>)
      %dma_start3A_595 = arith.constant 0 : i32
      %dma_start3A_596 = arith.constant 0 : i32
      %dma_start3A_597 = tpu.memref_slice %arg17[%dma_start3A_595, %dma_start3A_596] : memref<10112x136xf32, #tpu.memory_space<vmem_shared>> -> memref<10112x136xf32, #tpu.memory_space<vmem_shared>>
      tpu.enqueue_indirect_dma source(%arg14 : memref<80x136xf32, #tpu.memory_space<vmem>>) target(%dma_start3A_597 : memref<10112x136xf32, #tpu.memory_space<vmem_shared>>) offsets(%arg11 : memref<80xi32, #tpu.memory_space<vmem>>) semaphore(%arg19 : memref<!tpu.dma_semaphore, #tpu.memory_space<semaphore_mem>>) {add = true}
      %mul3A_598 = arith.constant 3 : i32
      %mul3A_599 = arith.muli %mul3A_598, %scan3A_409 : i32
      %add3A_600 = arith.constant 2 : i32
      %add3A_601 = arith.addi %mul3A_599, %add3A_600 : i32
      %dma_wait3A_602 = arith.constant 0 : i32
      %dma_wait3A_603 = arith.constant 0 : i32
      %dma_wait3A_604 = tpu.memref_slice %arg2[%dma_wait3A_602, %dma_wait3A_603] : memref<10112x136xf32, #tpu.memory_space<hbm>> -> memref<80x136xf32, #tpu.memory_space<hbm>>
      %dma_wait3A_605 = arith.constant 0 : i32
      %dma_wait3A_606 = arith.constant 0 : i32
      %dma_wait3A_607 = tpu.memref_slice %arg2[%dma_wait3A_605, %dma_wait3A_606] : memref<10112x136xf32, #tpu.memory_space<hbm>> -> memref<80x136xf32, #tpu.memory_space<hbm>>
      tpu.wait_dma2 semaphore(%arg19 : memref<!tpu.dma_semaphore, #tpu.memory_space<semaphore_mem>>) src(%dma_wait3A_607 : memref<80x136xf32, #tpu.memory_space<hbm>>) dst(%arg16 : memref<80x136xf32, #tpu.memory_space<vmem>>)
      %mul3A_608 = arith.constant 80 : i32
      %mul3A_609 = arith.muli %add3A_601, %mul3A_608 : i32
      %add3A_610 = arith.constant 0 : i32
      %add3A_611 = arith.addi %mul3A_609, %add3A_610 : i32
      %get3A_612 = arith.index_cast %add3A_611 : i32 to index
      %get3A_613 = tpu.vector_load %arg7[%get3A_612] {strides = array<i32>} : memref<10000xi32, #tpu.memory_space<vmem>>, vector<16xi32>,
      %and3A_614 = arith.constant 16383 : i32
      %and3A_615 = vector.broadcast %and3A_614 : i32 to vector<16xi32>
      %and3A_616 = arith.andi %get3A_613, %and3A_615 : vector<16xi32>
      %swap3A_617 = arith.constant 0 : index
      %swap3A_618 = tpu.vector_load %arg10[%swap3A_617] {strides = array<i32>} : memref<80xi32, #tpu.memory_space<vmem>>, vector<16xi32>,
      tpu.vector_store %arg10[%swap3A_617], %and3A_616 {strides = array<i32>} : memref<80xi32, #tpu.memory_space<vmem>>, vector<16xi32>,
      %shift_right_logical3A_619 = arith.constant 14 : i32
      %shift_right_logical3A_620 = vector.broadcast %shift_right_logical3A_619 : i32 to vector<16xi32>
      %shift_right_logical3A_621 = arith.shrui %get3A_613, %shift_right_logical3A_620 : vector<16xi32>
      %swap3A_622 = arith.constant 0 : index
      %swap3A_623 = tpu.vector_load %arg13[%swap3A_622] {strides = array<i32>} : memref<80xi32, #tpu.memory_space<vmem>>, vector<16xi32>,
      tpu.vector_store %arg13[%swap3A_622], %shift_right_logical3A_621 {strides = array<i32>} : memref<80xi32, #tpu.memory_space<vmem>>, vector<16xi32>,
      %add3A_624 = arith.constant 16 : i32
      %add3A_625 = arith.addi %mul3A_609, %add3A_624 : i32
      %get3A_626 = arith.index_cast %add3A_625 : i32 to index
      %get3A_627 = tpu.vector_load %arg7[%get3A_626] {strides = array<i32>} : memref<10000xi32, #tpu.memory_space<vmem>>, vector<16xi32>,
      %and3A_628 = arith.constant 16383 : i32
      %and3A_629 = vector.broadcast %and3A_628 : i32 to vector<16xi32>
      %and3A_630 = arith.andi %get3A_627, %and3A_629 : vector<16xi32>
      %swap3A_631 = arith.constant 16 : index
      %swap3A_632 = tpu.vector_load %arg10[%swap3A_631] {strides = array<i32>} : memref<80xi32, #tpu.memory_space<vmem>>, vector<16xi32>,
      tpu.vector_store %arg10[%swap3A_631], %and3A_630 {strides = array<i32>} : memref<80xi32, #tpu.memory_space<vmem>>, vector<16xi32>,
      %shift_right_logical3A_633 = arith.constant 14 : i32
      %shift_right_logical3A_634 = vector.broadcast %shift_right_logical3A_633 : i32 to vector<16xi32>
      %shift_right_logical3A_635 = arith.shrui %get3A_627, %shift_right_logical3A_634 : vector<16xi32>
      %swap3A_636 = arith.constant 16 : index
      %swap3A_637 = tpu.vector_load %arg13[%swap3A_636] {strides = array<i32>} : memref<80xi32, #tpu.memory_space<vmem>>, vector<16xi32>,
      tpu.vector_store %arg13[%swap3A_636], %shift_right_logical3A_635 {strides = array<i32>} : memref<80xi32, #tpu.memory_space<vmem>>, vector<16xi32>,
      %add3A_638 = arith.constant 32 : i32
      %add3A_639 = arith.addi %mul3A_609, %add3A_638 : i32
      %get3A_640 = arith.index_cast %add3A_639 : i32 to index
      %get3A_641 = tpu.vector_load %arg7[%get3A_640] {strides = array<i32>} : memref<10000xi32, #tpu.memory_space<vmem>>, vector<16xi32>,
      %and3A_642 = arith.constant 16383 : i32
      %and3A_643 = vector.broadcast %and3A_642 : i32 to vector<16xi32>
      %and3A_644 = arith.andi %get3A_641, %and3A_643 : vector<16xi32>
      %swap3A_645 = arith.constant 32 : index
      %swap3A_646 = tpu.vector_load %arg10[%swap3A_645] {strides = array<i32>} : memref<80xi32, #tpu.memory_space<vmem>>, vector<16xi32>,
      tpu.vector_store %arg10[%swap3A_645], %and3A_644 {strides = array<i32>} : memref<80xi32, #tpu.memory_space<vmem>>, vector<16xi32>,
      %shift_right_logical3A_647 = arith.constant 14 : i32
      %shift_right_logical3A_648 = vector.broadcast %shift_right_logical3A_647 : i32 to vector<16xi32>
      %shift_right_logical3A_649 = arith.shrui %get3A_641, %shift_right_logical3A_648 : vector<16xi32>
      %swap3A_650 = arith.constant 32 : index
      %swap3A_651 = tpu.vector_load %arg13[%swap3A_650] {strides = array<i32>} : memref<80xi32, #tpu.memory_space<vmem>>, vector<16xi32>,
      tpu.vector_store %arg13[%swap3A_650], %shift_right_logical3A_649 {strides = array<i32>} : memref<80xi32, #tpu.memory_space<vmem>>, vector<16xi32>,
      %add3A_652 = arith.constant 48 : i32
      %add3A_653 = arith.addi %mul3A_609, %add3A_652 : i32
      %get3A_654 = arith.index_cast %add3A_653 : i32 to index
      %get3A_655 = tpu.vector_load %arg7[%get3A_654] {strides = array<i32>} : memref<10000xi32, #tpu.memory_space<vmem>>, vector<16xi32>,
      %and3A_656 = arith.constant 16383 : i32
      %and3A_657 = vector.broadcast %and3A_656 : i32 to vector<16xi32>
      %and3A_658 = arith.andi %get3A_655, %and3A_657 : vector<16xi32>
      %swap3A_659 = arith.constant 48 : index
      %swap3A_660 = tpu.vector_load %arg10[%swap3A_659] {strides = array<i32>} : memref<80xi32, #tpu.memory_space<vmem>>, vector<16xi32>,
      tpu.vector_store %arg10[%swap3A_659], %and3A_658 {strides = array<i32>} : memref<80xi32, #tpu.memory_space<vmem>>, vector<16xi32>,
      %shift_right_logical3A_661 = arith.constant 14 : i32
      %shift_right_logical3A_662 = vector.broadcast %shift_right_logical3A_661 : i32 to vector<16xi32>
      %shift_right_logical3A_663 = arith.shrui %get3A_655, %shift_right_logical3A_662 : vector<16xi32>
      %swap3A_664 = arith.constant 48 : index
      %swap3A_665 = tpu.vector_load %arg13[%swap3A_664] {strides = array<i32>} : memref<80xi32, #tpu.memory_space<vmem>>, vector<16xi32>,
      tpu.vector_store %arg13[%swap3A_664], %shift_right_logical3A_663 {strides = array<i32>} : memref<80xi32, #tpu.memory_space<vmem>>, vector<16xi32>,
      %add3A_666 = arith.constant 64 : i32
      %add3A_667 = arith.addi %mul3A_609, %add3A_666 : i32
      %get3A_668 = arith.index_cast %add3A_667 : i32 to index
      %get3A_669 = tpu.vector_load %arg7[%get3A_668] {strides = array<i32>} : memref<10000xi32, #tpu.memory_space<vmem>>, vector<16xi32>,
      %and3A_670 = arith.constant 16383 : i32
      %and3A_671 = vector.broadcast %and3A_670 : i32 to vector<16xi32>
      %and3A_672 = arith.andi %get3A_669, %and3A_671 : vector<16xi32>
      %swap3A_673 = arith.constant 64 : index
      %swap3A_674 = tpu.vector_load %arg10[%swap3A_673] {strides = array<i32>} : memref<80xi32, #tpu.memory_space<vmem>>, vector<16xi32>,
      tpu.vector_store %arg10[%swap3A_673], %and3A_672 {strides = array<i32>} : memref<80xi32, #tpu.memory_space<vmem>>, vector<16xi32>,
      %shift_right_logical3A_675 = arith.constant 14 : i32
      %shift_right_logical3A_676 = vector.broadcast %shift_right_logical3A_675 : i32 to vector<16xi32>
      %shift_right_logical3A_677 = arith.shrui %get3A_669, %shift_right_logical3A_676 : vector<16xi32>
      %swap3A_678 = arith.constant 64 : index
      %swap3A_679 = tpu.vector_load %arg13[%swap3A_678] {strides = array<i32>} : memref<80xi32, #tpu.memory_space<vmem>>, vector<16xi32>,
      tpu.vector_store %arg13[%swap3A_678], %shift_right_logical3A_677 {strides = array<i32>} : memref<80xi32, #tpu.memory_space<vmem>>, vector<16xi32>,
      %dma_start3A_680 = arith.constant 0 : i32
      %dma_start3A_681 = arith.constant 0 : i32
      %dma_start3A_682 = tpu.memref_slice %arg2[%dma_start3A_680, %dma_start3A_681] : memref<10112x136xf32, #tpu.memory_space<hbm>> -> memref<10112x136xf32, #tpu.memory_space<hbm>>
      tpu.enqueue_indirect_dma source(%dma_start3A_682 : memref<10112x136xf32, #tpu.memory_space<hbm>>) target(%arg16 : memref<80x136xf32, #tpu.memory_space<vmem>>) offsets(%arg10 : memref<80xi32, #tpu.memory_space<vmem>>) semaphore(%arg18 : memref<!tpu.dma_semaphore, #tpu.memory_space<semaphore_mem>>)
      %dma_wait3A_683 = arith.constant 0 : i32
      %dma_wait3A_684 = arith.constant 0 : i32
      %dma_wait3A_685 = tpu.memref_slice %arg2[%dma_wait3A_683, %dma_wait3A_684] : memref<10112x136xf32, #tpu.memory_space<hbm>> -> memref<80x136xf32, #tpu.memory_space<hbm>>
      %dma_wait3A_686 = arith.constant 0 : i32
      %dma_wait3A_687 = arith.constant 0 : i32
      %dma_wait3A_688 = tpu.memref_slice %arg2[%dma_wait3A_686, %dma_wait3A_687] : memref<10112x136xf32, #tpu.memory_space<hbm>> -> memref<80x136xf32, #tpu.memory_space<hbm>>
      tpu.wait_dma2 semaphore(%arg18 : memref<!tpu.dma_semaphore, #tpu.memory_space<semaphore_mem>>) src(%dma_wait3A_688 : memref<80x136xf32, #tpu.memory_space<hbm>>) dst(%arg15 : memref<80x136xf32, #tpu.memory_space<vmem>>)
      %dma_start3A_689 = arith.constant 0 : i32
      %dma_start3A_690 = arith.constant 0 : i32
      %dma_start3A_691 = tpu.memref_slice %arg17[%dma_start3A_689, %dma_start3A_690] : memref<10112x136xf32, #tpu.memory_space<vmem_shared>> -> memref<10112x136xf32, #tpu.memory_space<vmem_shared>>
      tpu.enqueue_indirect_dma source(%arg15 : memref<80x136xf32, #tpu.memory_space<vmem>>) target(%dma_start3A_691 : memref<10112x136xf32, #tpu.memory_space<vmem_shared>>) offsets(%arg12 : memref<80xi32, #tpu.memory_space<vmem>>) semaphore(%arg19 : memref<!tpu.dma_semaphore, #tpu.memory_space<semaphore_mem>>) {add = true}
    }
    %scan3A_210 = arith.constant 40 : i32
    %dma_wait3A_211 = arith.constant 0 : i32
    %dma_wait3A_212 = arith.constant 0 : i32
    %dma_wait3A_213 = tpu.memref_slice %arg2[%dma_wait3A_211, %dma_wait3A_212] : memref<10112x136xf32, #tpu.memory_space<hbm>> -> memref<80x136xf32, #tpu.memory_space<hbm>>
    %dma_wait3A_214 = arith.constant 0 : i32
    %dma_wait3A_215 = arith.constant 0 : i32
    %dma_wait3A_216 = tpu.memref_slice %arg2[%dma_wait3A_214, %dma_wait3A_215] : memref<10112x136xf32, #tpu.memory_space<hbm>> -> memref<80x136xf32, #tpu.memory_space<hbm>>
    tpu.wait_dma2 semaphore(%arg19 : memref<!tpu.dma_semaphore, #tpu.memory_space<semaphore_mem>>) src(%dma_wait3A_216 : memref<80x136xf32, #tpu.memory_space<hbm>>) dst(%arg14 : memref<80x136xf32, #tpu.memory_space<vmem>>)
    %get3A_217 = arith.constant 9840 : index
    %get3A_218 = tpu.vector_load %arg7[%get3A_217] {strides = array<i32>} : memref<10000xi32, #tpu.memory_space<vmem>>, vector<16xi32>,
    %and3A_219 = arith.constant 16383 : i32
    %and3A_220 = vector.broadcast %and3A_219 : i32 to vector<16xi32>
    %and3A_221 = arith.andi %get3A_218, %and3A_220 : vector<16xi32>
    %swap3A_222 = arith.constant 0 : index
    %swap3A_223 = tpu.vector_load %arg8[%swap3A_222] {strides = array<i32>} : memref<80xi32, #tpu.memory_space<vmem>>, vector<16xi32>,
    tpu.vector_store %arg8[%swap3A_222], %and3A_221 {strides = array<i32>} : memref<80xi32, #tpu.memory_space<vmem>>, vector<16xi32>,
    %shift_right_logical3A_224 = arith.constant 14 : i32
    %shift_right_logical3A_225 = vector.broadcast %shift_right_logical3A_224 : i32 to vector<16xi32>
    %shift_right_logical3A_226 = arith.shrui %get3A_218, %shift_right_logical3A_225 : vector<16xi32>
    %swap3A_227 = arith.constant 0 : index
    %swap3A_228 = tpu.vector_load %arg11[%swap3A_227] {strides = array<i32>} : memref<80xi32, #tpu.memory_space<vmem>>, vector<16xi32>,
    tpu.vector_store %arg11[%swap3A_227], %shift_right_logical3A_226 {strides = array<i32>} : memref<80xi32, #tpu.memory_space<vmem>>, vector<16xi32>,
    %get3A_229 = arith.constant 9856 : index
    %get3A_230 = tpu.vector_load %arg7[%get3A_229] {strides = array<i32>} : memref<10000xi32, #tpu.memory_space<vmem>>, vector<16xi32>,
    %and3A_231 = arith.constant 16383 : i32
    %and3A_232 = vector.broadcast %and3A_231 : i32 to vector<16xi32>
    %and3A_233 = arith.andi %get3A_230, %and3A_232 : vector<16xi32>
    %swap3A_234 = arith.constant 16 : index
    %swap3A_235 = tpu.vector_load %arg8[%swap3A_234] {strides = array<i32>} : memref<80xi32, #tpu.memory_space<vmem>>, vector<16xi32>,
    tpu.vector_store %arg8[%swap3A_234], %and3A_233 {strides = array<i32>} : memref<80xi32, #tpu.memory_space<vmem>>, vector<16xi32>,
    %shift_right_logical3A_236 = arith.constant 14 : i32
    %shift_right_logical3A_237 = vector.broadcast %shift_right_logical3A_236 : i32 to vector<16xi32>
    %shift_right_logical3A_238 = arith.shrui %get3A_230, %shift_right_logical3A_237 : vector<16xi32>
    %swap3A_239 = arith.constant 16 : index
    %swap3A_240 = tpu.vector_load %arg11[%swap3A_239] {strides = array<i32>} : memref<80xi32, #tpu.memory_space<vmem>>, vector<16xi32>,
    tpu.vector_store %arg11[%swap3A_239], %shift_right_logical3A_238 {strides = array<i32>} : memref<80xi32, #tpu.memory_space<vmem>>, vector<16xi32>,
    %get3A_241 = arith.constant 9872 : index
    %get3A_242 = tpu.vector_load %arg7[%get3A_241] {strides = array<i32>} : memref<10000xi32, #tpu.memory_space<vmem>>, vector<16xi32>,
    %and3A_243 = arith.constant 16383 : i32
    %and3A_244 = vector.broadcast %and3A_243 : i32 to vector<16xi32>
    %and3A_245 = arith.andi %get3A_242, %and3A_244 : vector<16xi32>
    %swap3A_246 = arith.constant 32 : index
    %swap3A_247 = tpu.vector_load %arg8[%swap3A_246] {strides = array<i32>} : memref<80xi32, #tpu.memory_space<vmem>>, vector<16xi32>,
    tpu.vector_store %arg8[%swap3A_246], %and3A_245 {strides = array<i32>} : memref<80xi32, #tpu.memory_space<vmem>>, vector<16xi32>,
    %shift_right_logical3A_248 = arith.constant 14 : i32
    %shift_right_logical3A_249 = vector.broadcast %shift_right_logical3A_248 : i32 to vector<16xi32>
    %shift_right_logical3A_250 = arith.shrui %get3A_242, %shift_right_logical3A_249 : vector<16xi32>
    %swap3A_251 = arith.constant 32 : index
    %swap3A_252 = tpu.vector_load %arg11[%swap3A_251] {strides = array<i32>} : memref<80xi32, #tpu.memory_space<vmem>>, vector<16xi32>,
    tpu.vector_store %arg11[%swap3A_251], %shift_right_logical3A_250 {strides = array<i32>} : memref<80xi32, #tpu.memory_space<vmem>>, vector<16xi32>,
    %get3A_253 = arith.constant 9888 : index
    %get3A_254 = tpu.vector_load %arg7[%get3A_253] {strides = array<i32>} : memref<10000xi32, #tpu.memory_space<vmem>>, vector<16xi32>,
    %and3A_255 = arith.constant 16383 : i32
    %and3A_256 = vector.broadcast %and3A_255 : i32 to vector<16xi32>
    %and3A_257 = arith.andi %get3A_254, %and3A_256 : vector<16xi32>
    %swap3A_258 = arith.constant 48 : index
    %swap3A_259 = tpu.vector_load %arg8[%swap3A_258] {strides = array<i32>} : memref<80xi32, #tpu.memory_space<vmem>>, vector<16xi32>,
    tpu.vector_store %arg8[%swap3A_258], %and3A_257 {strides = array<i32>} : memref<80xi32, #tpu.memory_space<vmem>>, vector<16xi32>,
    %shift_right_logical3A_260 = arith.constant 14 : i32
    %shift_right_logical3A_261 = vector.broadcast %shift_right_logical3A_260 : i32 to vector<16xi32>
    %shift_right_logical3A_262 = arith.shrui %get3A_254, %shift_right_logical3A_261 : vector<16xi32>
    %swap3A_263 = arith.constant 48 : index
    %swap3A_264 = tpu.vector_load %arg11[%swap3A_263] {strides = array<i32>} : memref<80xi32, #tpu.memory_space<vmem>>, vector<16xi32>,
    tpu.vector_store %arg11[%swap3A_263], %shift_right_logical3A_262 {strides = array<i32>} : memref<80xi32, #tpu.memory_space<vmem>>, vector<16xi32>,
    %get3A_265 = arith.constant 9904 : index
    %get3A_266 = tpu.vector_load %arg7[%get3A_265] {strides = array<i32>} : memref<10000xi32, #tpu.memory_space<vmem>>, vector<16xi32>,
    %and3A_267 = arith.constant 16383 : i32
    %and3A_268 = vector.broadcast %and3A_267 : i32 to vector<16xi32>
    %and3A_269 = arith.andi %get3A_266, %and3A_268 : vector<16xi32>
    %swap3A_270 = arith.constant 64 : index
    %swap3A_271 = tpu.vector_load %arg8[%swap3A_270] {strides = array<i32>} : memref<80xi32, #tpu.memory_space<vmem>>, vector<16xi32>,
    tpu.vector_store %arg8[%swap3A_270], %and3A_269 {strides = array<i32>} : memref<80xi32, #tpu.memory_space<vmem>>, vector<16xi32>,
    %shift_right_logical3A_272 = arith.constant 14 : i32
    %shift_right_logical3A_273 = vector.broadcast %shift_right_logical3A_272 : i32 to vector<16xi32>
    %shift_right_logical3A_274 = arith.shrui %get3A_266, %shift_right_logical3A_273 : vector<16xi32>
    %swap3A_275 = arith.constant 64 : index
    %swap3A_276 = tpu.vector_load %arg11[%swap3A_275] {strides = array<i32>} : memref<80xi32, #tpu.memory_space<vmem>>, vector<16xi32>,
    tpu.vector_store %arg11[%swap3A_275], %shift_right_logical3A_274 {strides = array<i32>} : memref<80xi32, #tpu.memory_space<vmem>>, vector<16xi32>,
    %dma_start3A_277 = arith.constant 0 : i32
    %dma_start3A_278 = arith.constant 0 : i32
    %dma_start3A_279 = tpu.memref_slice %arg2[%dma_start3A_277, %dma_start3A_278] : memref<10112x136xf32, #tpu.memory_space<hbm>> -> memref<10112x136xf32, #tpu.memory_space<hbm>>
    tpu.enqueue_indirect_dma source(%dma_start3A_279 : memref<10112x136xf32, #tpu.memory_space<hbm>>) target(%arg14 : memref<80x136xf32, #tpu.memory_space<vmem>>) offsets(%arg8 : memref<80xi32, #tpu.memory_space<vmem>>) semaphore(%arg18 : memref<!tpu.dma_semaphore, #tpu.memory_space<semaphore_mem>>)
    %dma_wait3A_280 = arith.constant 0 : i32
    %dma_wait3A_281 = arith.constant 0 : i32
    %dma_wait3A_282 = tpu.memref_slice %arg2[%dma_wait3A_280, %dma_wait3A_281] : memref<10112x136xf32, #tpu.memory_space<hbm>> -> memref<80x136xf32, #tpu.memory_space<hbm>>
    %dma_wait3A_283 = arith.constant 0 : i32
    %dma_wait3A_284 = arith.constant 0 : i32
    %dma_wait3A_285 = tpu.memref_slice %arg2[%dma_wait3A_283, %dma_wait3A_284] : memref<10112x136xf32, #tpu.memory_space<hbm>> -> memref<80x136xf32, #tpu.memory_space<hbm>>
    tpu.wait_dma2 semaphore(%arg18 : memref<!tpu.dma_semaphore, #tpu.memory_space<semaphore_mem>>) src(%dma_wait3A_285 : memref<80x136xf32, #tpu.memory_space<hbm>>) dst(%arg16 : memref<80x136xf32, #tpu.memory_space<vmem>>)
    %dma_start3A_286 = arith.constant 0 : i32
    %dma_start3A_287 = arith.constant 0 : i32
    %dma_start3A_288 = tpu.memref_slice %arg17[%dma_start3A_286, %dma_start3A_287] : memref<10112x136xf32, #tpu.memory_space<vmem_shared>> -> memref<10112x136xf32, #tpu.memory_space<vmem_shared>>
    tpu.enqueue_indirect_dma source(%arg16 : memref<80x136xf32, #tpu.memory_space<vmem>>) target(%dma_start3A_288 : memref<10112x136xf32, #tpu.memory_space<vmem_shared>>) offsets(%arg13 : memref<80xi32, #tpu.memory_space<vmem>>) semaphore(%arg19 : memref<!tpu.dma_semaphore, #tpu.memory_space<semaphore_mem>>) {add = true}
    %dma_wait3A_289 = arith.constant 0 : i32
    %dma_wait3A_290 = arith.constant 0 : i32
    %dma_wait3A_291 = tpu.memref_slice %arg2[%dma_wait3A_289, %dma_wait3A_290] : memref<10112x136xf32, #tpu.memory_space<hbm>> -> memref<80x136xf32, #tpu.memory_space<hbm>>
    %dma_wait3A_292 = arith.constant 0 : i32
    %dma_wait3A_293 = arith.constant 0 : i32
    %dma_wait3A_294 = tpu.memref_slice %arg2[%dma_wait3A_292, %dma_wait3A_293] : memref<10112x136xf32, #tpu.memory_space<hbm>> -> memref<80x136xf32, #tpu.memory_space<hbm>>
    tpu.wait_dma2 semaphore(%arg19 : memref<!tpu.dma_semaphore, #tpu.memory_space<semaphore_mem>>) src(%dma_wait3A_294 : memref<80x136xf32, #tpu.memory_space<hbm>>) dst(%arg15 : memref<80x136xf32, #tpu.memory_space<vmem>>)
    %get3A_295 = arith.constant 9920 : index
    %get3A_296 = tpu.vector_load %arg7[%get3A_295] {strides = array<i32>} : memref<10000xi32, #tpu.memory_space<vmem>>, vector<16xi32>,
    %and3A_297 = arith.constant 16383 : i32
    %and3A_298 = vector.broadcast %and3A_297 : i32 to vector<16xi32>
    %and3A_299 = arith.andi %get3A_296, %and3A_298 : vector<16xi32>
    %swap3A_300 = arith.constant 0 : index
    %swap3A_301 = tpu.vector_load %arg9[%swap3A_300] {strides = array<i32>} : memref<80xi32, #tpu.memory_space<vmem>>, vector<16xi32>,
    tpu.vector_store %arg9[%swap3A_300], %and3A_299 {strides = array<i32>} : memref<80xi32, #tpu.memory_space<vmem>>, vector<16xi32>,
    %shift_right_logical3A_302 = arith.constant 14 : i32
    %shift_right_logical3A_303 = vector.broadcast %shift_right_logical3A_302 : i32 to vector<16xi32>
    %shift_right_logical3A_304 = arith.shrui %get3A_296, %shift_right_logical3A_303 : vector<16xi32>
    %swap3A_305 = arith.constant 0 : index
    %swap3A_306 = tpu.vector_load %arg12[%swap3A_305] {strides = array<i32>} : memref<80xi32, #tpu.memory_space<vmem>>, vector<16xi32>,
    tpu.vector_store %arg12[%swap3A_305], %shift_right_logical3A_304 {strides = array<i32>} : memref<80xi32, #tpu.memory_space<vmem>>, vector<16xi32>,
    %get3A_307 = arith.constant 9936 : index
    %get3A_308 = tpu.vector_load %arg7[%get3A_307] {strides = array<i32>} : memref<10000xi32, #tpu.memory_space<vmem>>, vector<16xi32>,
    %and3A_309 = arith.constant 16383 : i32
    %and3A_310 = vector.broadcast %and3A_309 : i32 to vector<16xi32>
    %and3A_311 = arith.andi %get3A_308, %and3A_310 : vector<16xi32>
    %swap3A_312 = arith.constant 16 : index
    %swap3A_313 = tpu.vector_load %arg9[%swap3A_312] {strides = array<i32>} : memref<80xi32, #tpu.memory_space<vmem>>, vector<16xi32>,
    tpu.vector_store %arg9[%swap3A_312], %and3A_311 {strides = array<i32>} : memref<80xi32, #tpu.memory_space<vmem>>, vector<16xi32>,
    %shift_right_logical3A_314 = arith.constant 14 : i32
    %shift_right_logical3A_315 = vector.broadcast %shift_right_logical3A_314 : i32 to vector<16xi32>
    %shift_right_logical3A_316 = arith.shrui %get3A_308, %shift_right_logical3A_315 : vector<16xi32>
    %swap3A_317 = arith.constant 16 : index
    %swap3A_318 = tpu.vector_load %arg12[%swap3A_317] {strides = array<i32>} : memref<80xi32, #tpu.memory_space<vmem>>, vector<16xi32>,
    tpu.vector_store %arg12[%swap3A_317], %shift_right_logical3A_316 {strides = array<i32>} : memref<80xi32, #tpu.memory_space<vmem>>, vector<16xi32>,
    %get3A_319 = arith.constant 9952 : index
    %get3A_320 = tpu.vector_load %arg7[%get3A_319] {strides = array<i32>} : memref<10000xi32, #tpu.memory_space<vmem>>, vector<16xi32>,
    %and3A_321 = arith.constant 16383 : i32
    %and3A_322 = vector.broadcast %and3A_321 : i32 to vector<16xi32>
    %and3A_323 = arith.andi %get3A_320, %and3A_322 : vector<16xi32>
    %swap3A_324 = arith.constant 32 : index
    %swap3A_325 = tpu.vector_load %arg9[%swap3A_324] {strides = array<i32>} : memref<80xi32, #tpu.memory_space<vmem>>, vector<16xi32>,
    tpu.vector_store %arg9[%swap3A_324], %and3A_323 {strides = array<i32>} : memref<80xi32, #tpu.memory_space<vmem>>, vector<16xi32>,
    %shift_right_logical3A_326 = arith.constant 14 : i32
    %shift_right_logical3A_327 = vector.broadcast %shift_right_logical3A_326 : i32 to vector<16xi32>
    %shift_right_logical3A_328 = arith.shrui %get3A_320, %shift_right_logical3A_327 : vector<16xi32>
    %swap3A_329 = arith.constant 32 : index
    %swap3A_330 = tpu.vector_load %arg12[%swap3A_329] {strides = array<i32>} : memref<80xi32, #tpu.memory_space<vmem>>, vector<16xi32>,
    tpu.vector_store %arg12[%swap3A_329], %shift_right_logical3A_328 {strides = array<i32>} : memref<80xi32, #tpu.memory_space<vmem>>, vector<16xi32>,
    %get3A_331 = arith.constant 9968 : index
    %get3A_332 = tpu.vector_load %arg7[%get3A_331] {strides = array<i32>} : memref<10000xi32, #tpu.memory_space<vmem>>, vector<16xi32>,
    %and3A_333 = arith.constant 16383 : i32
    %and3A_334 = vector.broadcast %and3A_333 : i32 to vector<16xi32>
    %and3A_335 = arith.andi %get3A_332, %and3A_334 : vector<16xi32>
    %swap3A_336 = arith.constant 48 : index
    %swap3A_337 = tpu.vector_load %arg9[%swap3A_336] {strides = array<i32>} : memref<80xi32, #tpu.memory_space<vmem>>, vector<16xi32>,
    tpu.vector_store %arg9[%swap3A_336], %and3A_335 {strides = array<i32>} : memref<80xi32, #tpu.memory_space<vmem>>, vector<16xi32>,
    %shift_right_logical3A_338 = arith.constant 14 : i32
    %shift_right_logical3A_339 = vector.broadcast %shift_right_logical3A_338 : i32 to vector<16xi32>
    %shift_right_logical3A_340 = arith.shrui %get3A_332, %shift_right_logical3A_339 : vector<16xi32>
    %swap3A_341 = arith.constant 48 : index
    %swap3A_342 = tpu.vector_load %arg12[%swap3A_341] {strides = array<i32>} : memref<80xi32, #tpu.memory_space<vmem>>, vector<16xi32>,
    tpu.vector_store %arg12[%swap3A_341], %shift_right_logical3A_340 {strides = array<i32>} : memref<80xi32, #tpu.memory_space<vmem>>, vector<16xi32>,
    %get3A_343 = arith.constant 9984 : index
    %get3A_344 = tpu.vector_load %arg7[%get3A_343] {strides = array<i32>} : memref<10000xi32, #tpu.memory_space<vmem>>, vector<16xi32>,
    %and3A_345 = arith.constant 16383 : i32
    %and3A_346 = vector.broadcast %and3A_345 : i32 to vector<16xi32>
    %and3A_347 = arith.andi %get3A_344, %and3A_346 : vector<16xi32>
    %swap3A_348 = arith.constant 64 : index
    %swap3A_349 = tpu.vector_load %arg9[%swap3A_348] {strides = array<i32>} : memref<80xi32, #tpu.memory_space<vmem>>, vector<16xi32>,
    tpu.vector_store %arg9[%swap3A_348], %and3A_347 {strides = array<i32>} : memref<80xi32, #tpu.memory_space<vmem>>, vector<16xi32>,
    %shift_right_logical3A_350 = arith.constant 14 : i32
    %shift_right_logical3A_351 = vector.broadcast %shift_right_logical3A_350 : i32 to vector<16xi32>
    %shift_right_logical3A_352 = arith.shrui %get3A_344, %shift_right_logical3A_351 : vector<16xi32>
    %swap3A_353 = arith.constant 64 : index
    %swap3A_354 = tpu.vector_load %arg12[%swap3A_353] {strides = array<i32>} : memref<80xi32, #tpu.memory_space<vmem>>, vector<16xi32>,
    tpu.vector_store %arg12[%swap3A_353], %shift_right_logical3A_352 {strides = array<i32>} : memref<80xi32, #tpu.memory_space<vmem>>, vector<16xi32>,
    %dma_start3A_355 = arith.constant 0 : i32
    %dma_start3A_356 = arith.constant 0 : i32
    %dma_start3A_357 = tpu.memref_slice %arg2[%dma_start3A_355, %dma_start3A_356] : memref<10112x136xf32, #tpu.memory_space<hbm>> -> memref<10112x136xf32, #tpu.memory_space<hbm>>
    tpu.enqueue_indirect_dma source(%dma_start3A_357 : memref<10112x136xf32, #tpu.memory_space<hbm>>) target(%arg15 : memref<80x136xf32, #tpu.memory_space<vmem>>) offsets(%arg9 : memref<80xi32, #tpu.memory_space<vmem>>) semaphore(%arg18 : memref<!tpu.dma_semaphore, #tpu.memory_space<semaphore_mem>>)
    %dma_wait3A_358 = arith.constant 0 : i32
    %dma_wait3A_359 = arith.constant 0 : i32
    %dma_wait3A_360 = tpu.memref_slice %arg2[%dma_wait3A_358, %dma_wait3A_359] : memref<10112x136xf32, #tpu.memory_space<hbm>> -> memref<80x136xf32, #tpu.memory_space<hbm>>
    %dma_wait3A_361 = arith.constant 0 : i32
    %dma_wait3A_362 = arith.constant 0 : i32
    %dma_wait3A_363 = tpu.memref_slice %arg2[%dma_wait3A_361, %dma_wait3A_362] : memref<10112x136xf32, #tpu.memory_space<hbm>> -> memref<80x136xf32, #tpu.memory_space<hbm>>
    tpu.wait_dma2 semaphore(%arg18 : memref<!tpu.dma_semaphore, #tpu.memory_space<semaphore_mem>>) src(%dma_wait3A_363 : memref<80x136xf32, #tpu.memory_space<hbm>>) dst(%arg14 : memref<80x136xf32, #tpu.memory_space<vmem>>)
    %dma_start3A_364 = arith.constant 0 : i32
    %dma_start3A_365 = arith.constant 0 : i32
    %dma_start3A_366 = tpu.memref_slice %arg17[%dma_start3A_364, %dma_start3A_365] : memref<10112x136xf32, #tpu.memory_space<vmem_shared>> -> memref<10112x136xf32, #tpu.memory_space<vmem_shared>>
    tpu.enqueue_indirect_dma source(%arg14 : memref<80x136xf32, #tpu.memory_space<vmem>>) target(%dma_start3A_366 : memref<10112x136xf32, #tpu.memory_space<vmem_shared>>) offsets(%arg11 : memref<80xi32, #tpu.memory_space<vmem>>) semaphore(%arg19 : memref<!tpu.dma_semaphore, #tpu.memory_space<semaphore_mem>>) {add = true}
    %dma_wait3A_367 = arith.constant 0 : i32
    %dma_wait3A_368 = arith.constant 0 : i32
    %dma_wait3A_369 = tpu.memref_slice %arg2[%dma_wait3A_367, %dma_wait3A_368] : memref<10112x136xf32, #tpu.memory_space<hbm>> -> memref<80x136xf32, #tpu.memory_space<hbm>>
    %dma_wait3A_370 = arith.constant 0 : i32
    %dma_wait3A_371 = arith.constant 0 : i32
    %dma_wait3A_372 = tpu.memref_slice %arg2[%dma_wait3A_370, %dma_wait3A_371] : memref<10112x136xf32, #tpu.memory_space<hbm>> -> memref<80x136xf32, #tpu.memory_space<hbm>>
    tpu.wait_dma2 semaphore(%arg18 : memref<!tpu.dma_semaphore, #tpu.memory_space<semaphore_mem>>) src(%dma_wait3A_372 : memref<80x136xf32, #tpu.memory_space<hbm>>) dst(%arg15 : memref<80x136xf32, #tpu.memory_space<vmem>>)
    %dma_start3A_373 = arith.constant 0 : i32
    %dma_start3A_374 = arith.constant 0 : i32
    %dma_start3A_375 = tpu.memref_slice %arg17[%dma_start3A_373, %dma_start3A_374] : memref<10112x136xf32, #tpu.memory_space<vmem_shared>> -> memref<10112x136xf32, #tpu.memory_space<vmem_shared>>
    tpu.enqueue_indirect_dma source(%arg15 : memref<80x136xf32, #tpu.memory_space<vmem>>) target(%dma_start3A_375 : memref<10112x136xf32, #tpu.memory_space<vmem_shared>>) offsets(%arg12 : memref<80xi32, #tpu.memory_space<vmem>>) semaphore(%arg19 : memref<!tpu.dma_semaphore, #tpu.memory_space<semaphore_mem>>) {add = true}
    %dma_wait3A_376 = arith.constant 0 : i32
    %dma_wait3A_377 = arith.constant 0 : i32
    %dma_wait3A_378 = tpu.memref_slice %arg2[%dma_wait3A_376, %dma_wait3A_377] : memref<10112x136xf32, #tpu.memory_space<hbm>> -> memref<80x136xf32, #tpu.memory_space<hbm>>
    %dma_wait3A_379 = arith.constant 0 : i32
    %dma_wait3A_380 = arith.constant 0 : i32
    %dma_wait3A_381 = tpu.memref_slice %arg2[%dma_wait3A_379, %dma_wait3A_380] : memref<10112x136xf32, #tpu.memory_space<hbm>> -> memref<80x136xf32, #tpu.memory_space<hbm>>
    tpu.wait_dma2 semaphore(%arg19 : memref<!tpu.dma_semaphore, #tpu.memory_space<semaphore_mem>>) src(%dma_wait3A_381 : memref<80x136xf32, #tpu.memory_space<hbm>>) dst(%arg16 : memref<80x136xf32, #tpu.memory_space<vmem>>)
    %dma_wait3A_382 = arith.constant 0 : i32
    %dma_wait3A_383 = arith.constant 0 : i32
    %dma_wait3A_384 = tpu.memref_slice %arg2[%dma_wait3A_382, %dma_wait3A_383] : memref<10112x136xf32, #tpu.memory_space<hbm>> -> memref<80x136xf32, #tpu.memory_space<hbm>>
    %dma_wait3A_385 = arith.constant 0 : i32
    %dma_wait3A_386 = arith.constant 0 : i32
    %dma_wait3A_387 = tpu.memref_slice %arg2[%dma_wait3A_385, %dma_wait3A_386] : memref<10112x136xf32, #tpu.memory_space<hbm>> -> memref<80x136xf32, #tpu.memory_space<hbm>>
    tpu.wait_dma2 semaphore(%arg19 : memref<!tpu.dma_semaphore, #tpu.memory_space<semaphore_mem>>) src(%dma_wait3A_387 : memref<80x136xf32, #tpu.memory_space<hbm>>) dst(%arg14 : memref<80x136xf32, #tpu.memory_space<vmem>>)
    %dma_wait3A_388 = arith.constant 0 : i32
    %dma_wait3A_389 = arith.constant 0 : i32
    %dma_wait3A_390 = tpu.memref_slice %arg2[%dma_wait3A_388, %dma_wait3A_389] : memref<10112x136xf32, #tpu.memory_space<hbm>> -> memref<80x136xf32, #tpu.memory_space<hbm>>
    %dma_wait3A_391 = arith.constant 0 : i32
    %dma_wait3A_392 = arith.constant 0 : i32
    %dma_wait3A_393 = tpu.memref_slice %arg2[%dma_wait3A_391, %dma_wait3A_392] : memref<10112x136xf32, #tpu.memory_space<hbm>> -> memref<80x136xf32, #tpu.memory_space<hbm>>
    tpu.wait_dma2 semaphore(%arg19 : memref<!tpu.dma_semaphore, #tpu.memory_space<semaphore_mem>>) src(%dma_wait3A_393 : memref<80x136xf32, #tpu.memory_space<hbm>>) dst(%arg15 : memref<80x136xf32, #tpu.memory_space<vmem>>)
    %barrier3A_394 = arith.constant 0 : index
    tpu.barrier barrier_id(%barrier3A_394)
    %mul3A_395 = arith.constant 632 : i32
    %mul3A_396 = arith.muli %arg1, %mul3A_395 : i32
    %mul3A_397 = arith.constant 10112 : i32
    %mul3A_398 = arith.muli %arg0, %mul3A_397 : i32
    %mul3A_399 = arith.constant 632 : i32
    %mul3A_400 = arith.muli %arg1, %mul3A_399 : i32
    %add3A_401 = arith.addi %mul3A_398, %mul3A_400 : i32
    "tpu.region"() ({
      %run_scoped3A = tpu.sem_alloc : memref<!tpu.dma_semaphore, #tpu.memory_space<semaphore_mem>>
      %dma_start3A_409 = arith.constant 0 : i32
      %dma_start3A_410 = tpu.memref_slice %arg5[%add3A_401, %dma_start3A_409] : memref<20224x128xf32, #tpu.memory_space<hbm>> -> memref<632x128xf32, #tpu.memory_space<hbm>>
      %dma_start3A_411 = arith.constant 0 : i32
      %dma_start3A_412 = tpu.memref_slice %arg17[%mul3A_396, %dma_start3A_411] : memref<10112x136xf32, #tpu.memory_space<vmem_shared>> -> memref<632x128xf32, #tpu.memory_space<vmem_shared>>
      tpu.enqueue_dma source(%dma_start3A_412 : memref<632x128xf32, #tpu.memory_space<vmem_shared>>) target(%dma_start3A_410 : memref<632x128xf32, #tpu.memory_space<hbm>>) target_semaphore(%run_scoped3A : memref<!tpu.dma_semaphore, #tpu.memory_space<semaphore_mem>>)
      %dma_wait3A_413 = arith.constant 0 : i32
      %dma_wait3A_414 = tpu.memref_slice %arg5[%add3A_401, %dma_wait3A_413] : memref<20224x128xf32, #tpu.memory_space<hbm>> -> memref<632x128xf32, #tpu.memory_space<hbm>>
      %dma_wait3A_415 = arith.constant 0 : i32
      %dma_wait3A_416 = tpu.memref_slice %arg17[%mul3A_396, %dma_wait3A_415] : memref<10112x136xf32, #tpu.memory_space<vmem_shared>> -> memref<632x128xf32, #tpu.memory_space<vmem_shared>>
      tpu.wait_dma2 semaphore(%run_scoped3A : memref<!tpu.dma_semaphore, #tpu.memory_space<semaphore_mem>>) src(%dma_wait3A_416 : memref<632x128xf32, #tpu.memory_space<vmem_shared>>) dst(%dma_wait3A_414 : memref<632x128xf32, #tpu.memory_space<hbm>>)
      tpu.yield
    }) : () -> ()
    %mul3A_402 = arith.constant 632 : i32
    %mul3A_403 = arith.muli %arg1, %mul3A_402 : i32
    %mul3A_404 = arith.constant 10112 : i32
    %mul3A_405 = arith.muli %arg0, %mul3A_404 : i32
    %mul3A_406 = arith.constant 632 : i32
    %mul3A_407 = arith.muli %arg1, %mul3A_406 : i32
    %add3A_408 = arith.addi %mul3A_405, %mul3A_407 : i32
    "tpu.region"() ({
      %run_scoped3A = tpu.sem_alloc : memref<!tpu.dma_semaphore, #tpu.memory_space<semaphore_mem>>
      %dma_start3A_409 = arith.constant 0 : i32
      %dma_start3A_410 = tpu.memref_slice %arg6[%add3A_408, %dma_start3A_409] : memref<20224x8xf32, #tpu.memory_space<hbm>> -> memref<632x8xf32, #tpu.memory_space<hbm>>
      %dma_start3A_411 = arith.constant 128 : i32
      %dma_start3A_412 = tpu.memref_slice %arg17[%mul3A_403, %dma_start3A_411] : memref<10112x136xf32, #tpu.memory_space<vmem_shared>> -> memref<632x8xf32, #tpu.memory_space<vmem_shared>>
      tpu.enqueue_dma source(%dma_start3A_412 : memref<632x8xf32, #tpu.memory_space<vmem_shared>>) target(%dma_start3A_410 : memref<632x8xf32, #tpu.memory_space<hbm>>) target_semaphore(%run_scoped3A : memref<!tpu.dma_semaphore, #tpu.memory_space<semaphore_mem>>)
      %dma_wait3A_413 = arith.constant 0 : i32
      %dma_wait3A_414 = tpu.memref_slice %arg6[%add3A_408, %dma_wait3A_413] : memref<20224x8xf32, #tpu.memory_space<hbm>> -> memref<632x8xf32, #tpu.memory_space<hbm>>
      %dma_wait3A_415 = arith.constant 128 : i32
      %dma_wait3A_416 = tpu.memref_slice %arg17[%mul3A_403, %dma_wait3A_415] : memref<10112x136xf32, #tpu.memory_space<vmem_shared>> -> memref<632x8xf32, #tpu.memory_space<vmem_shared>>
      tpu.wait_dma2 semaphore(%run_scoped3A : memref<!tpu.dma_semaphore, #tpu.memory_space<semaphore_mem>>) src(%dma_wait3A_416 : memref<632x8xf32, #tpu.memory_space<vmem_shared>>) dst(%dma_wait3A_414 : memref<632x8xf32, #tpu.memory_space<hbm>>)
      tpu.yield
    }) : () -> ()
    return
  }
}

#map = affine_map<(d0, d1) -> (0, 0)>
#map1 = affine_map<(d0, d1) -> (0)>
module attributes {stable_mosaic.version = 14 : i64} {
  func.func @body(%arg0: i32, %arg1: i32, %arg2: memref<2x320000xi32, #tpu.memory_space<hbm>>, %arg3: memref<320000xi32, #tpu.memory_space<hbm>>, %arg4: memref<10000xi32, #tpu.memory_space<vmem>>, %arg5: memref<10000xi32, #tpu.memory_space<vmem>>, %arg6: memref<10000xi32, #tpu.memory_space<vmem>>) attributes {dimension_semantics = [#tpu.dimension_semantics<core_parallel>, #tpu.dimension_semantics<subcore_parallel>], iteration_bounds = array<i64: 2, 16>, scalar_prefetch = 0 : i64, scratch_operands = 3 : i64, tpu.core_type = #tpu.core_type<sc_vector_subcore>, window_params = [{transform_indices = #map}, {transform_indices = #map1}]} {
    %mul3A = arith.constant 2 : i32
    %mul3A_0 = arith.muli %arg1, %mul3A : i32
    %add3A = arith.addi %mul3A_0, %arg0 : i32
    %mul3A_1 = arith.constant 10000 : i32
    %mul3A_2 = arith.muli %add3A, %mul3A_1 : i32
    %run_scoped3A = arith.constant 0 : i32
    "tpu.region"() ({
      %run_scoped3A_13 = tpu.sem_alloc : memref<!tpu.dma_semaphore, #tpu.memory_space<semaphore_mem>>
      %dma_start3A = tpu.memref_slice %arg2[%run_scoped3A, %mul3A_2] : memref<2x320000xi32, #tpu.memory_space<hbm>> -> memref<1x10000xi32, #tpu.memory_space<hbm>>
      %dma_start3A_14 = tpu.memref_squeeze %dma_start3A : memref<1x10000xi32, #tpu.memory_space<hbm>> -> memref<10000xi32, #tpu.memory_space<hbm>>
      %dma_start3A_15 = tpu.memref_slice %arg2[%run_scoped3A, %mul3A_2] : memref<2x320000xi32, #tpu.memory_space<hbm>> -> memref<1x10000xi32, #tpu.memory_space<hbm>>
      %dma_start3A_16 = tpu.memref_squeeze %dma_start3A_15 : memref<1x10000xi32, #tpu.memory_space<hbm>> -> memref<10000xi32, #tpu.memory_space<hbm>>
      tpu.enqueue_dma source(%dma_start3A_16 : memref<10000xi32, #tpu.memory_space<hbm>>) target(%arg4 : memref<10000xi32, #tpu.memory_space<vmem>>) target_semaphore(%run_scoped3A_13 : memref<!tpu.dma_semaphore, #tpu.memory_space<semaphore_mem>>)
      %dma_wait3A = tpu.memref_slice %arg2[%run_scoped3A, %mul3A_2] : memref<2x320000xi32, #tpu.memory_space<hbm>> -> memref<1x10000xi32, #tpu.memory_space<hbm>>
      %dma_wait3A_17 = tpu.memref_squeeze %dma_wait3A : memref<1x10000xi32, #tpu.memory_space<hbm>> -> memref<10000xi32, #tpu.memory_space<hbm>>
      %dma_wait3A_18 = tpu.memref_slice %arg2[%run_scoped3A, %mul3A_2] : memref<2x320000xi32, #tpu.memory_space<hbm>> -> memref<1x10000xi32, #tpu.memory_space<hbm>>
      %dma_wait3A_19 = tpu.memref_squeeze %dma_wait3A_18 : memref<1x10000xi32, #tpu.memory_space<hbm>> -> memref<10000xi32, #tpu.memory_space<hbm>>
      tpu.wait_dma2 semaphore(%run_scoped3A_13 : memref<!tpu.dma_semaphore, #tpu.memory_space<semaphore_mem>>) src(%dma_wait3A_19 : memref<10000xi32, #tpu.memory_space<hbm>>) dst(%arg4 : memref<10000xi32, #tpu.memory_space<vmem>>)
      tpu.yield
    }) : () -> ()
    %mul3A_3 = arith.constant 10000 : i32
    %mul3A_4 = arith.muli %add3A, %mul3A_3 : i32
    %run_scoped3A_5 = arith.constant 1 : i32
    "tpu.region"() ({
      %run_scoped3A_13 = tpu.sem_alloc : memref<!tpu.dma_semaphore, #tpu.memory_space<semaphore_mem>>
      %dma_start3A = tpu.memref_slice %arg2[%run_scoped3A_5, %mul3A_4] : memref<2x320000xi32, #tpu.memory_space<hbm>> -> memref<1x10000xi32, #tpu.memory_space<hbm>>
      %dma_start3A_14 = tpu.memref_squeeze %dma_start3A : memref<1x10000xi32, #tpu.memory_space<hbm>> -> memref<10000xi32, #tpu.memory_space<hbm>>
      %dma_start3A_15 = tpu.memref_slice %arg2[%run_scoped3A_5, %mul3A_4] : memref<2x320000xi32, #tpu.memory_space<hbm>> -> memref<1x10000xi32, #tpu.memory_space<hbm>>
      %dma_start3A_16 = tpu.memref_squeeze %dma_start3A_15 : memref<1x10000xi32, #tpu.memory_space<hbm>> -> memref<10000xi32, #tpu.memory_space<hbm>>
      tpu.enqueue_dma source(%dma_start3A_16 : memref<10000xi32, #tpu.memory_space<hbm>>) target(%arg5 : memref<10000xi32, #tpu.memory_space<vmem>>) target_semaphore(%run_scoped3A_13 : memref<!tpu.dma_semaphore, #tpu.memory_space<semaphore_mem>>)
      %dma_wait3A = tpu.memref_slice %arg2[%run_scoped3A_5, %mul3A_4] : memref<2x320000xi32, #tpu.memory_space<hbm>> -> memref<1x10000xi32, #tpu.memory_space<hbm>>
      %dma_wait3A_17 = tpu.memref_squeeze %dma_wait3A : memref<1x10000xi32, #tpu.memory_space<hbm>> -> memref<10000xi32, #tpu.memory_space<hbm>>
      %dma_wait3A_18 = tpu.memref_slice %arg2[%run_scoped3A_5, %mul3A_4] : memref<2x320000xi32, #tpu.memory_space<hbm>> -> memref<1x10000xi32, #tpu.memory_space<hbm>>
      %dma_wait3A_19 = tpu.memref_squeeze %dma_wait3A_18 : memref<1x10000xi32, #tpu.memory_space<hbm>> -> memref<10000xi32, #tpu.memory_space<hbm>>
      tpu.wait_dma2 semaphore(%run_scoped3A_13 : memref<!tpu.dma_semaphore, #tpu.memory_space<semaphore_mem>>) src(%dma_wait3A_19 : memref<10000xi32, #tpu.memory_space<hbm>>) dst(%arg5 : memref<10000xi32, #tpu.memory_space<vmem>>)
      tpu.yield
    }) : () -> ()
    %scan3A = arith.constant 0 : i32
    %scan3A_6 = arith.constant 0 : i32
    %scan3A_7 = arith.constant 125 : i32
    %scan3A_8 = arith.addi %scan3A_6, %scan3A_7 : i32
    %scan3A_9 = arith.constant 1 : i32
    scf.for %scan3A_13 = %scan3A_6 to %scan3A_8 step %scan3A_9  : i32 {
      %mul3A_14 = arith.constant 16 : i32
      %mul3A_15 = arith.muli %scan3A_13, %mul3A_14 : i32
      %mul3A_16 = arith.constant 5 : i32
      %mul3A_17 = arith.muli %mul3A_15, %mul3A_16 : i32
      %add3A_18 = arith.constant 0 : i32
      %add3A_19 = arith.addi %mul3A_17, %add3A_18 : i32
      %get3A = arith.index_cast %add3A_19 : i32 to index
      %get3A_20 = tpu.vector_load %arg4[%get3A] {strides = array<i32>} : memref<10000xi32, #tpu.memory_space<vmem>>, vector<16xi32>,
      %get3A_21 = arith.index_cast %add3A_19 : i32 to index
      %get3A_22 = tpu.vector_load %arg5[%get3A_21] {strides = array<i32>} : memref<10000xi32, #tpu.memory_space<vmem>>, vector<16xi32>,
      %shift_left3A = arith.constant 14 : i32
      %shift_left3A_23 = vector.broadcast %shift_left3A : i32 to vector<16xi32>
      %shift_left3A_24 = arith.shli %get3A_22, %shift_left3A_23 : vector<16xi32>
      %or3A = arith.ori %get3A_20, %shift_left3A_24 : vector<16xi32>
      %swap3A = arith.index_cast %add3A_19 : i32 to index
      %swap3A_25 = tpu.vector_load %arg6[%swap3A] {strides = array<i32>} : memref<10000xi32, #tpu.memory_space<vmem>>, vector<16xi32>,
      tpu.vector_store %arg6[%swap3A], %or3A {strides = array<i32>} : memref<10000xi32, #tpu.memory_space<vmem>>, vector<16xi32>,
      %mul3A_26 = arith.constant 16 : i32
      %mul3A_27 = arith.muli %scan3A_13, %mul3A_26 : i32
      %mul3A_28 = arith.constant 5 : i32
      %mul3A_29 = arith.muli %mul3A_27, %mul3A_28 : i32
      %add3A_30 = arith.constant 16 : i32
      %add3A_31 = arith.addi %mul3A_29, %add3A_30 : i32
      %get3A_32 = arith.index_cast %add3A_31 : i32 to index
      %get3A_33 = tpu.vector_load %arg4[%get3A_32] {strides = array<i32>} : memref<10000xi32, #tpu.memory_space<vmem>>, vector<16xi32>,
      %get3A_34 = arith.index_cast %add3A_31 : i32 to index
      %get3A_35 = tpu.vector_load %arg5[%get3A_34] {strides = array<i32>} : memref<10000xi32, #tpu.memory_space<vmem>>, vector<16xi32>,
      %shift_left3A_36 = arith.constant 14 : i32
      %shift_left3A_37 = vector.broadcast %shift_left3A_36 : i32 to vector<16xi32>
      %shift_left3A_38 = arith.shli %get3A_35, %shift_left3A_37 : vector<16xi32>
      %or3A_39 = arith.ori %get3A_33, %shift_left3A_38 : vector<16xi32>
      %swap3A_40 = arith.index_cast %add3A_31 : i32 to index
      %swap3A_41 = tpu.vector_load %arg6[%swap3A_40] {strides = array<i32>} : memref<10000xi32, #tpu.memory_space<vmem>>, vector<16xi32>,
      tpu.vector_store %arg6[%swap3A_40], %or3A_39 {strides = array<i32>} : memref<10000xi32, #tpu.memory_space<vmem>>, vector<16xi32>,
      %mul3A_42 = arith.constant 16 : i32
      %mul3A_43 = arith.muli %scan3A_13, %mul3A_42 : i32
      %mul3A_44 = arith.constant 5 : i32
      %mul3A_45 = arith.muli %mul3A_43, %mul3A_44 : i32
      %add3A_46 = arith.constant 32 : i32
      %add3A_47 = arith.addi %mul3A_45, %add3A_46 : i32
      %get3A_48 = arith.index_cast %add3A_47 : i32 to index
      %get3A_49 = tpu.vector_load %arg4[%get3A_48] {strides = array<i32>} : memref<10000xi32, #tpu.memory_space<vmem>>, vector<16xi32>,
      %get3A_50 = arith.index_cast %add3A_47 : i32 to index
      %get3A_51 = tpu.vector_load %arg5[%get3A_50] {strides = array<i32>} : memref<10000xi32, #tpu.memory_space<vmem>>, vector<16xi32>,
      %shift_left3A_52 = arith.constant 14 : i32
      %shift_left3A_53 = vector.broadcast %shift_left3A_52 : i32 to vector<16xi32>
      %shift_left3A_54 = arith.shli %get3A_51, %shift_left3A_53 : vector<16xi32>
      %or3A_55 = arith.ori %get3A_49, %shift_left3A_54 : vector<16xi32>
      %swap3A_56 = arith.index_cast %add3A_47 : i32 to index
      %swap3A_57 = tpu.vector_load %arg6[%swap3A_56] {strides = array<i32>} : memref<10000xi32, #tpu.memory_space<vmem>>, vector<16xi32>,
      tpu.vector_store %arg6[%swap3A_56], %or3A_55 {strides = array<i32>} : memref<10000xi32, #tpu.memory_space<vmem>>, vector<16xi32>,
      %mul3A_58 = arith.constant 16 : i32
      %mul3A_59 = arith.muli %scan3A_13, %mul3A_58 : i32
      %mul3A_60 = arith.constant 5 : i32
      %mul3A_61 = arith.muli %mul3A_59, %mul3A_60 : i32
      %add3A_62 = arith.constant 48 : i32
      %add3A_63 = arith.addi %mul3A_61, %add3A_62 : i32
      %get3A_64 = arith.index_cast %add3A_63 : i32 to index
      %get3A_65 = tpu.vector_load %arg4[%get3A_64] {strides = array<i32>} : memref<10000xi32, #tpu.memory_space<vmem>>, vector<16xi32>,
      %get3A_66 = arith.index_cast %add3A_63 : i32 to index
      %get3A_67 = tpu.vector_load %arg5[%get3A_66] {strides = array<i32>} : memref<10000xi32, #tpu.memory_space<vmem>>, vector<16xi32>,
      %shift_left3A_68 = arith.constant 14 : i32
      %shift_left3A_69 = vector.broadcast %shift_left3A_68 : i32 to vector<16xi32>
      %shift_left3A_70 = arith.shli %get3A_67, %shift_left3A_69 : vector<16xi32>
      %or3A_71 = arith.ori %get3A_65, %shift_left3A_70 : vector<16xi32>
      %swap3A_72 = arith.index_cast %add3A_63 : i32 to index
      %swap3A_73 = tpu.vector_load %arg6[%swap3A_72] {strides = array<i32>} : memref<10000xi32, #tpu.memory_space<vmem>>, vector<16xi32>,
      tpu.vector_store %arg6[%swap3A_72], %or3A_71 {strides = array<i32>} : memref<10000xi32, #tpu.memory_space<vmem>>, vector<16xi32>,
      %mul3A_74 = arith.constant 16 : i32
      %mul3A_75 = arith.muli %scan3A_13, %mul3A_74 : i32
      %mul3A_76 = arith.constant 5 : i32
      %mul3A_77 = arith.muli %mul3A_75, %mul3A_76 : i32
      %add3A_78 = arith.constant 64 : i32
      %add3A_79 = arith.addi %mul3A_77, %add3A_78 : i32
      %get3A_80 = arith.index_cast %add3A_79 : i32 to index
      %get3A_81 = tpu.vector_load %arg4[%get3A_80] {strides = array<i32>} : memref<10000xi32, #tpu.memory_space<vmem>>, vector<16xi32>,
      %get3A_82 = arith.index_cast %add3A_79 : i32 to index
      %get3A_83 = tpu.vector_load %arg5[%get3A_82] {strides = array<i32>} : memref<10000xi32, #tpu.memory_space<vmem>>, vector<16xi32>,
      %shift_left3A_84 = arith.constant 14 : i32
      %shift_left3A_85 = vector.broadcast %shift_left3A_84 : i32 to vector<16xi32>
      %shift_left3A_86 = arith.shli %get3A_83, %shift_left3A_85 : vector<16xi32>
      %or3A_87 = arith.ori %get3A_81, %shift_left3A_86 : vector<16xi32>
      %swap3A_88 = arith.index_cast %add3A_79 : i32 to index
      %swap3A_89 = tpu.vector_load %arg6[%swap3A_88] {strides = array<i32>} : memref<10000xi32, #tpu.memory_space<vmem>>, vector<16xi32>,
      tpu.vector_store %arg6[%swap3A_88], %or3A_87 {strides = array<i32>} : memref<10000xi32, #tpu.memory_space<vmem>>, vector<16xi32>,
    }
    %scan3A_10 = arith.constant 125 : i32
    %mul3A_11 = arith.constant 10000 : i32
    %mul3A_12 = arith.muli %add3A, %mul3A_11 : i32
    "tpu.region"() ({
      %run_scoped3A_13 = tpu.sem_alloc : memref<!tpu.dma_semaphore, #tpu.memory_space<semaphore_mem>>
      %dma_start3A = tpu.memref_slice %arg3[%mul3A_12] : memref<320000xi32, #tpu.memory_space<hbm>> -> memref<10000xi32, #tpu.memory_space<hbm>>
      %dma_start3A_14 = tpu.memref_slice %arg3[%mul3A_12] : memref<320000xi32, #tpu.memory_space<hbm>> -> memref<10000xi32, #tpu.memory_space<hbm>>
      tpu.enqueue_dma source(%arg6 : memref<10000xi32, #tpu.memory_space<vmem>>) target(%dma_start3A_14 : memref<10000xi32, #tpu.memory_space<hbm>>) target_semaphore(%run_scoped3A_13 : memref<!tpu.dma_semaphore, #tpu.memory_space<semaphore_mem>>)
      %dma_wait3A = tpu.memref_slice %arg3[%mul3A_12] : memref<320000xi32, #tpu.memory_space<hbm>> -> memref<10000xi32, #tpu.memory_space<hbm>>
      %dma_wait3A_15 = tpu.memref_slice %arg3[%mul3A_12] : memref<320000xi32, #tpu.memory_space<hbm>> -> memref<10000xi32, #tpu.memory_space<hbm>>
      tpu.wait_dma2 semaphore(%run_scoped3A_13 : memref<!tpu.dma_semaphore, #tpu.memory_space<semaphore_mem>>) src(%arg6 : memref<10000xi32, #tpu.memory_space<vmem>>) dst(%dma_wait3A_15 : memref<10000xi32, #tpu.memory_space<hbm>>)
      tpu.yield
    }) : () -> ()
    return
  }
}

#map = affine_map<(d0, d1) -> (0, 0)>
#map1 = affine_map<(d0, d1) -> (0)>
module attributes {stable_mosaic.version = 14 : i64} {
  func.func @body(%arg0: i32, %arg1: i32, %arg2: memref<10112x128xf32, #tpu.memory_space<hbm>>, %arg3: memref<320000xi32, #tpu.memory_space<hbm>>, %arg4: memref<632x128xf32, #tpu.memory_space<hbm>>, %arg5: memref<20224x128xf32, #tpu.memory_space<hbm>>, %arg6: memref<10000xi32, #tpu.memory_space<vmem>>, %arg7: memref<80xi32, #tpu.memory_space<vmem>>, %arg8: memref<80xi32, #tpu.memory_space<vmem>>, %arg9: memref<80xi32, #tpu.memory_space<vmem>>, %arg10: memref<80xi32, #tpu.memory_space<vmem>>, %arg11: memref<80xi32, #tpu.memory_space<vmem>>, %arg12: memref<80xi32, #tpu.memory_space<vmem>>, %arg13: memref<80x128xf32, #tpu.memory_space<vmem>>, %arg14: memref<80x128xf32, #tpu.memory_space<vmem>>, %arg15: memref<80x128xf32, #tpu.memory_space<vmem>>, %arg16: memref<10112x128xf32, #tpu.memory_space<vmem_shared>>, %arg17: memref<!tpu.dma_semaphore, #tpu.memory_space<semaphore_mem>>, %arg18: memref<!tpu.dma_semaphore, #tpu.memory_space<semaphore_mem>>) attributes {dimension_semantics = [#tpu.dimension_semantics<core_parallel>, #tpu.dimension_semantics<subcore_parallel>], iteration_bounds = array<i64: 2, 16>, scalar_prefetch = 0 : i64, scratch_operands = 13 : i64, tpu.core_type = #tpu.core_type<sc_vector_subcore>, window_params = [{transform_indices = #map}, {transform_indices = #map1}, {transform_indices = #map}, {transform_indices = #map}]} {
    %mul3A = arith.constant 2 : i32
    %mul3A_0 = arith.muli %arg1, %mul3A : i32
    %add3A = arith.addi %mul3A_0, %arg0 : i32
    %mul3A_1 = arith.constant 632 : i32
    %mul3A_2 = arith.muli %arg1, %mul3A_1 : i32
    "tpu.region"() ({
      %run_scoped3A = tpu.sem_alloc : memref<!tpu.dma_semaphore, #tpu.memory_space<semaphore_mem>>
      %dma_start3A_402 = arith.constant 0 : i32
      %dma_start3A_403 = tpu.memref_slice %arg16[%mul3A_2, %dma_start3A_402] : memref<10112x128xf32, #tpu.memory_space<vmem_shared>> -> memref<632x128xf32, #tpu.memory_space<vmem_shared>>
      tpu.enqueue_dma source(%arg4 : memref<632x128xf32, #tpu.memory_space<hbm>>) target(%dma_start3A_403 : memref<632x128xf32, #tpu.memory_space<vmem_shared>>) target_semaphore(%run_scoped3A : memref<!tpu.dma_semaphore, #tpu.memory_space<semaphore_mem>>)
      %dma_wait3A_404 = arith.constant 0 : i32
      %dma_wait3A_405 = tpu.memref_slice %arg16[%mul3A_2, %dma_wait3A_404] : memref<10112x128xf32, #tpu.memory_space<vmem_shared>> -> memref<632x128xf32, #tpu.memory_space<vmem_shared>>
      tpu.wait_dma2 semaphore(%run_scoped3A : memref<!tpu.dma_semaphore, #tpu.memory_space<semaphore_mem>>) src(%arg4 : memref<632x128xf32, #tpu.memory_space<hbm>>) dst(%dma_wait3A_405 : memref<632x128xf32, #tpu.memory_space<vmem_shared>>)
      tpu.yield
    }) : () -> ()
    %mul3A_3 = arith.constant 10000 : i32
    %mul3A_4 = arith.muli %add3A, %mul3A_3 : i32
    "tpu.region"() ({
      %run_scoped3A = tpu.sem_alloc : memref<!tpu.dma_semaphore, #tpu.memory_space<semaphore_mem>>
      %dma_start3A_402 = tpu.memref_slice %arg3[%mul3A_4] : memref<320000xi32, #tpu.memory_space<hbm>> -> memref<10000xi32, #tpu.memory_space<hbm>>
      %dma_start3A_403 = tpu.memref_slice %arg3[%mul3A_4] : memref<320000xi32, #tpu.memory_space<hbm>> -> memref<10000xi32, #tpu.memory_space<hbm>>
      tpu.enqueue_dma source(%dma_start3A_403 : memref<10000xi32, #tpu.memory_space<hbm>>) target(%arg6 : memref<10000xi32, #tpu.memory_space<vmem>>) target_semaphore(%run_scoped3A : memref<!tpu.dma_semaphore, #tpu.memory_space<semaphore_mem>>)
      %dma_wait3A_404 = tpu.memref_slice %arg3[%mul3A_4] : memref<320000xi32, #tpu.memory_space<hbm>> -> memref<10000xi32, #tpu.memory_space<hbm>>
      %dma_wait3A_405 = tpu.memref_slice %arg3[%mul3A_4] : memref<320000xi32, #tpu.memory_space<hbm>> -> memref<10000xi32, #tpu.memory_space<hbm>>
      tpu.wait_dma2 semaphore(%run_scoped3A : memref<!tpu.dma_semaphore, #tpu.memory_space<semaphore_mem>>) src(%dma_wait3A_405 : memref<10000xi32, #tpu.memory_space<hbm>>) dst(%arg6 : memref<10000xi32, #tpu.memory_space<vmem>>)
      tpu.yield
    }) : () -> ()
    %barrier3A = arith.constant 0 : index
    tpu.barrier barrier_id(%barrier3A)
    %get3A = arith.constant 0 : index
    %get3A_5 = tpu.vector_load %arg6[%get3A] {strides = array<i32>} : memref<10000xi32, #tpu.memory_space<vmem>>, vector<16xi32>,
    %and3A = arith.constant 16383 : i32
    %and3A_6 = vector.broadcast %and3A : i32 to vector<16xi32>
    %and3A_7 = arith.andi %get3A_5, %and3A_6 : vector<16xi32>
    %swap3A = arith.constant 0 : index
    %swap3A_8 = tpu.vector_load %arg7[%swap3A] {strides = array<i32>} : memref<80xi32, #tpu.memory_space<vmem>>, vector<16xi32>,
    tpu.vector_store %arg7[%swap3A], %and3A_7 {strides = array<i32>} : memref<80xi32, #tpu.memory_space<vmem>>, vector<16xi32>,
    %shift_right_logical3A = arith.constant 14 : i32
    %shift_right_logical3A_9 = vector.broadcast %shift_right_logical3A : i32 to vector<16xi32>
    %shift_right_logical3A_10 = arith.shrui %get3A_5, %shift_right_logical3A_9 : vector<16xi32>
    %swap3A_11 = arith.constant 0 : index
    %swap3A_12 = tpu.vector_load %arg10[%swap3A_11] {strides = array<i32>} : memref<80xi32, #tpu.memory_space<vmem>>, vector<16xi32>,
    tpu.vector_store %arg10[%swap3A_11], %shift_right_logical3A_10 {strides = array<i32>} : memref<80xi32, #tpu.memory_space<vmem>>, vector<16xi32>,
    %get3A_13 = arith.constant 16 : index
    %get3A_14 = tpu.vector_load %arg6[%get3A_13] {strides = array<i32>} : memref<10000xi32, #tpu.memory_space<vmem>>, vector<16xi32>,
    %and3A_15 = arith.constant 16383 : i32
    %and3A_16 = vector.broadcast %and3A_15 : i32 to vector<16xi32>
    %and3A_17 = arith.andi %get3A_14, %and3A_16 : vector<16xi32>
    %swap3A_18 = arith.constant 16 : index
    %swap3A_19 = tpu.vector_load %arg7[%swap3A_18] {strides = array<i32>} : memref<80xi32, #tpu.memory_space<vmem>>, vector<16xi32>,
    tpu.vector_store %arg7[%swap3A_18], %and3A_17 {strides = array<i32>} : memref<80xi32, #tpu.memory_space<vmem>>, vector<16xi32>,
    %shift_right_logical3A_20 = arith.constant 14 : i32
    %shift_right_logical3A_21 = vector.broadcast %shift_right_logical3A_20 : i32 to vector<16xi32>
    %shift_right_logical3A_22 = arith.shrui %get3A_14, %shift_right_logical3A_21 : vector<16xi32>
    %swap3A_23 = arith.constant 16 : index
    %swap3A_24 = tpu.vector_load %arg10[%swap3A_23] {strides = array<i32>} : memref<80xi32, #tpu.memory_space<vmem>>, vector<16xi32>,
    tpu.vector_store %arg10[%swap3A_23], %shift_right_logical3A_22 {strides = array<i32>} : memref<80xi32, #tpu.memory_space<vmem>>, vector<16xi32>,
    %get3A_25 = arith.constant 32 : index
    %get3A_26 = tpu.vector_load %arg6[%get3A_25] {strides = array<i32>} : memref<10000xi32, #tpu.memory_space<vmem>>, vector<16xi32>,
    %and3A_27 = arith.constant 16383 : i32
    %and3A_28 = vector.broadcast %and3A_27 : i32 to vector<16xi32>
    %and3A_29 = arith.andi %get3A_26, %and3A_28 : vector<16xi32>
    %swap3A_30 = arith.constant 32 : index
    %swap3A_31 = tpu.vector_load %arg7[%swap3A_30] {strides = array<i32>} : memref<80xi32, #tpu.memory_space<vmem>>, vector<16xi32>,
    tpu.vector_store %arg7[%swap3A_30], %and3A_29 {strides = array<i32>} : memref<80xi32, #tpu.memory_space<vmem>>, vector<16xi32>,
    %shift_right_logical3A_32 = arith.constant 14 : i32
    %shift_right_logical3A_33 = vector.broadcast %shift_right_logical3A_32 : i32 to vector<16xi32>
    %shift_right_logical3A_34 = arith.shrui %get3A_26, %shift_right_logical3A_33 : vector<16xi32>
    %swap3A_35 = arith.constant 32 : index
    %swap3A_36 = tpu.vector_load %arg10[%swap3A_35] {strides = array<i32>} : memref<80xi32, #tpu.memory_space<vmem>>, vector<16xi32>,
    tpu.vector_store %arg10[%swap3A_35], %shift_right_logical3A_34 {strides = array<i32>} : memref<80xi32, #tpu.memory_space<vmem>>, vector<16xi32>,
    %get3A_37 = arith.constant 48 : index
    %get3A_38 = tpu.vector_load %arg6[%get3A_37] {strides = array<i32>} : memref<10000xi32, #tpu.memory_space<vmem>>, vector<16xi32>,
    %and3A_39 = arith.constant 16383 : i32
    %and3A_40 = vector.broadcast %and3A_39 : i32 to vector<16xi32>
    %and3A_41 = arith.andi %get3A_38, %and3A_40 : vector<16xi32>
    %swap3A_42 = arith.constant 48 : index
    %swap3A_43 = tpu.vector_load %arg7[%swap3A_42] {strides = array<i32>} : memref<80xi32, #tpu.memory_space<vmem>>, vector<16xi32>,
    tpu.vector_store %arg7[%swap3A_42], %and3A_41 {strides = array<i32>} : memref<80xi32, #tpu.memory_space<vmem>>, vector<16xi32>,
    %shift_right_logical3A_44 = arith.constant 14 : i32
    %shift_right_logical3A_45 = vector.broadcast %shift_right_logical3A_44 : i32 to vector<16xi32>
    %shift_right_logical3A_46 = arith.shrui %get3A_38, %shift_right_logical3A_45 : vector<16xi32>
    %swap3A_47 = arith.constant 48 : index
    %swap3A_48 = tpu.vector_load %arg10[%swap3A_47] {strides = array<i32>} : memref<80xi32, #tpu.memory_space<vmem>>, vector<16xi32>,
    tpu.vector_store %arg10[%swap3A_47], %shift_right_logical3A_46 {strides = array<i32>} : memref<80xi32, #tpu.memory_space<vmem>>, vector<16xi32>,
    %get3A_49 = arith.constant 64 : index
    %get3A_50 = tpu.vector_load %arg6[%get3A_49] {strides = array<i32>} : memref<10000xi32, #tpu.memory_space<vmem>>, vector<16xi32>,
    %and3A_51 = arith.constant 16383 : i32
    %and3A_52 = vector.broadcast %and3A_51 : i32 to vector<16xi32>
    %and3A_53 = arith.andi %get3A_50, %and3A_52 : vector<16xi32>
    %swap3A_54 = arith.constant 64 : index
    %swap3A_55 = tpu.vector_load %arg7[%swap3A_54] {strides = array<i32>} : memref<80xi32, #tpu.memory_space<vmem>>, vector<16xi32>,
    tpu.vector_store %arg7[%swap3A_54], %and3A_53 {strides = array<i32>} : memref<80xi32, #tpu.memory_space<vmem>>, vector<16xi32>,
    %shift_right_logical3A_56 = arith.constant 14 : i32
    %shift_right_logical3A_57 = vector.broadcast %shift_right_logical3A_56 : i32 to vector<16xi32>
    %shift_right_logical3A_58 = arith.shrui %get3A_50, %shift_right_logical3A_57 : vector<16xi32>
    %swap3A_59 = arith.constant 64 : index
    %swap3A_60 = tpu.vector_load %arg10[%swap3A_59] {strides = array<i32>} : memref<80xi32, #tpu.memory_space<vmem>>, vector<16xi32>,
    tpu.vector_store %arg10[%swap3A_59], %shift_right_logical3A_58 {strides = array<i32>} : memref<80xi32, #tpu.memory_space<vmem>>, vector<16xi32>,
    %dma_start3A = arith.constant 0 : i32
    %dma_start3A_61 = arith.constant 0 : i32
    %dma_start3A_62 = tpu.memref_slice %arg2[%dma_start3A, %dma_start3A_61] : memref<10112x128xf32, #tpu.memory_space<hbm>> -> memref<10112x128xf32, #tpu.memory_space<hbm>>
    tpu.enqueue_indirect_dma source(%dma_start3A_62 : memref<10112x128xf32, #tpu.memory_space<hbm>>) target(%arg13 : memref<80x128xf32, #tpu.memory_space<vmem>>) offsets(%arg7 : memref<80xi32, #tpu.memory_space<vmem>>) semaphore(%arg17 : memref<!tpu.dma_semaphore, #tpu.memory_space<semaphore_mem>>)
    %get3A_63 = arith.constant 80 : index
    %get3A_64 = tpu.vector_load %arg6[%get3A_63] {strides = array<i32>} : memref<10000xi32, #tpu.memory_space<vmem>>, vector<16xi32>,
    %and3A_65 = arith.constant 16383 : i32
    %and3A_66 = vector.broadcast %and3A_65 : i32 to vector<16xi32>
    %and3A_67 = arith.andi %get3A_64, %and3A_66 : vector<16xi32>
    %swap3A_68 = arith.constant 0 : index
    %swap3A_69 = tpu.vector_load %arg8[%swap3A_68] {strides = array<i32>} : memref<80xi32, #tpu.memory_space<vmem>>, vector<16xi32>,
    tpu.vector_store %arg8[%swap3A_68], %and3A_67 {strides = array<i32>} : memref<80xi32, #tpu.memory_space<vmem>>, vector<16xi32>,
    %shift_right_logical3A_70 = arith.constant 14 : i32
    %shift_right_logical3A_71 = vector.broadcast %shift_right_logical3A_70 : i32 to vector<16xi32>
    %shift_right_logical3A_72 = arith.shrui %get3A_64, %shift_right_logical3A_71 : vector<16xi32>
    %swap3A_73 = arith.constant 0 : index
    %swap3A_74 = tpu.vector_load %arg11[%swap3A_73] {strides = array<i32>} : memref<80xi32, #tpu.memory_space<vmem>>, vector<16xi32>,
    tpu.vector_store %arg11[%swap3A_73], %shift_right_logical3A_72 {strides = array<i32>} : memref<80xi32, #tpu.memory_space<vmem>>, vector<16xi32>,
    %get3A_75 = arith.constant 96 : index
    %get3A_76 = tpu.vector_load %arg6[%get3A_75] {strides = array<i32>} : memref<10000xi32, #tpu.memory_space<vmem>>, vector<16xi32>,
    %and3A_77 = arith.constant 16383 : i32
    %and3A_78 = vector.broadcast %and3A_77 : i32 to vector<16xi32>
    %and3A_79 = arith.andi %get3A_76, %and3A_78 : vector<16xi32>
    %swap3A_80 = arith.constant 16 : index
    %swap3A_81 = tpu.vector_load %arg8[%swap3A_80] {strides = array<i32>} : memref<80xi32, #tpu.memory_space<vmem>>, vector<16xi32>,
    tpu.vector_store %arg8[%swap3A_80], %and3A_79 {strides = array<i32>} : memref<80xi32, #tpu.memory_space<vmem>>, vector<16xi32>,
    %shift_right_logical3A_82 = arith.constant 14 : i32
    %shift_right_logical3A_83 = vector.broadcast %shift_right_logical3A_82 : i32 to vector<16xi32>
    %shift_right_logical3A_84 = arith.shrui %get3A_76, %shift_right_logical3A_83 : vector<16xi32>
    %swap3A_85 = arith.constant 16 : index
    %swap3A_86 = tpu.vector_load %arg11[%swap3A_85] {strides = array<i32>} : memref<80xi32, #tpu.memory_space<vmem>>, vector<16xi32>,
    tpu.vector_store %arg11[%swap3A_85], %shift_right_logical3A_84 {strides = array<i32>} : memref<80xi32, #tpu.memory_space<vmem>>, vector<16xi32>,
    %get3A_87 = arith.constant 112 : index
    %get3A_88 = tpu.vector_load %arg6[%get3A_87] {strides = array<i32>} : memref<10000xi32, #tpu.memory_space<vmem>>, vector<16xi32>,
    %and3A_89 = arith.constant 16383 : i32
    %and3A_90 = vector.broadcast %and3A_89 : i32 to vector<16xi32>
    %and3A_91 = arith.andi %get3A_88, %and3A_90 : vector<16xi32>
    %swap3A_92 = arith.constant 32 : index
    %swap3A_93 = tpu.vector_load %arg8[%swap3A_92] {strides = array<i32>} : memref<80xi32, #tpu.memory_space<vmem>>, vector<16xi32>,
    tpu.vector_store %arg8[%swap3A_92], %and3A_91 {strides = array<i32>} : memref<80xi32, #tpu.memory_space<vmem>>, vector<16xi32>,
    %shift_right_logical3A_94 = arith.constant 14 : i32
    %shift_right_logical3A_95 = vector.broadcast %shift_right_logical3A_94 : i32 to vector<16xi32>
    %shift_right_logical3A_96 = arith.shrui %get3A_88, %shift_right_logical3A_95 : vector<16xi32>
    %swap3A_97 = arith.constant 32 : index
    %swap3A_98 = tpu.vector_load %arg11[%swap3A_97] {strides = array<i32>} : memref<80xi32, #tpu.memory_space<vmem>>, vector<16xi32>,
    tpu.vector_store %arg11[%swap3A_97], %shift_right_logical3A_96 {strides = array<i32>} : memref<80xi32, #tpu.memory_space<vmem>>, vector<16xi32>,
    %get3A_99 = arith.constant 128 : index
    %get3A_100 = tpu.vector_load %arg6[%get3A_99] {strides = array<i32>} : memref<10000xi32, #tpu.memory_space<vmem>>, vector<16xi32>,
    %and3A_101 = arith.constant 16383 : i32
    %and3A_102 = vector.broadcast %and3A_101 : i32 to vector<16xi32>
    %and3A_103 = arith.andi %get3A_100, %and3A_102 : vector<16xi32>
    %swap3A_104 = arith.constant 48 : index
    %swap3A_105 = tpu.vector_load %arg8[%swap3A_104] {strides = array<i32>} : memref<80xi32, #tpu.memory_space<vmem>>, vector<16xi32>,
    tpu.vector_store %arg8[%swap3A_104], %and3A_103 {strides = array<i32>} : memref<80xi32, #tpu.memory_space<vmem>>, vector<16xi32>,
    %shift_right_logical3A_106 = arith.constant 14 : i32
    %shift_right_logical3A_107 = vector.broadcast %shift_right_logical3A_106 : i32 to vector<16xi32>
    %shift_right_logical3A_108 = arith.shrui %get3A_100, %shift_right_logical3A_107 : vector<16xi32>
    %swap3A_109 = arith.constant 48 : index
    %swap3A_110 = tpu.vector_load %arg11[%swap3A_109] {strides = array<i32>} : memref<80xi32, #tpu.memory_space<vmem>>, vector<16xi32>,
    tpu.vector_store %arg11[%swap3A_109], %shift_right_logical3A_108 {strides = array<i32>} : memref<80xi32, #tpu.memory_space<vmem>>, vector<16xi32>,
    %get3A_111 = arith.constant 144 : index
    %get3A_112 = tpu.vector_load %arg6[%get3A_111] {strides = array<i32>} : memref<10000xi32, #tpu.memory_space<vmem>>, vector<16xi32>,
    %and3A_113 = arith.constant 16383 : i32
    %and3A_114 = vector.broadcast %and3A_113 : i32 to vector<16xi32>
    %and3A_115 = arith.andi %get3A_112, %and3A_114 : vector<16xi32>
    %swap3A_116 = arith.constant 64 : index
    %swap3A_117 = tpu.vector_load %arg8[%swap3A_116] {strides = array<i32>} : memref<80xi32, #tpu.memory_space<vmem>>, vector<16xi32>,
    tpu.vector_store %arg8[%swap3A_116], %and3A_115 {strides = array<i32>} : memref<80xi32, #tpu.memory_space<vmem>>, vector<16xi32>,
    %shift_right_logical3A_118 = arith.constant 14 : i32
    %shift_right_logical3A_119 = vector.broadcast %shift_right_logical3A_118 : i32 to vector<16xi32>
    %shift_right_logical3A_120 = arith.shrui %get3A_112, %shift_right_logical3A_119 : vector<16xi32>
    %swap3A_121 = arith.constant 64 : index
    %swap3A_122 = tpu.vector_load %arg11[%swap3A_121] {strides = array<i32>} : memref<80xi32, #tpu.memory_space<vmem>>, vector<16xi32>,
    tpu.vector_store %arg11[%swap3A_121], %shift_right_logical3A_120 {strides = array<i32>} : memref<80xi32, #tpu.memory_space<vmem>>, vector<16xi32>,
    %dma_start3A_123 = arith.constant 0 : i32
    %dma_start3A_124 = arith.constant 0 : i32
    %dma_start3A_125 = tpu.memref_slice %arg2[%dma_start3A_123, %dma_start3A_124] : memref<10112x128xf32, #tpu.memory_space<hbm>> -> memref<10112x128xf32, #tpu.memory_space<hbm>>
    tpu.enqueue_indirect_dma source(%dma_start3A_125 : memref<10112x128xf32, #tpu.memory_space<hbm>>) target(%arg14 : memref<80x128xf32, #tpu.memory_space<vmem>>) offsets(%arg8 : memref<80xi32, #tpu.memory_space<vmem>>) semaphore(%arg17 : memref<!tpu.dma_semaphore, #tpu.memory_space<semaphore_mem>>)
    %dma_wait3A = arith.constant 0 : i32
    %dma_wait3A_126 = arith.constant 0 : i32
    %dma_wait3A_127 = tpu.memref_slice %arg2[%dma_wait3A, %dma_wait3A_126] : memref<10112x128xf32, #tpu.memory_space<hbm>> -> memref<80x128xf32, #tpu.memory_space<hbm>>
    %dma_wait3A_128 = arith.constant 0 : i32
    %dma_wait3A_129 = arith.constant 0 : i32
    %dma_wait3A_130 = tpu.memref_slice %arg2[%dma_wait3A_128, %dma_wait3A_129] : memref<10112x128xf32, #tpu.memory_space<hbm>> -> memref<80x128xf32, #tpu.memory_space<hbm>>
    tpu.wait_dma2 semaphore(%arg17 : memref<!tpu.dma_semaphore, #tpu.memory_space<semaphore_mem>>) src(%dma_wait3A_130 : memref<80x128xf32, #tpu.memory_space<hbm>>) dst(%arg13 : memref<80x128xf32, #tpu.memory_space<vmem>>)
    %dma_start3A_131 = arith.constant 0 : i32
    %dma_start3A_132 = arith.constant 0 : i32
    %dma_start3A_133 = tpu.memref_slice %arg16[%dma_start3A_131, %dma_start3A_132] : memref<10112x128xf32, #tpu.memory_space<vmem_shared>> -> memref<10112x128xf32, #tpu.memory_space<vmem_shared>>
    tpu.enqueue_indirect_dma source(%arg13 : memref<80x128xf32, #tpu.memory_space<vmem>>) target(%dma_start3A_133 : memref<10112x128xf32, #tpu.memory_space<vmem_shared>>) offsets(%arg10 : memref<80xi32, #tpu.memory_space<vmem>>) semaphore(%arg18 : memref<!tpu.dma_semaphore, #tpu.memory_space<semaphore_mem>>) {add = true}
    %get3A_134 = arith.constant 160 : index
    %get3A_135 = tpu.vector_load %arg6[%get3A_134] {strides = array<i32>} : memref<10000xi32, #tpu.memory_space<vmem>>, vector<16xi32>,
    %and3A_136 = arith.constant 16383 : i32
    %and3A_137 = vector.broadcast %and3A_136 : i32 to vector<16xi32>
    %and3A_138 = arith.andi %get3A_135, %and3A_137 : vector<16xi32>
    %swap3A_139 = arith.constant 0 : index
    %swap3A_140 = tpu.vector_load %arg9[%swap3A_139] {strides = array<i32>} : memref<80xi32, #tpu.memory_space<vmem>>, vector<16xi32>,
    tpu.vector_store %arg9[%swap3A_139], %and3A_138 {strides = array<i32>} : memref<80xi32, #tpu.memory_space<vmem>>, vector<16xi32>,
    %shift_right_logical3A_141 = arith.constant 14 : i32
    %shift_right_logical3A_142 = vector.broadcast %shift_right_logical3A_141 : i32 to vector<16xi32>
    %shift_right_logical3A_143 = arith.shrui %get3A_135, %shift_right_logical3A_142 : vector<16xi32>
    %swap3A_144 = arith.constant 0 : index
    %swap3A_145 = tpu.vector_load %arg12[%swap3A_144] {strides = array<i32>} : memref<80xi32, #tpu.memory_space<vmem>>, vector<16xi32>,
    tpu.vector_store %arg12[%swap3A_144], %shift_right_logical3A_143 {strides = array<i32>} : memref<80xi32, #tpu.memory_space<vmem>>, vector<16xi32>,
    %get3A_146 = arith.constant 176 : index
    %get3A_147 = tpu.vector_load %arg6[%get3A_146] {strides = array<i32>} : memref<10000xi32, #tpu.memory_space<vmem>>, vector<16xi32>,
    %and3A_148 = arith.constant 16383 : i32
    %and3A_149 = vector.broadcast %and3A_148 : i32 to vector<16xi32>
    %and3A_150 = arith.andi %get3A_147, %and3A_149 : vector<16xi32>
    %swap3A_151 = arith.constant 16 : index
    %swap3A_152 = tpu.vector_load %arg9[%swap3A_151] {strides = array<i32>} : memref<80xi32, #tpu.memory_space<vmem>>, vector<16xi32>,
    tpu.vector_store %arg9[%swap3A_151], %and3A_150 {strides = array<i32>} : memref<80xi32, #tpu.memory_space<vmem>>, vector<16xi32>,
    %shift_right_logical3A_153 = arith.constant 14 : i32
    %shift_right_logical3A_154 = vector.broadcast %shift_right_logical3A_153 : i32 to vector<16xi32>
    %shift_right_logical3A_155 = arith.shrui %get3A_147, %shift_right_logical3A_154 : vector<16xi32>
    %swap3A_156 = arith.constant 16 : index
    %swap3A_157 = tpu.vector_load %arg12[%swap3A_156] {strides = array<i32>} : memref<80xi32, #tpu.memory_space<vmem>>, vector<16xi32>,
    tpu.vector_store %arg12[%swap3A_156], %shift_right_logical3A_155 {strides = array<i32>} : memref<80xi32, #tpu.memory_space<vmem>>, vector<16xi32>,
    %get3A_158 = arith.constant 192 : index
    %get3A_159 = tpu.vector_load %arg6[%get3A_158] {strides = array<i32>} : memref<10000xi32, #tpu.memory_space<vmem>>, vector<16xi32>,
    %and3A_160 = arith.constant 16383 : i32
    %and3A_161 = vector.broadcast %and3A_160 : i32 to vector<16xi32>
    %and3A_162 = arith.andi %get3A_159, %and3A_161 : vector<16xi32>
    %swap3A_163 = arith.constant 32 : index
    %swap3A_164 = tpu.vector_load %arg9[%swap3A_163] {strides = array<i32>} : memref<80xi32, #tpu.memory_space<vmem>>, vector<16xi32>,
    tpu.vector_store %arg9[%swap3A_163], %and3A_162 {strides = array<i32>} : memref<80xi32, #tpu.memory_space<vmem>>, vector<16xi32>,
    %shift_right_logical3A_165 = arith.constant 14 : i32
    %shift_right_logical3A_166 = vector.broadcast %shift_right_logical3A_165 : i32 to vector<16xi32>
    %shift_right_logical3A_167 = arith.shrui %get3A_159, %shift_right_logical3A_166 : vector<16xi32>
    %swap3A_168 = arith.constant 32 : index
    %swap3A_169 = tpu.vector_load %arg12[%swap3A_168] {strides = array<i32>} : memref<80xi32, #tpu.memory_space<vmem>>, vector<16xi32>,
    tpu.vector_store %arg12[%swap3A_168], %shift_right_logical3A_167 {strides = array<i32>} : memref<80xi32, #tpu.memory_space<vmem>>, vector<16xi32>,
    %get3A_170 = arith.constant 208 : index
    %get3A_171 = tpu.vector_load %arg6[%get3A_170] {strides = array<i32>} : memref<10000xi32, #tpu.memory_space<vmem>>, vector<16xi32>,
    %and3A_172 = arith.constant 16383 : i32
    %and3A_173 = vector.broadcast %and3A_172 : i32 to vector<16xi32>
    %and3A_174 = arith.andi %get3A_171, %and3A_173 : vector<16xi32>
    %swap3A_175 = arith.constant 48 : index
    %swap3A_176 = tpu.vector_load %arg9[%swap3A_175] {strides = array<i32>} : memref<80xi32, #tpu.memory_space<vmem>>, vector<16xi32>,
    tpu.vector_store %arg9[%swap3A_175], %and3A_174 {strides = array<i32>} : memref<80xi32, #tpu.memory_space<vmem>>, vector<16xi32>,
    %shift_right_logical3A_177 = arith.constant 14 : i32
    %shift_right_logical3A_178 = vector.broadcast %shift_right_logical3A_177 : i32 to vector<16xi32>
    %shift_right_logical3A_179 = arith.shrui %get3A_171, %shift_right_logical3A_178 : vector<16xi32>
    %swap3A_180 = arith.constant 48 : index
    %swap3A_181 = tpu.vector_load %arg12[%swap3A_180] {strides = array<i32>} : memref<80xi32, #tpu.memory_space<vmem>>, vector<16xi32>,
    tpu.vector_store %arg12[%swap3A_180], %shift_right_logical3A_179 {strides = array<i32>} : memref<80xi32, #tpu.memory_space<vmem>>, vector<16xi32>,
    %get3A_182 = arith.constant 224 : index
    %get3A_183 = tpu.vector_load %arg6[%get3A_182] {strides = array<i32>} : memref<10000xi32, #tpu.memory_space<vmem>>, vector<16xi32>,
    %and3A_184 = arith.constant 16383 : i32
    %and3A_185 = vector.broadcast %and3A_184 : i32 to vector<16xi32>
    %and3A_186 = arith.andi %get3A_183, %and3A_185 : vector<16xi32>
    %swap3A_187 = arith.constant 64 : index
    %swap3A_188 = tpu.vector_load %arg9[%swap3A_187] {strides = array<i32>} : memref<80xi32, #tpu.memory_space<vmem>>, vector<16xi32>,
    tpu.vector_store %arg9[%swap3A_187], %and3A_186 {strides = array<i32>} : memref<80xi32, #tpu.memory_space<vmem>>, vector<16xi32>,
    %shift_right_logical3A_189 = arith.constant 14 : i32
    %shift_right_logical3A_190 = vector.broadcast %shift_right_logical3A_189 : i32 to vector<16xi32>
    %shift_right_logical3A_191 = arith.shrui %get3A_183, %shift_right_logical3A_190 : vector<16xi32>
    %swap3A_192 = arith.constant 64 : index
    %swap3A_193 = tpu.vector_load %arg12[%swap3A_192] {strides = array<i32>} : memref<80xi32, #tpu.memory_space<vmem>>, vector<16xi32>,
    tpu.vector_store %arg12[%swap3A_192], %shift_right_logical3A_191 {strides = array<i32>} : memref<80xi32, #tpu.memory_space<vmem>>, vector<16xi32>,
    %dma_start3A_194 = arith.constant 0 : i32
    %dma_start3A_195 = arith.constant 0 : i32
    %dma_start3A_196 = tpu.memref_slice %arg2[%dma_start3A_194, %dma_start3A_195] : memref<10112x128xf32, #tpu.memory_space<hbm>> -> memref<10112x128xf32, #tpu.memory_space<hbm>>
    tpu.enqueue_indirect_dma source(%dma_start3A_196 : memref<10112x128xf32, #tpu.memory_space<hbm>>) target(%arg15 : memref<80x128xf32, #tpu.memory_space<vmem>>) offsets(%arg9 : memref<80xi32, #tpu.memory_space<vmem>>) semaphore(%arg17 : memref<!tpu.dma_semaphore, #tpu.memory_space<semaphore_mem>>)
    %dma_wait3A_197 = arith.constant 0 : i32
    %dma_wait3A_198 = arith.constant 0 : i32
    %dma_wait3A_199 = tpu.memref_slice %arg2[%dma_wait3A_197, %dma_wait3A_198] : memref<10112x128xf32, #tpu.memory_space<hbm>> -> memref<80x128xf32, #tpu.memory_space<hbm>>
    %dma_wait3A_200 = arith.constant 0 : i32
    %dma_wait3A_201 = arith.constant 0 : i32
    %dma_wait3A_202 = tpu.memref_slice %arg2[%dma_wait3A_200, %dma_wait3A_201] : memref<10112x128xf32, #tpu.memory_space<hbm>> -> memref<80x128xf32, #tpu.memory_space<hbm>>
    tpu.wait_dma2 semaphore(%arg17 : memref<!tpu.dma_semaphore, #tpu.memory_space<semaphore_mem>>) src(%dma_wait3A_202 : memref<80x128xf32, #tpu.memory_space<hbm>>) dst(%arg14 : memref<80x128xf32, #tpu.memory_space<vmem>>)
    %dma_start3A_203 = arith.constant 0 : i32
    %dma_start3A_204 = arith.constant 0 : i32
    %dma_start3A_205 = tpu.memref_slice %arg16[%dma_start3A_203, %dma_start3A_204] : memref<10112x128xf32, #tpu.memory_space<vmem_shared>> -> memref<10112x128xf32, #tpu.memory_space<vmem_shared>>
    tpu.enqueue_indirect_dma source(%arg14 : memref<80x128xf32, #tpu.memory_space<vmem>>) target(%dma_start3A_205 : memref<10112x128xf32, #tpu.memory_space<vmem_shared>>) offsets(%arg11 : memref<80xi32, #tpu.memory_space<vmem>>) semaphore(%arg18 : memref<!tpu.dma_semaphore, #tpu.memory_space<semaphore_mem>>) {add = true}
    %scan3A = arith.constant 0 : i32
    %scan3A_206 = arith.constant 1 : i32
    %scan3A_207 = arith.constant 40 : i32
    %scan3A_208 = arith.addi %scan3A_206, %scan3A_207 : i32
    %scan3A_209 = arith.constant 1 : i32
    scf.for %scan3A_402 = %scan3A_206 to %scan3A_208 step %scan3A_209  : i32 {
      %mul3A_403 = arith.constant 3 : i32
      %mul3A_404 = arith.muli %mul3A_403, %scan3A_402 : i32
      %add3A_405 = arith.constant 0 : i32
      %add3A_406 = arith.addi %mul3A_404, %add3A_405 : i32
      %dma_wait3A_407 = arith.constant 0 : i32
      %dma_wait3A_408 = arith.constant 0 : i32
      %dma_wait3A_409 = tpu.memref_slice %arg2[%dma_wait3A_407, %dma_wait3A_408] : memref<10112x128xf32, #tpu.memory_space<hbm>> -> memref<80x128xf32, #tpu.memory_space<hbm>>
      %dma_wait3A_410 = arith.constant 0 : i32
      %dma_wait3A_411 = arith.constant 0 : i32
      %dma_wait3A_412 = tpu.memref_slice %arg2[%dma_wait3A_410, %dma_wait3A_411] : memref<10112x128xf32, #tpu.memory_space<hbm>> -> memref<80x128xf32, #tpu.memory_space<hbm>>
      tpu.wait_dma2 semaphore(%arg18 : memref<!tpu.dma_semaphore, #tpu.memory_space<semaphore_mem>>) src(%dma_wait3A_412 : memref<80x128xf32, #tpu.memory_space<hbm>>) dst(%arg13 : memref<80x128xf32, #tpu.memory_space<vmem>>)
      %mul3A_413 = arith.constant 80 : i32
      %mul3A_414 = arith.muli %add3A_406, %mul3A_413 : i32
      %add3A_415 = arith.constant 0 : i32
      %add3A_416 = arith.addi %mul3A_414, %add3A_415 : i32
      %get3A_417 = arith.index_cast %add3A_416 : i32 to index
      %get3A_418 = tpu.vector_load %arg6[%get3A_417] {strides = array<i32>} : memref<10000xi32, #tpu.memory_space<vmem>>, vector<16xi32>,
      %and3A_419 = arith.constant 16383 : i32
      %and3A_420 = vector.broadcast %and3A_419 : i32 to vector<16xi32>
      %and3A_421 = arith.andi %get3A_418, %and3A_420 : vector<16xi32>
      %swap3A_422 = arith.constant 0 : index
      %swap3A_423 = tpu.vector_load %arg7[%swap3A_422] {strides = array<i32>} : memref<80xi32, #tpu.memory_space<vmem>>, vector<16xi32>,
      tpu.vector_store %arg7[%swap3A_422], %and3A_421 {strides = array<i32>} : memref<80xi32, #tpu.memory_space<vmem>>, vector<16xi32>,
      %shift_right_logical3A_424 = arith.constant 14 : i32
      %shift_right_logical3A_425 = vector.broadcast %shift_right_logical3A_424 : i32 to vector<16xi32>
      %shift_right_logical3A_426 = arith.shrui %get3A_418, %shift_right_logical3A_425 : vector<16xi32>
      %swap3A_427 = arith.constant 0 : index
      %swap3A_428 = tpu.vector_load %arg10[%swap3A_427] {strides = array<i32>} : memref<80xi32, #tpu.memory_space<vmem>>, vector<16xi32>,
      tpu.vector_store %arg10[%swap3A_427], %shift_right_logical3A_426 {strides = array<i32>} : memref<80xi32, #tpu.memory_space<vmem>>, vector<16xi32>,
      %add3A_429 = arith.constant 16 : i32
      %add3A_430 = arith.addi %mul3A_414, %add3A_429 : i32
      %get3A_431 = arith.index_cast %add3A_430 : i32 to index
      %get3A_432 = tpu.vector_load %arg6[%get3A_431] {strides = array<i32>} : memref<10000xi32, #tpu.memory_space<vmem>>, vector<16xi32>,
      %and3A_433 = arith.constant 16383 : i32
      %and3A_434 = vector.broadcast %and3A_433 : i32 to vector<16xi32>
      %and3A_435 = arith.andi %get3A_432, %and3A_434 : vector<16xi32>
      %swap3A_436 = arith.constant 16 : index
      %swap3A_437 = tpu.vector_load %arg7[%swap3A_436] {strides = array<i32>} : memref<80xi32, #tpu.memory_space<vmem>>, vector<16xi32>,
      tpu.vector_store %arg7[%swap3A_436], %and3A_435 {strides = array<i32>} : memref<80xi32, #tpu.memory_space<vmem>>, vector<16xi32>,
      %shift_right_logical3A_438 = arith.constant 14 : i32
      %shift_right_logical3A_439 = vector.broadcast %shift_right_logical3A_438 : i32 to vector<16xi32>
      %shift_right_logical3A_440 = arith.shrui %get3A_432, %shift_right_logical3A_439 : vector<16xi32>
      %swap3A_441 = arith.constant 16 : index
      %swap3A_442 = tpu.vector_load %arg10[%swap3A_441] {strides = array<i32>} : memref<80xi32, #tpu.memory_space<vmem>>, vector<16xi32>,
      tpu.vector_store %arg10[%swap3A_441], %shift_right_logical3A_440 {strides = array<i32>} : memref<80xi32, #tpu.memory_space<vmem>>, vector<16xi32>,
      %add3A_443 = arith.constant 32 : i32
      %add3A_444 = arith.addi %mul3A_414, %add3A_443 : i32
      %get3A_445 = arith.index_cast %add3A_444 : i32 to index
      %get3A_446 = tpu.vector_load %arg6[%get3A_445] {strides = array<i32>} : memref<10000xi32, #tpu.memory_space<vmem>>, vector<16xi32>,
      %and3A_447 = arith.constant 16383 : i32
      %and3A_448 = vector.broadcast %and3A_447 : i32 to vector<16xi32>
      %and3A_449 = arith.andi %get3A_446, %and3A_448 : vector<16xi32>
      %swap3A_450 = arith.constant 32 : index
      %swap3A_451 = tpu.vector_load %arg7[%swap3A_450] {strides = array<i32>} : memref<80xi32, #tpu.memory_space<vmem>>, vector<16xi32>,
      tpu.vector_store %arg7[%swap3A_450], %and3A_449 {strides = array<i32>} : memref<80xi32, #tpu.memory_space<vmem>>, vector<16xi32>,
      %shift_right_logical3A_452 = arith.constant 14 : i32
      %shift_right_logical3A_453 = vector.broadcast %shift_right_logical3A_452 : i32 to vector<16xi32>
      %shift_right_logical3A_454 = arith.shrui %get3A_446, %shift_right_logical3A_453 : vector<16xi32>
      %swap3A_455 = arith.constant 32 : index
      %swap3A_456 = tpu.vector_load %arg10[%swap3A_455] {strides = array<i32>} : memref<80xi32, #tpu.memory_space<vmem>>, vector<16xi32>,
      tpu.vector_store %arg10[%swap3A_455], %shift_right_logical3A_454 {strides = array<i32>} : memref<80xi32, #tpu.memory_space<vmem>>, vector<16xi32>,
      %add3A_457 = arith.constant 48 : i32
      %add3A_458 = arith.addi %mul3A_414, %add3A_457 : i32
      %get3A_459 = arith.index_cast %add3A_458 : i32 to index
      %get3A_460 = tpu.vector_load %arg6[%get3A_459] {strides = array<i32>} : memref<10000xi32, #tpu.memory_space<vmem>>, vector<16xi32>,
      %and3A_461 = arith.constant 16383 : i32
      %and3A_462 = vector.broadcast %and3A_461 : i32 to vector<16xi32>
      %and3A_463 = arith.andi %get3A_460, %and3A_462 : vector<16xi32>
      %swap3A_464 = arith.constant 48 : index
      %swap3A_465 = tpu.vector_load %arg7[%swap3A_464] {strides = array<i32>} : memref<80xi32, #tpu.memory_space<vmem>>, vector<16xi32>,
      tpu.vector_store %arg7[%swap3A_464], %and3A_463 {strides = array<i32>} : memref<80xi32, #tpu.memory_space<vmem>>, vector<16xi32>,
      %shift_right_logical3A_466 = arith.constant 14 : i32
      %shift_right_logical3A_467 = vector.broadcast %shift_right_logical3A_466 : i32 to vector<16xi32>
      %shift_right_logical3A_468 = arith.shrui %get3A_460, %shift_right_logical3A_467 : vector<16xi32>
      %swap3A_469 = arith.constant 48 : index
      %swap3A_470 = tpu.vector_load %arg10[%swap3A_469] {strides = array<i32>} : memref<80xi32, #tpu.memory_space<vmem>>, vector<16xi32>,
      tpu.vector_store %arg10[%swap3A_469], %shift_right_logical3A_468 {strides = array<i32>} : memref<80xi32, #tpu.memory_space<vmem>>, vector<16xi32>,
      %add3A_471 = arith.constant 64 : i32
      %add3A_472 = arith.addi %mul3A_414, %add3A_471 : i32
      %get3A_473 = arith.index_cast %add3A_472 : i32 to index
      %get3A_474 = tpu.vector_load %arg6[%get3A_473] {strides = array<i32>} : memref<10000xi32, #tpu.memory_space<vmem>>, vector<16xi32>,
      %and3A_475 = arith.constant 16383 : i32
      %and3A_476 = vector.broadcast %and3A_475 : i32 to vector<16xi32>
      %and3A_477 = arith.andi %get3A_474, %and3A_476 : vector<16xi32>
      %swap3A_478 = arith.constant 64 : index
      %swap3A_479 = tpu.vector_load %arg7[%swap3A_478] {strides = array<i32>} : memref<80xi32, #tpu.memory_space<vmem>>, vector<16xi32>,
      tpu.vector_store %arg7[%swap3A_478], %and3A_477 {strides = array<i32>} : memref<80xi32, #tpu.memory_space<vmem>>, vector<16xi32>,
      %shift_right_logical3A_480 = arith.constant 14 : i32
      %shift_right_logical3A_481 = vector.broadcast %shift_right_logical3A_480 : i32 to vector<16xi32>
      %shift_right_logical3A_482 = arith.shrui %get3A_474, %shift_right_logical3A_481 : vector<16xi32>
      %swap3A_483 = arith.constant 64 : index
      %swap3A_484 = tpu.vector_load %arg10[%swap3A_483] {strides = array<i32>} : memref<80xi32, #tpu.memory_space<vmem>>, vector<16xi32>,
      tpu.vector_store %arg10[%swap3A_483], %shift_right_logical3A_482 {strides = array<i32>} : memref<80xi32, #tpu.memory_space<vmem>>, vector<16xi32>,
      %dma_start3A_485 = arith.constant 0 : i32
      %dma_start3A_486 = arith.constant 0 : i32
      %dma_start3A_487 = tpu.memref_slice %arg2[%dma_start3A_485, %dma_start3A_486] : memref<10112x128xf32, #tpu.memory_space<hbm>> -> memref<10112x128xf32, #tpu.memory_space<hbm>>
      tpu.enqueue_indirect_dma source(%dma_start3A_487 : memref<10112x128xf32, #tpu.memory_space<hbm>>) target(%arg13 : memref<80x128xf32, #tpu.memory_space<vmem>>) offsets(%arg7 : memref<80xi32, #tpu.memory_space<vmem>>) semaphore(%arg17 : memref<!tpu.dma_semaphore, #tpu.memory_space<semaphore_mem>>)
      %dma_wait3A_488 = arith.constant 0 : i32
      %dma_wait3A_489 = arith.constant 0 : i32
      %dma_wait3A_490 = tpu.memref_slice %arg2[%dma_wait3A_488, %dma_wait3A_489] : memref<10112x128xf32, #tpu.memory_space<hbm>> -> memref<80x128xf32, #tpu.memory_space<hbm>>
      %dma_wait3A_491 = arith.constant 0 : i32
      %dma_wait3A_492 = arith.constant 0 : i32
      %dma_wait3A_493 = tpu.memref_slice %arg2[%dma_wait3A_491, %dma_wait3A_492] : memref<10112x128xf32, #tpu.memory_space<hbm>> -> memref<80x128xf32, #tpu.memory_space<hbm>>
      tpu.wait_dma2 semaphore(%arg17 : memref<!tpu.dma_semaphore, #tpu.memory_space<semaphore_mem>>) src(%dma_wait3A_493 : memref<80x128xf32, #tpu.memory_space<hbm>>) dst(%arg15 : memref<80x128xf32, #tpu.memory_space<vmem>>)
      %dma_start3A_494 = arith.constant 0 : i32
      %dma_start3A_495 = arith.constant 0 : i32
      %dma_start3A_496 = tpu.memref_slice %arg16[%dma_start3A_494, %dma_start3A_495] : memref<10112x128xf32, #tpu.memory_space<vmem_shared>> -> memref<10112x128xf32, #tpu.memory_space<vmem_shared>>
      tpu.enqueue_indirect_dma source(%arg15 : memref<80x128xf32, #tpu.memory_space<vmem>>) target(%dma_start3A_496 : memref<10112x128xf32, #tpu.memory_space<vmem_shared>>) offsets(%arg12 : memref<80xi32, #tpu.memory_space<vmem>>) semaphore(%arg18 : memref<!tpu.dma_semaphore, #tpu.memory_space<semaphore_mem>>) {add = true}
      %mul3A_497 = arith.constant 3 : i32
      %mul3A_498 = arith.muli %mul3A_497, %scan3A_402 : i32
      %add3A_499 = arith.constant 1 : i32
      %add3A_500 = arith.addi %mul3A_498, %add3A_499 : i32
      %dma_wait3A_501 = arith.constant 0 : i32
      %dma_wait3A_502 = arith.constant 0 : i32
      %dma_wait3A_503 = tpu.memref_slice %arg2[%dma_wait3A_501, %dma_wait3A_502] : memref<10112x128xf32, #tpu.memory_space<hbm>> -> memref<80x128xf32, #tpu.memory_space<hbm>>
      %dma_wait3A_504 = arith.constant 0 : i32
      %dma_wait3A_505 = arith.constant 0 : i32
      %dma_wait3A_506 = tpu.memref_slice %arg2[%dma_wait3A_504, %dma_wait3A_505] : memref<10112x128xf32, #tpu.memory_space<hbm>> -> memref<80x128xf32, #tpu.memory_space<hbm>>
      tpu.wait_dma2 semaphore(%arg18 : memref<!tpu.dma_semaphore, #tpu.memory_space<semaphore_mem>>) src(%dma_wait3A_506 : memref<80x128xf32, #tpu.memory_space<hbm>>) dst(%arg14 : memref<80x128xf32, #tpu.memory_space<vmem>>)
      %mul3A_507 = arith.constant 80 : i32
      %mul3A_508 = arith.muli %add3A_500, %mul3A_507 : i32
      %add3A_509 = arith.constant 0 : i32
      %add3A_510 = arith.addi %mul3A_508, %add3A_509 : i32
      %get3A_511 = arith.index_cast %add3A_510 : i32 to index
      %get3A_512 = tpu.vector_load %arg6[%get3A_511] {strides = array<i32>} : memref<10000xi32, #tpu.memory_space<vmem>>, vector<16xi32>,
      %and3A_513 = arith.constant 16383 : i32
      %and3A_514 = vector.broadcast %and3A_513 : i32 to vector<16xi32>
      %and3A_515 = arith.andi %get3A_512, %and3A_514 : vector<16xi32>
      %swap3A_516 = arith.constant 0 : index
      %swap3A_517 = tpu.vector_load %arg8[%swap3A_516] {strides = array<i32>} : memref<80xi32, #tpu.memory_space<vmem>>, vector<16xi32>,
      tpu.vector_store %arg8[%swap3A_516], %and3A_515 {strides = array<i32>} : memref<80xi32, #tpu.memory_space<vmem>>, vector<16xi32>,
      %shift_right_logical3A_518 = arith.constant 14 : i32
      %shift_right_logical3A_519 = vector.broadcast %shift_right_logical3A_518 : i32 to vector<16xi32>
      %shift_right_logical3A_520 = arith.shrui %get3A_512, %shift_right_logical3A_519 : vector<16xi32>
      %swap3A_521 = arith.constant 0 : index
      %swap3A_522 = tpu.vector_load %arg11[%swap3A_521] {strides = array<i32>} : memref<80xi32, #tpu.memory_space<vmem>>, vector<16xi32>,
      tpu.vector_store %arg11[%swap3A_521], %shift_right_logical3A_520 {strides = array<i32>} : memref<80xi32, #tpu.memory_space<vmem>>, vector<16xi32>,
      %add3A_523 = arith.constant 16 : i32
      %add3A_524 = arith.addi %mul3A_508, %add3A_523 : i32
      %get3A_525 = arith.index_cast %add3A_524 : i32 to index
      %get3A_526 = tpu.vector_load %arg6[%get3A_525] {strides = array<i32>} : memref<10000xi32, #tpu.memory_space<vmem>>, vector<16xi32>,
      %and3A_527 = arith.constant 16383 : i32
      %and3A_528 = vector.broadcast %and3A_527 : i32 to vector<16xi32>
      %and3A_529 = arith.andi %get3A_526, %and3A_528 : vector<16xi32>
      %swap3A_530 = arith.constant 16 : index
      %swap3A_531 = tpu.vector_load %arg8[%swap3A_530] {strides = array<i32>} : memref<80xi32, #tpu.memory_space<vmem>>, vector<16xi32>,
      tpu.vector_store %arg8[%swap3A_530], %and3A_529 {strides = array<i32>} : memref<80xi32, #tpu.memory_space<vmem>>, vector<16xi32>,
      %shift_right_logical3A_532 = arith.constant 14 : i32
      %shift_right_logical3A_533 = vector.broadcast %shift_right_logical3A_532 : i32 to vector<16xi32>
      %shift_right_logical3A_534 = arith.shrui %get3A_526, %shift_right_logical3A_533 : vector<16xi32>
      %swap3A_535 = arith.constant 16 : index
      %swap3A_536 = tpu.vector_load %arg11[%swap3A_535] {strides = array<i32>} : memref<80xi32, #tpu.memory_space<vmem>>, vector<16xi32>,
      tpu.vector_store %arg11[%swap3A_535], %shift_right_logical3A_534 {strides = array<i32>} : memref<80xi32, #tpu.memory_space<vmem>>, vector<16xi32>,
      %add3A_537 = arith.constant 32 : i32
      %add3A_538 = arith.addi %mul3A_508, %add3A_537 : i32
      %get3A_539 = arith.index_cast %add3A_538 : i32 to index
      %get3A_540 = tpu.vector_load %arg6[%get3A_539] {strides = array<i32>} : memref<10000xi32, #tpu.memory_space<vmem>>, vector<16xi32>,
      %and3A_541 = arith.constant 16383 : i32
      %and3A_542 = vector.broadcast %and3A_541 : i32 to vector<16xi32>
      %and3A_543 = arith.andi %get3A_540, %and3A_542 : vector<16xi32>
      %swap3A_544 = arith.constant 32 : index
      %swap3A_545 = tpu.vector_load %arg8[%swap3A_544] {strides = array<i32>} : memref<80xi32, #tpu.memory_space<vmem>>, vector<16xi32>,
      tpu.vector_store %arg8[%swap3A_544], %and3A_543 {strides = array<i32>} : memref<80xi32, #tpu.memory_space<vmem>>, vector<16xi32>,
      %shift_right_logical3A_546 = arith.constant 14 : i32
      %shift_right_logical3A_547 = vector.broadcast %shift_right_logical3A_546 : i32 to vector<16xi32>
      %shift_right_logical3A_548 = arith.shrui %get3A_540, %shift_right_logical3A_547 : vector<16xi32>
      %swap3A_549 = arith.constant 32 : index
      %swap3A_550 = tpu.vector_load %arg11[%swap3A_549] {strides = array<i32>} : memref<80xi32, #tpu.memory_space<vmem>>, vector<16xi32>,
      tpu.vector_store %arg11[%swap3A_549], %shift_right_logical3A_548 {strides = array<i32>} : memref<80xi32, #tpu.memory_space<vmem>>, vector<16xi32>,
      %add3A_551 = arith.constant 48 : i32
      %add3A_552 = arith.addi %mul3A_508, %add3A_551 : i32
      %get3A_553 = arith.index_cast %add3A_552 : i32 to index
      %get3A_554 = tpu.vector_load %arg6[%get3A_553] {strides = array<i32>} : memref<10000xi32, #tpu.memory_space<vmem>>, vector<16xi32>,
      %and3A_555 = arith.constant 16383 : i32
      %and3A_556 = vector.broadcast %and3A_555 : i32 to vector<16xi32>
      %and3A_557 = arith.andi %get3A_554, %and3A_556 : vector<16xi32>
      %swap3A_558 = arith.constant 48 : index
      %swap3A_559 = tpu.vector_load %arg8[%swap3A_558] {strides = array<i32>} : memref<80xi32, #tpu.memory_space<vmem>>, vector<16xi32>,
      tpu.vector_store %arg8[%swap3A_558], %and3A_557 {strides = array<i32>} : memref<80xi32, #tpu.memory_space<vmem>>, vector<16xi32>,
      %shift_right_logical3A_560 = arith.constant 14 : i32
      %shift_right_logical3A_561 = vector.broadcast %shift_right_logical3A_560 : i32 to vector<16xi32>
      %shift_right_logical3A_562 = arith.shrui %get3A_554, %shift_right_logical3A_561 : vector<16xi32>
      %swap3A_563 = arith.constant 48 : index
      %swap3A_564 = tpu.vector_load %arg11[%swap3A_563] {strides = array<i32>} : memref<80xi32, #tpu.memory_space<vmem>>, vector<16xi32>,
      tpu.vector_store %arg11[%swap3A_563], %shift_right_logical3A_562 {strides = array<i32>} : memref<80xi32, #tpu.memory_space<vmem>>, vector<16xi32>,
      %add3A_565 = arith.constant 64 : i32
      %add3A_566 = arith.addi %mul3A_508, %add3A_565 : i32
      %get3A_567 = arith.index_cast %add3A_566 : i32 to index
      %get3A_568 = tpu.vector_load %arg6[%get3A_567] {strides = array<i32>} : memref<10000xi32, #tpu.memory_space<vmem>>, vector<16xi32>,
      %and3A_569 = arith.constant 16383 : i32
      %and3A_570 = vector.broadcast %and3A_569 : i32 to vector<16xi32>
      %and3A_571 = arith.andi %get3A_568, %and3A_570 : vector<16xi32>
      %swap3A_572 = arith.constant 64 : index
      %swap3A_573 = tpu.vector_load %arg8[%swap3A_572] {strides = array<i32>} : memref<80xi32, #tpu.memory_space<vmem>>, vector<16xi32>,
      tpu.vector_store %arg8[%swap3A_572], %and3A_571 {strides = array<i32>} : memref<80xi32, #tpu.memory_space<vmem>>, vector<16xi32>,
      %shift_right_logical3A_574 = arith.constant 14 : i32
      %shift_right_logical3A_575 = vector.broadcast %shift_right_logical3A_574 : i32 to vector<16xi32>
      %shift_right_logical3A_576 = arith.shrui %get3A_568, %shift_right_logical3A_575 : vector<16xi32>
      %swap3A_577 = arith.constant 64 : index
      %swap3A_578 = tpu.vector_load %arg11[%swap3A_577] {strides = array<i32>} : memref<80xi32, #tpu.memory_space<vmem>>, vector<16xi32>,
      tpu.vector_store %arg11[%swap3A_577], %shift_right_logical3A_576 {strides = array<i32>} : memref<80xi32, #tpu.memory_space<vmem>>, vector<16xi32>,
      %dma_start3A_579 = arith.constant 0 : i32
      %dma_start3A_580 = arith.constant 0 : i32
      %dma_start3A_581 = tpu.memref_slice %arg2[%dma_start3A_579, %dma_start3A_580] : memref<10112x128xf32, #tpu.memory_space<hbm>> -> memref<10112x128xf32, #tpu.memory_space<hbm>>
      tpu.enqueue_indirect_dma source(%dma_start3A_581 : memref<10112x128xf32, #tpu.memory_space<hbm>>) target(%arg14 : memref<80x128xf32, #tpu.memory_space<vmem>>) offsets(%arg8 : memref<80xi32, #tpu.memory_space<vmem>>) semaphore(%arg17 : memref<!tpu.dma_semaphore, #tpu.memory_space<semaphore_mem>>)
      %dma_wait3A_582 = arith.constant 0 : i32
      %dma_wait3A_583 = arith.constant 0 : i32
      %dma_wait3A_584 = tpu.memref_slice %arg2[%dma_wait3A_582, %dma_wait3A_583] : memref<10112x128xf32, #tpu.memory_space<hbm>> -> memref<80x128xf32, #tpu.memory_space<hbm>>
      %dma_wait3A_585 = arith.constant 0 : i32
      %dma_wait3A_586 = arith.constant 0 : i32
      %dma_wait3A_587 = tpu.memref_slice %arg2[%dma_wait3A_585, %dma_wait3A_586] : memref<10112x128xf32, #tpu.memory_space<hbm>> -> memref<80x128xf32, #tpu.memory_space<hbm>>
      tpu.wait_dma2 semaphore(%arg17 : memref<!tpu.dma_semaphore, #tpu.memory_space<semaphore_mem>>) src(%dma_wait3A_587 : memref<80x128xf32, #tpu.memory_space<hbm>>) dst(%arg13 : memref<80x128xf32, #tpu.memory_space<vmem>>)
      %dma_start3A_588 = arith.constant 0 : i32
      %dma_start3A_589 = arith.constant 0 : i32
      %dma_start3A_590 = tpu.memref_slice %arg16[%dma_start3A_588, %dma_start3A_589] : memref<10112x128xf32, #tpu.memory_space<vmem_shared>> -> memref<10112x128xf32, #tpu.memory_space<vmem_shared>>
      tpu.enqueue_indirect_dma source(%arg13 : memref<80x128xf32, #tpu.memory_space<vmem>>) target(%dma_start3A_590 : memref<10112x128xf32, #tpu.memory_space<vmem_shared>>) offsets(%arg10 : memref<80xi32, #tpu.memory_space<vmem>>) semaphore(%arg18 : memref<!tpu.dma_semaphore, #tpu.memory_space<semaphore_mem>>) {add = true}
      %mul3A_591 = arith.constant 3 : i32
      %mul3A_592 = arith.muli %mul3A_591, %scan3A_402 : i32
      %add3A_593 = arith.constant 2 : i32
      %add3A_594 = arith.addi %mul3A_592, %add3A_593 : i32
      %dma_wait3A_595 = arith.constant 0 : i32
      %dma_wait3A_596 = arith.constant 0 : i32
      %dma_wait3A_597 = tpu.memref_slice %arg2[%dma_wait3A_595, %dma_wait3A_596] : memref<10112x128xf32, #tpu.memory_space<hbm>> -> memref<80x128xf32, #tpu.memory_space<hbm>>
      %dma_wait3A_598 = arith.constant 0 : i32
      %dma_wait3A_599 = arith.constant 0 : i32
      %dma_wait3A_600 = tpu.memref_slice %arg2[%dma_wait3A_598, %dma_wait3A_599] : memref<10112x128xf32, #tpu.memory_space<hbm>> -> memref<80x128xf32, #tpu.memory_space<hbm>>
      tpu.wait_dma2 semaphore(%arg18 : memref<!tpu.dma_semaphore, #tpu.memory_space<semaphore_mem>>) src(%dma_wait3A_600 : memref<80x128xf32, #tpu.memory_space<hbm>>) dst(%arg15 : memref<80x128xf32, #tpu.memory_space<vmem>>)
      %mul3A_601 = arith.constant 80 : i32
      %mul3A_602 = arith.muli %add3A_594, %mul3A_601 : i32
      %add3A_603 = arith.constant 0 : i32
      %add3A_604 = arith.addi %mul3A_602, %add3A_603 : i32
      %get3A_605 = arith.index_cast %add3A_604 : i32 to index
      %get3A_606 = tpu.vector_load %arg6[%get3A_605] {strides = array<i32>} : memref<10000xi32, #tpu.memory_space<vmem>>, vector<16xi32>,
      %and3A_607 = arith.constant 16383 : i32
      %and3A_608 = vector.broadcast %and3A_607 : i32 to vector<16xi32>
      %and3A_609 = arith.andi %get3A_606, %and3A_608 : vector<16xi32>
      %swap3A_610 = arith.constant 0 : index
      %swap3A_611 = tpu.vector_load %arg9[%swap3A_610] {strides = array<i32>} : memref<80xi32, #tpu.memory_space<vmem>>, vector<16xi32>,
      tpu.vector_store %arg9[%swap3A_610], %and3A_609 {strides = array<i32>} : memref<80xi32, #tpu.memory_space<vmem>>, vector<16xi32>,
      %shift_right_logical3A_612 = arith.constant 14 : i32
      %shift_right_logical3A_613 = vector.broadcast %shift_right_logical3A_612 : i32 to vector<16xi32>
      %shift_right_logical3A_614 = arith.shrui %get3A_606, %shift_right_logical3A_613 : vector<16xi32>
      %swap3A_615 = arith.constant 0 : index
      %swap3A_616 = tpu.vector_load %arg12[%swap3A_615] {strides = array<i32>} : memref<80xi32, #tpu.memory_space<vmem>>, vector<16xi32>,
      tpu.vector_store %arg12[%swap3A_615], %shift_right_logical3A_614 {strides = array<i32>} : memref<80xi32, #tpu.memory_space<vmem>>, vector<16xi32>,
      %add3A_617 = arith.constant 16 : i32
      %add3A_618 = arith.addi %mul3A_602, %add3A_617 : i32
      %get3A_619 = arith.index_cast %add3A_618 : i32 to index
      %get3A_620 = tpu.vector_load %arg6[%get3A_619] {strides = array<i32>} : memref<10000xi32, #tpu.memory_space<vmem>>, vector<16xi32>,
      %and3A_621 = arith.constant 16383 : i32
      %and3A_622 = vector.broadcast %and3A_621 : i32 to vector<16xi32>
      %and3A_623 = arith.andi %get3A_620, %and3A_622 : vector<16xi32>
      %swap3A_624 = arith.constant 16 : index
      %swap3A_625 = tpu.vector_load %arg9[%swap3A_624] {strides = array<i32>} : memref<80xi32, #tpu.memory_space<vmem>>, vector<16xi32>,
      tpu.vector_store %arg9[%swap3A_624], %and3A_623 {strides = array<i32>} : memref<80xi32, #tpu.memory_space<vmem>>, vector<16xi32>,
      %shift_right_logical3A_626 = arith.constant 14 : i32
      %shift_right_logical3A_627 = vector.broadcast %shift_right_logical3A_626 : i32 to vector<16xi32>
      %shift_right_logical3A_628 = arith.shrui %get3A_620, %shift_right_logical3A_627 : vector<16xi32>
      %swap3A_629 = arith.constant 16 : index
      %swap3A_630 = tpu.vector_load %arg12[%swap3A_629] {strides = array<i32>} : memref<80xi32, #tpu.memory_space<vmem>>, vector<16xi32>,
      tpu.vector_store %arg12[%swap3A_629], %shift_right_logical3A_628 {strides = array<i32>} : memref<80xi32, #tpu.memory_space<vmem>>, vector<16xi32>,
      %add3A_631 = arith.constant 32 : i32
      %add3A_632 = arith.addi %mul3A_602, %add3A_631 : i32
      %get3A_633 = arith.index_cast %add3A_632 : i32 to index
      %get3A_634 = tpu.vector_load %arg6[%get3A_633] {strides = array<i32>} : memref<10000xi32, #tpu.memory_space<vmem>>, vector<16xi32>,
      %and3A_635 = arith.constant 16383 : i32
      %and3A_636 = vector.broadcast %and3A_635 : i32 to vector<16xi32>
      %and3A_637 = arith.andi %get3A_634, %and3A_636 : vector<16xi32>
      %swap3A_638 = arith.constant 32 : index
      %swap3A_639 = tpu.vector_load %arg9[%swap3A_638] {strides = array<i32>} : memref<80xi32, #tpu.memory_space<vmem>>, vector<16xi32>,
      tpu.vector_store %arg9[%swap3A_638], %and3A_637 {strides = array<i32>} : memref<80xi32, #tpu.memory_space<vmem>>, vector<16xi32>,
      %shift_right_logical3A_640 = arith.constant 14 : i32
      %shift_right_logical3A_641 = vector.broadcast %shift_right_logical3A_640 : i32 to vector<16xi32>
      %shift_right_logical3A_642 = arith.shrui %get3A_634, %shift_right_logical3A_641 : vector<16xi32>
      %swap3A_643 = arith.constant 32 : index
      %swap3A_644 = tpu.vector_load %arg12[%swap3A_643] {strides = array<i32>} : memref<80xi32, #tpu.memory_space<vmem>>, vector<16xi32>,
      tpu.vector_store %arg12[%swap3A_643], %shift_right_logical3A_642 {strides = array<i32>} : memref<80xi32, #tpu.memory_space<vmem>>, vector<16xi32>,
      %add3A_645 = arith.constant 48 : i32
      %add3A_646 = arith.addi %mul3A_602, %add3A_645 : i32
      %get3A_647 = arith.index_cast %add3A_646 : i32 to index
      %get3A_648 = tpu.vector_load %arg6[%get3A_647] {strides = array<i32>} : memref<10000xi32, #tpu.memory_space<vmem>>, vector<16xi32>,
      %and3A_649 = arith.constant 16383 : i32
      %and3A_650 = vector.broadcast %and3A_649 : i32 to vector<16xi32>
      %and3A_651 = arith.andi %get3A_648, %and3A_650 : vector<16xi32>
      %swap3A_652 = arith.constant 48 : index
      %swap3A_653 = tpu.vector_load %arg9[%swap3A_652] {strides = array<i32>} : memref<80xi32, #tpu.memory_space<vmem>>, vector<16xi32>,
      tpu.vector_store %arg9[%swap3A_652], %and3A_651 {strides = array<i32>} : memref<80xi32, #tpu.memory_space<vmem>>, vector<16xi32>,
      %shift_right_logical3A_654 = arith.constant 14 : i32
      %shift_right_logical3A_655 = vector.broadcast %shift_right_logical3A_654 : i32 to vector<16xi32>
      %shift_right_logical3A_656 = arith.shrui %get3A_648, %shift_right_logical3A_655 : vector<16xi32>
      %swap3A_657 = arith.constant 48 : index
      %swap3A_658 = tpu.vector_load %arg12[%swap3A_657] {strides = array<i32>} : memref<80xi32, #tpu.memory_space<vmem>>, vector<16xi32>,
      tpu.vector_store %arg12[%swap3A_657], %shift_right_logical3A_656 {strides = array<i32>} : memref<80xi32, #tpu.memory_space<vmem>>, vector<16xi32>,
      %add3A_659 = arith.constant 64 : i32
      %add3A_660 = arith.addi %mul3A_602, %add3A_659 : i32
      %get3A_661 = arith.index_cast %add3A_660 : i32 to index
      %get3A_662 = tpu.vector_load %arg6[%get3A_661] {strides = array<i32>} : memref<10000xi32, #tpu.memory_space<vmem>>, vector<16xi32>,
      %and3A_663 = arith.constant 16383 : i32
      %and3A_664 = vector.broadcast %and3A_663 : i32 to vector<16xi32>
      %and3A_665 = arith.andi %get3A_662, %and3A_664 : vector<16xi32>
      %swap3A_666 = arith.constant 64 : index
      %swap3A_667 = tpu.vector_load %arg9[%swap3A_666] {strides = array<i32>} : memref<80xi32, #tpu.memory_space<vmem>>, vector<16xi32>,
      tpu.vector_store %arg9[%swap3A_666], %and3A_665 {strides = array<i32>} : memref<80xi32, #tpu.memory_space<vmem>>, vector<16xi32>,
      %shift_right_logical3A_668 = arith.constant 14 : i32
      %shift_right_logical3A_669 = vector.broadcast %shift_right_logical3A_668 : i32 to vector<16xi32>
      %shift_right_logical3A_670 = arith.shrui %get3A_662, %shift_right_logical3A_669 : vector<16xi32>
      %swap3A_671 = arith.constant 64 : index
      %swap3A_672 = tpu.vector_load %arg12[%swap3A_671] {strides = array<i32>} : memref<80xi32, #tpu.memory_space<vmem>>, vector<16xi32>,
      tpu.vector_store %arg12[%swap3A_671], %shift_right_logical3A_670 {strides = array<i32>} : memref<80xi32, #tpu.memory_space<vmem>>, vector<16xi32>,
      %dma_start3A_673 = arith.constant 0 : i32
      %dma_start3A_674 = arith.constant 0 : i32
      %dma_start3A_675 = tpu.memref_slice %arg2[%dma_start3A_673, %dma_start3A_674] : memref<10112x128xf32, #tpu.memory_space<hbm>> -> memref<10112x128xf32, #tpu.memory_space<hbm>>
      tpu.enqueue_indirect_dma source(%dma_start3A_675 : memref<10112x128xf32, #tpu.memory_space<hbm>>) target(%arg15 : memref<80x128xf32, #tpu.memory_space<vmem>>) offsets(%arg9 : memref<80xi32, #tpu.memory_space<vmem>>) semaphore(%arg17 : memref<!tpu.dma_semaphore, #tpu.memory_space<semaphore_mem>>)
      %dma_wait3A_676 = arith.constant 0 : i32
      %dma_wait3A_677 = arith.constant 0 : i32
      %dma_wait3A_678 = tpu.memref_slice %arg2[%dma_wait3A_676, %dma_wait3A_677] : memref<10112x128xf32, #tpu.memory_space<hbm>> -> memref<80x128xf32, #tpu.memory_space<hbm>>
      %dma_wait3A_679 = arith.constant 0 : i32
      %dma_wait3A_680 = arith.constant 0 : i32
      %dma_wait3A_681 = tpu.memref_slice %arg2[%dma_wait3A_679, %dma_wait3A_680] : memref<10112x128xf32, #tpu.memory_space<hbm>> -> memref<80x128xf32, #tpu.memory_space<hbm>>
      tpu.wait_dma2 semaphore(%arg17 : memref<!tpu.dma_semaphore, #tpu.memory_space<semaphore_mem>>) src(%dma_wait3A_681 : memref<80x128xf32, #tpu.memory_space<hbm>>) dst(%arg14 : memref<80x128xf32, #tpu.memory_space<vmem>>)
      %dma_start3A_682 = arith.constant 0 : i32
      %dma_start3A_683 = arith.constant 0 : i32
      %dma_start3A_684 = tpu.memref_slice %arg16[%dma_start3A_682, %dma_start3A_683] : memref<10112x128xf32, #tpu.memory_space<vmem_shared>> -> memref<10112x128xf32, #tpu.memory_space<vmem_shared>>
      tpu.enqueue_indirect_dma source(%arg14 : memref<80x128xf32, #tpu.memory_space<vmem>>) target(%dma_start3A_684 : memref<10112x128xf32, #tpu.memory_space<vmem_shared>>) offsets(%arg11 : memref<80xi32, #tpu.memory_space<vmem>>) semaphore(%arg18 : memref<!tpu.dma_semaphore, #tpu.memory_space<semaphore_mem>>) {add = true}
    }
    %scan3A_210 = arith.constant 40 : i32
    %dma_wait3A_211 = arith.constant 0 : i32
    %dma_wait3A_212 = arith.constant 0 : i32
    %dma_wait3A_213 = tpu.memref_slice %arg2[%dma_wait3A_211, %dma_wait3A_212] : memref<10112x128xf32, #tpu.memory_space<hbm>> -> memref<80x128xf32, #tpu.memory_space<hbm>>
    %dma_wait3A_214 = arith.constant 0 : i32
    %dma_wait3A_215 = arith.constant 0 : i32
    %dma_wait3A_216 = tpu.memref_slice %arg2[%dma_wait3A_214, %dma_wait3A_215] : memref<10112x128xf32, #tpu.memory_space<hbm>> -> memref<80x128xf32, #tpu.memory_space<hbm>>
    tpu.wait_dma2 semaphore(%arg18 : memref<!tpu.dma_semaphore, #tpu.memory_space<semaphore_mem>>) src(%dma_wait3A_216 : memref<80x128xf32, #tpu.memory_space<hbm>>) dst(%arg13 : memref<80x128xf32, #tpu.memory_space<vmem>>)
    %get3A_217 = arith.constant 9840 : index
    %get3A_218 = tpu.vector_load %arg6[%get3A_217] {strides = array<i32>} : memref<10000xi32, #tpu.memory_space<vmem>>, vector<16xi32>,
    %and3A_219 = arith.constant 16383 : i32
    %and3A_220 = vector.broadcast %and3A_219 : i32 to vector<16xi32>
    %and3A_221 = arith.andi %get3A_218, %and3A_220 : vector<16xi32>
    %swap3A_222 = arith.constant 0 : index
    %swap3A_223 = tpu.vector_load %arg7[%swap3A_222] {strides = array<i32>} : memref<80xi32, #tpu.memory_space<vmem>>, vector<16xi32>,
    tpu.vector_store %arg7[%swap3A_222], %and3A_221 {strides = array<i32>} : memref<80xi32, #tpu.memory_space<vmem>>, vector<16xi32>,
    %shift_right_logical3A_224 = arith.constant 14 : i32
    %shift_right_logical3A_225 = vector.broadcast %shift_right_logical3A_224 : i32 to vector<16xi32>
    %shift_right_logical3A_226 = arith.shrui %get3A_218, %shift_right_logical3A_225 : vector<16xi32>
    %swap3A_227 = arith.constant 0 : index
    %swap3A_228 = tpu.vector_load %arg10[%swap3A_227] {strides = array<i32>} : memref<80xi32, #tpu.memory_space<vmem>>, vector<16xi32>,
    tpu.vector_store %arg10[%swap3A_227], %shift_right_logical3A_226 {strides = array<i32>} : memref<80xi32, #tpu.memory_space<vmem>>, vector<16xi32>,
    %get3A_229 = arith.constant 9856 : index
    %get3A_230 = tpu.vector_load %arg6[%get3A_229] {strides = array<i32>} : memref<10000xi32, #tpu.memory_space<vmem>>, vector<16xi32>,
    %and3A_231 = arith.constant 16383 : i32
    %and3A_232 = vector.broadcast %and3A_231 : i32 to vector<16xi32>
    %and3A_233 = arith.andi %get3A_230, %and3A_232 : vector<16xi32>
    %swap3A_234 = arith.constant 16 : index
    %swap3A_235 = tpu.vector_load %arg7[%swap3A_234] {strides = array<i32>} : memref<80xi32, #tpu.memory_space<vmem>>, vector<16xi32>,
    tpu.vector_store %arg7[%swap3A_234], %and3A_233 {strides = array<i32>} : memref<80xi32, #tpu.memory_space<vmem>>, vector<16xi32>,
    %shift_right_logical3A_236 = arith.constant 14 : i32
    %shift_right_logical3A_237 = vector.broadcast %shift_right_logical3A_236 : i32 to vector<16xi32>
    %shift_right_logical3A_238 = arith.shrui %get3A_230, %shift_right_logical3A_237 : vector<16xi32>
    %swap3A_239 = arith.constant 16 : index
    %swap3A_240 = tpu.vector_load %arg10[%swap3A_239] {strides = array<i32>} : memref<80xi32, #tpu.memory_space<vmem>>, vector<16xi32>,
    tpu.vector_store %arg10[%swap3A_239], %shift_right_logical3A_238 {strides = array<i32>} : memref<80xi32, #tpu.memory_space<vmem>>, vector<16xi32>,
    %get3A_241 = arith.constant 9872 : index
    %get3A_242 = tpu.vector_load %arg6[%get3A_241] {strides = array<i32>} : memref<10000xi32, #tpu.memory_space<vmem>>, vector<16xi32>,
    %and3A_243 = arith.constant 16383 : i32
    %and3A_244 = vector.broadcast %and3A_243 : i32 to vector<16xi32>
    %and3A_245 = arith.andi %get3A_242, %and3A_244 : vector<16xi32>
    %swap3A_246 = arith.constant 32 : index
    %swap3A_247 = tpu.vector_load %arg7[%swap3A_246] {strides = array<i32>} : memref<80xi32, #tpu.memory_space<vmem>>, vector<16xi32>,
    tpu.vector_store %arg7[%swap3A_246], %and3A_245 {strides = array<i32>} : memref<80xi32, #tpu.memory_space<vmem>>, vector<16xi32>,
    %shift_right_logical3A_248 = arith.constant 14 : i32
    %shift_right_logical3A_249 = vector.broadcast %shift_right_logical3A_248 : i32 to vector<16xi32>
    %shift_right_logical3A_250 = arith.shrui %get3A_242, %shift_right_logical3A_249 : vector<16xi32>
    %swap3A_251 = arith.constant 32 : index
    %swap3A_252 = tpu.vector_load %arg10[%swap3A_251] {strides = array<i32>} : memref<80xi32, #tpu.memory_space<vmem>>, vector<16xi32>,
    tpu.vector_store %arg10[%swap3A_251], %shift_right_logical3A_250 {strides = array<i32>} : memref<80xi32, #tpu.memory_space<vmem>>, vector<16xi32>,
    %get3A_253 = arith.constant 9888 : index
    %get3A_254 = tpu.vector_load %arg6[%get3A_253] {strides = array<i32>} : memref<10000xi32, #tpu.memory_space<vmem>>, vector<16xi32>,
    %and3A_255 = arith.constant 16383 : i32
    %and3A_256 = vector.broadcast %and3A_255 : i32 to vector<16xi32>
    %and3A_257 = arith.andi %get3A_254, %and3A_256 : vector<16xi32>
    %swap3A_258 = arith.constant 48 : index
    %swap3A_259 = tpu.vector_load %arg7[%swap3A_258] {strides = array<i32>} : memref<80xi32, #tpu.memory_space<vmem>>, vector<16xi32>,
    tpu.vector_store %arg7[%swap3A_258], %and3A_257 {strides = array<i32>} : memref<80xi32, #tpu.memory_space<vmem>>, vector<16xi32>,
    %shift_right_logical3A_260 = arith.constant 14 : i32
    %shift_right_logical3A_261 = vector.broadcast %shift_right_logical3A_260 : i32 to vector<16xi32>
    %shift_right_logical3A_262 = arith.shrui %get3A_254, %shift_right_logical3A_261 : vector<16xi32>
    %swap3A_263 = arith.constant 48 : index
    %swap3A_264 = tpu.vector_load %arg10[%swap3A_263] {strides = array<i32>} : memref<80xi32, #tpu.memory_space<vmem>>, vector<16xi32>,
    tpu.vector_store %arg10[%swap3A_263], %shift_right_logical3A_262 {strides = array<i32>} : memref<80xi32, #tpu.memory_space<vmem>>, vector<16xi32>,
    %get3A_265 = arith.constant 9904 : index
    %get3A_266 = tpu.vector_load %arg6[%get3A_265] {strides = array<i32>} : memref<10000xi32, #tpu.memory_space<vmem>>, vector<16xi32>,
    %and3A_267 = arith.constant 16383 : i32
    %and3A_268 = vector.broadcast %and3A_267 : i32 to vector<16xi32>
    %and3A_269 = arith.andi %get3A_266, %and3A_268 : vector<16xi32>
    %swap3A_270 = arith.constant 64 : index
    %swap3A_271 = tpu.vector_load %arg7[%swap3A_270] {strides = array<i32>} : memref<80xi32, #tpu.memory_space<vmem>>, vector<16xi32>,
    tpu.vector_store %arg7[%swap3A_270], %and3A_269 {strides = array<i32>} : memref<80xi32, #tpu.memory_space<vmem>>, vector<16xi32>,
    %shift_right_logical3A_272 = arith.constant 14 : i32
    %shift_right_logical3A_273 = vector.broadcast %shift_right_logical3A_272 : i32 to vector<16xi32>
    %shift_right_logical3A_274 = arith.shrui %get3A_266, %shift_right_logical3A_273 : vector<16xi32>
    %swap3A_275 = arith.constant 64 : index
    %swap3A_276 = tpu.vector_load %arg10[%swap3A_275] {strides = array<i32>} : memref<80xi32, #tpu.memory_space<vmem>>, vector<16xi32>,
    tpu.vector_store %arg10[%swap3A_275], %shift_right_logical3A_274 {strides = array<i32>} : memref<80xi32, #tpu.memory_space<vmem>>, vector<16xi32>,
    %dma_start3A_277 = arith.constant 0 : i32
    %dma_start3A_278 = arith.constant 0 : i32
    %dma_start3A_279 = tpu.memref_slice %arg2[%dma_start3A_277, %dma_start3A_278] : memref<10112x128xf32, #tpu.memory_space<hbm>> -> memref<10112x128xf32, #tpu.memory_space<hbm>>
    tpu.enqueue_indirect_dma source(%dma_start3A_279 : memref<10112x128xf32, #tpu.memory_space<hbm>>) target(%arg13 : memref<80x128xf32, #tpu.memory_space<vmem>>) offsets(%arg7 : memref<80xi32, #tpu.memory_space<vmem>>) semaphore(%arg17 : memref<!tpu.dma_semaphore, #tpu.memory_space<semaphore_mem>>)
    %dma_wait3A_280 = arith.constant 0 : i32
    %dma_wait3A_281 = arith.constant 0 : i32
    %dma_wait3A_282 = tpu.memref_slice %arg2[%dma_wait3A_280, %dma_wait3A_281] : memref<10112x128xf32, #tpu.memory_space<hbm>> -> memref<80x128xf32, #tpu.memory_space<hbm>>
    %dma_wait3A_283 = arith.constant 0 : i32
    %dma_wait3A_284 = arith.constant 0 : i32
    %dma_wait3A_285 = tpu.memref_slice %arg2[%dma_wait3A_283, %dma_wait3A_284] : memref<10112x128xf32, #tpu.memory_space<hbm>> -> memref<80x128xf32, #tpu.memory_space<hbm>>
    tpu.wait_dma2 semaphore(%arg17 : memref<!tpu.dma_semaphore, #tpu.memory_space<semaphore_mem>>) src(%dma_wait3A_285 : memref<80x128xf32, #tpu.memory_space<hbm>>) dst(%arg15 : memref<80x128xf32, #tpu.memory_space<vmem>>)
    %dma_start3A_286 = arith.constant 0 : i32
    %dma_start3A_287 = arith.constant 0 : i32
    %dma_start3A_288 = tpu.memref_slice %arg16[%dma_start3A_286, %dma_start3A_287] : memref<10112x128xf32, #tpu.memory_space<vmem_shared>> -> memref<10112x128xf32, #tpu.memory_space<vmem_shared>>
    tpu.enqueue_indirect_dma source(%arg15 : memref<80x128xf32, #tpu.memory_space<vmem>>) target(%dma_start3A_288 : memref<10112x128xf32, #tpu.memory_space<vmem_shared>>) offsets(%arg12 : memref<80xi32, #tpu.memory_space<vmem>>) semaphore(%arg18 : memref<!tpu.dma_semaphore, #tpu.memory_space<semaphore_mem>>) {add = true}
    %dma_wait3A_289 = arith.constant 0 : i32
    %dma_wait3A_290 = arith.constant 0 : i32
    %dma_wait3A_291 = tpu.memref_slice %arg2[%dma_wait3A_289, %dma_wait3A_290] : memref<10112x128xf32, #tpu.memory_space<hbm>> -> memref<80x128xf32, #tpu.memory_space<hbm>>
    %dma_wait3A_292 = arith.constant 0 : i32
    %dma_wait3A_293 = arith.constant 0 : i32
    %dma_wait3A_294 = tpu.memref_slice %arg2[%dma_wait3A_292, %dma_wait3A_293] : memref<10112x128xf32, #tpu.memory_space<hbm>> -> memref<80x128xf32, #tpu.memory_space<hbm>>
    tpu.wait_dma2 semaphore(%arg18 : memref<!tpu.dma_semaphore, #tpu.memory_space<semaphore_mem>>) src(%dma_wait3A_294 : memref<80x128xf32, #tpu.memory_space<hbm>>) dst(%arg14 : memref<80x128xf32, #tpu.memory_space<vmem>>)
    %get3A_295 = arith.constant 9920 : index
    %get3A_296 = tpu.vector_load %arg6[%get3A_295] {strides = array<i32>} : memref<10000xi32, #tpu.memory_space<vmem>>, vector<16xi32>,
    %and3A_297 = arith.constant 16383 : i32
    %and3A_298 = vector.broadcast %and3A_297 : i32 to vector<16xi32>
    %and3A_299 = arith.andi %get3A_296, %and3A_298 : vector<16xi32>
    %swap3A_300 = arith.constant 0 : index
    %swap3A_301 = tpu.vector_load %arg8[%swap3A_300] {strides = array<i32>} : memref<80xi32, #tpu.memory_space<vmem>>, vector<16xi32>,
    tpu.vector_store %arg8[%swap3A_300], %and3A_299 {strides = array<i32>} : memref<80xi32, #tpu.memory_space<vmem>>, vector<16xi32>,
    %shift_right_logical3A_302 = arith.constant 14 : i32
    %shift_right_logical3A_303 = vector.broadcast %shift_right_logical3A_302 : i32 to vector<16xi32>
    %shift_right_logical3A_304 = arith.shrui %get3A_296, %shift_right_logical3A_303 : vector<16xi32>
    %swap3A_305 = arith.constant 0 : index
    %swap3A_306 = tpu.vector_load %arg11[%swap3A_305] {strides = array<i32>} : memref<80xi32, #tpu.memory_space<vmem>>, vector<16xi32>,
    tpu.vector_store %arg11[%swap3A_305], %shift_right_logical3A_304 {strides = array<i32>} : memref<80xi32, #tpu.memory_space<vmem>>, vector<16xi32>,
    %get3A_307 = arith.constant 9936 : index
    %get3A_308 = tpu.vector_load %arg6[%get3A_307] {strides = array<i32>} : memref<10000xi32, #tpu.memory_space<vmem>>, vector<16xi32>,
    %and3A_309 = arith.constant 16383 : i32
    %and3A_310 = vector.broadcast %and3A_309 : i32 to vector<16xi32>
    %and3A_311 = arith.andi %get3A_308, %and3A_310 : vector<16xi32>
    %swap3A_312 = arith.constant 16 : index
    %swap3A_313 = tpu.vector_load %arg8[%swap3A_312] {strides = array<i32>} : memref<80xi32, #tpu.memory_space<vmem>>, vector<16xi32>,
    tpu.vector_store %arg8[%swap3A_312], %and3A_311 {strides = array<i32>} : memref<80xi32, #tpu.memory_space<vmem>>, vector<16xi32>,
    %shift_right_logical3A_314 = arith.constant 14 : i32
    %shift_right_logical3A_315 = vector.broadcast %shift_right_logical3A_314 : i32 to vector<16xi32>
    %shift_right_logical3A_316 = arith.shrui %get3A_308, %shift_right_logical3A_315 : vector<16xi32>
    %swap3A_317 = arith.constant 16 : index
    %swap3A_318 = tpu.vector_load %arg11[%swap3A_317] {strides = array<i32>} : memref<80xi32, #tpu.memory_space<vmem>>, vector<16xi32>,
    tpu.vector_store %arg11[%swap3A_317], %shift_right_logical3A_316 {strides = array<i32>} : memref<80xi32, #tpu.memory_space<vmem>>, vector<16xi32>,
    %get3A_319 = arith.constant 9952 : index
    %get3A_320 = tpu.vector_load %arg6[%get3A_319] {strides = array<i32>} : memref<10000xi32, #tpu.memory_space<vmem>>, vector<16xi32>,
    %and3A_321 = arith.constant 16383 : i32
    %and3A_322 = vector.broadcast %and3A_321 : i32 to vector<16xi32>
    %and3A_323 = arith.andi %get3A_320, %and3A_322 : vector<16xi32>
    %swap3A_324 = arith.constant 32 : index
    %swap3A_325 = tpu.vector_load %arg8[%swap3A_324] {strides = array<i32>} : memref<80xi32, #tpu.memory_space<vmem>>, vector<16xi32>,
    tpu.vector_store %arg8[%swap3A_324], %and3A_323 {strides = array<i32>} : memref<80xi32, #tpu.memory_space<vmem>>, vector<16xi32>,
    %shift_right_logical3A_326 = arith.constant 14 : i32
    %shift_right_logical3A_327 = vector.broadcast %shift_right_logical3A_326 : i32 to vector<16xi32>
    %shift_right_logical3A_328 = arith.shrui %get3A_320, %shift_right_logical3A_327 : vector<16xi32>
    %swap3A_329 = arith.constant 32 : index
    %swap3A_330 = tpu.vector_load %arg11[%swap3A_329] {strides = array<i32>} : memref<80xi32, #tpu.memory_space<vmem>>, vector<16xi32>,
    tpu.vector_store %arg11[%swap3A_329], %shift_right_logical3A_328 {strides = array<i32>} : memref<80xi32, #tpu.memory_space<vmem>>, vector<16xi32>,
    %get3A_331 = arith.constant 9968 : index
    %get3A_332 = tpu.vector_load %arg6[%get3A_331] {strides = array<i32>} : memref<10000xi32, #tpu.memory_space<vmem>>, vector<16xi32>,
    %and3A_333 = arith.constant 16383 : i32
    %and3A_334 = vector.broadcast %and3A_333 : i32 to vector<16xi32>
    %and3A_335 = arith.andi %get3A_332, %and3A_334 : vector<16xi32>
    %swap3A_336 = arith.constant 48 : index
    %swap3A_337 = tpu.vector_load %arg8[%swap3A_336] {strides = array<i32>} : memref<80xi32, #tpu.memory_space<vmem>>, vector<16xi32>,
    tpu.vector_store %arg8[%swap3A_336], %and3A_335 {strides = array<i32>} : memref<80xi32, #tpu.memory_space<vmem>>, vector<16xi32>,
    %shift_right_logical3A_338 = arith.constant 14 : i32
    %shift_right_logical3A_339 = vector.broadcast %shift_right_logical3A_338 : i32 to vector<16xi32>
    %shift_right_logical3A_340 = arith.shrui %get3A_332, %shift_right_logical3A_339 : vector<16xi32>
    %swap3A_341 = arith.constant 48 : index
    %swap3A_342 = tpu.vector_load %arg11[%swap3A_341] {strides = array<i32>} : memref<80xi32, #tpu.memory_space<vmem>>, vector<16xi32>,
    tpu.vector_store %arg11[%swap3A_341], %shift_right_logical3A_340 {strides = array<i32>} : memref<80xi32, #tpu.memory_space<vmem>>, vector<16xi32>,
    %get3A_343 = arith.constant 9984 : index
    %get3A_344 = tpu.vector_load %arg6[%get3A_343] {strides = array<i32>} : memref<10000xi32, #tpu.memory_space<vmem>>, vector<16xi32>,
    %and3A_345 = arith.constant 16383 : i32
    %and3A_346 = vector.broadcast %and3A_345 : i32 to vector<16xi32>
    %and3A_347 = arith.andi %get3A_344, %and3A_346 : vector<16xi32>
    %swap3A_348 = arith.constant 64 : index
    %swap3A_349 = tpu.vector_load %arg8[%swap3A_348] {strides = array<i32>} : memref<80xi32, #tpu.memory_space<vmem>>, vector<16xi32>,
    tpu.vector_store %arg8[%swap3A_348], %and3A_347 {strides = array<i32>} : memref<80xi32, #tpu.memory_space<vmem>>, vector<16xi32>,
    %shift_right_logical3A_350 = arith.constant 14 : i32
    %shift_right_logical3A_351 = vector.broadcast %shift_right_logical3A_350 : i32 to vector<16xi32>
    %shift_right_logical3A_352 = arith.shrui %get3A_344, %shift_right_logical3A_351 : vector<16xi32>
    %swap3A_353 = arith.constant 64 : index
    %swap3A_354 = tpu.vector_load %arg11[%swap3A_353] {strides = array<i32>} : memref<80xi32, #tpu.memory_space<vmem>>, vector<16xi32>,
    tpu.vector_store %arg11[%swap3A_353], %shift_right_logical3A_352 {strides = array<i32>} : memref<80xi32, #tpu.memory_space<vmem>>, vector<16xi32>,
    %dma_start3A_355 = arith.constant 0 : i32
    %dma_start3A_356 = arith.constant 0 : i32
    %dma_start3A_357 = tpu.memref_slice %arg2[%dma_start3A_355, %dma_start3A_356] : memref<10112x128xf32, #tpu.memory_space<hbm>> -> memref<10112x128xf32, #tpu.memory_space<hbm>>
    tpu.enqueue_indirect_dma source(%dma_start3A_357 : memref<10112x128xf32, #tpu.memory_space<hbm>>) target(%arg14 : memref<80x128xf32, #tpu.memory_space<vmem>>) offsets(%arg8 : memref<80xi32, #tpu.memory_space<vmem>>) semaphore(%arg17 : memref<!tpu.dma_semaphore, #tpu.memory_space<semaphore_mem>>)
    %dma_wait3A_358 = arith.constant 0 : i32
    %dma_wait3A_359 = arith.constant 0 : i32
    %dma_wait3A_360 = tpu.memref_slice %arg2[%dma_wait3A_358, %dma_wait3A_359] : memref<10112x128xf32, #tpu.memory_space<hbm>> -> memref<80x128xf32, #tpu.memory_space<hbm>>
    %dma_wait3A_361 = arith.constant 0 : i32
    %dma_wait3A_362 = arith.constant 0 : i32
    %dma_wait3A_363 = tpu.memref_slice %arg2[%dma_wait3A_361, %dma_wait3A_362] : memref<10112x128xf32, #tpu.memory_space<hbm>> -> memref<80x128xf32, #tpu.memory_space<hbm>>
    tpu.wait_dma2 semaphore(%arg17 : memref<!tpu.dma_semaphore, #tpu.memory_space<semaphore_mem>>) src(%dma_wait3A_363 : memref<80x128xf32, #tpu.memory_space<hbm>>) dst(%arg13 : memref<80x128xf32, #tpu.memory_space<vmem>>)
    %dma_start3A_364 = arith.constant 0 : i32
    %dma_start3A_365 = arith.constant 0 : i32
    %dma_start3A_366 = tpu.memref_slice %arg16[%dma_start3A_364, %dma_start3A_365] : memref<10112x128xf32, #tpu.memory_space<vmem_shared>> -> memref<10112x128xf32, #tpu.memory_space<vmem_shared>>
    tpu.enqueue_indirect_dma source(%arg13 : memref<80x128xf32, #tpu.memory_space<vmem>>) target(%dma_start3A_366 : memref<10112x128xf32, #tpu.memory_space<vmem_shared>>) offsets(%arg10 : memref<80xi32, #tpu.memory_space<vmem>>) semaphore(%arg18 : memref<!tpu.dma_semaphore, #tpu.memory_space<semaphore_mem>>) {add = true}
    %dma_wait3A_367 = arith.constant 0 : i32
    %dma_wait3A_368 = arith.constant 0 : i32
    %dma_wait3A_369 = tpu.memref_slice %arg2[%dma_wait3A_367, %dma_wait3A_368] : memref<10112x128xf32, #tpu.memory_space<hbm>> -> memref<80x128xf32, #tpu.memory_space<hbm>>
    %dma_wait3A_370 = arith.constant 0 : i32
    %dma_wait3A_371 = arith.constant 0 : i32
    %dma_wait3A_372 = tpu.memref_slice %arg2[%dma_wait3A_370, %dma_wait3A_371] : memref<10112x128xf32, #tpu.memory_space<hbm>> -> memref<80x128xf32, #tpu.memory_space<hbm>>
    tpu.wait_dma2 semaphore(%arg17 : memref<!tpu.dma_semaphore, #tpu.memory_space<semaphore_mem>>) src(%dma_wait3A_372 : memref<80x128xf32, #tpu.memory_space<hbm>>) dst(%arg14 : memref<80x128xf32, #tpu.memory_space<vmem>>)
    %dma_start3A_373 = arith.constant 0 : i32
    %dma_start3A_374 = arith.constant 0 : i32
    %dma_start3A_375 = tpu.memref_slice %arg16[%dma_start3A_373, %dma_start3A_374] : memref<10112x128xf32, #tpu.memory_space<vmem_shared>> -> memref<10112x128xf32, #tpu.memory_space<vmem_shared>>
    tpu.enqueue_indirect_dma source(%arg14 : memref<80x128xf32, #tpu.memory_space<vmem>>) target(%dma_start3A_375 : memref<10112x128xf32, #tpu.memory_space<vmem_shared>>) offsets(%arg11 : memref<80xi32, #tpu.memory_space<vmem>>) semaphore(%arg18 : memref<!tpu.dma_semaphore, #tpu.memory_space<semaphore_mem>>) {add = true}
    %dma_wait3A_376 = arith.constant 0 : i32
    %dma_wait3A_377 = arith.constant 0 : i32
    %dma_wait3A_378 = tpu.memref_slice %arg2[%dma_wait3A_376, %dma_wait3A_377] : memref<10112x128xf32, #tpu.memory_space<hbm>> -> memref<80x128xf32, #tpu.memory_space<hbm>>
    %dma_wait3A_379 = arith.constant 0 : i32
    %dma_wait3A_380 = arith.constant 0 : i32
    %dma_wait3A_381 = tpu.memref_slice %arg2[%dma_wait3A_379, %dma_wait3A_380] : memref<10112x128xf32, #tpu.memory_space<hbm>> -> memref<80x128xf32, #tpu.memory_space<hbm>>
    tpu.wait_dma2 semaphore(%arg18 : memref<!tpu.dma_semaphore, #tpu.memory_space<semaphore_mem>>) src(%dma_wait3A_381 : memref<80x128xf32, #tpu.memory_space<hbm>>) dst(%arg15 : memref<80x128xf32, #tpu.memory_space<vmem>>)
    %dma_wait3A_382 = arith.constant 0 : i32
    %dma_wait3A_383 = arith.constant 0 : i32
    %dma_wait3A_384 = tpu.memref_slice %arg2[%dma_wait3A_382, %dma_wait3A_383] : memref<10112x128xf32, #tpu.memory_space<hbm>> -> memref<80x128xf32, #tpu.memory_space<hbm>>
    %dma_wait3A_385 = arith.constant 0 : i32
    %dma_wait3A_386 = arith.constant 0 : i32
    %dma_wait3A_387 = tpu.memref_slice %arg2[%dma_wait3A_385, %dma_wait3A_386] : memref<10112x128xf32, #tpu.memory_space<hbm>> -> memref<80x128xf32, #tpu.memory_space<hbm>>
    tpu.wait_dma2 semaphore(%arg18 : memref<!tpu.dma_semaphore, #tpu.memory_space<semaphore_mem>>) src(%dma_wait3A_387 : memref<80x128xf32, #tpu.memory_space<hbm>>) dst(%arg13 : memref<80x128xf32, #tpu.memory_space<vmem>>)
    %dma_wait3A_388 = arith.constant 0 : i32
    %dma_wait3A_389 = arith.constant 0 : i32
    %dma_wait3A_390 = tpu.memref_slice %arg2[%dma_wait3A_388, %dma_wait3A_389] : memref<10112x128xf32, #tpu.memory_space<hbm>> -> memref<80x128xf32, #tpu.memory_space<hbm>>
    %dma_wait3A_391 = arith.constant 0 : i32
    %dma_wait3A_392 = arith.constant 0 : i32
    %dma_wait3A_393 = tpu.memref_slice %arg2[%dma_wait3A_391, %dma_wait3A_392] : memref<10112x128xf32, #tpu.memory_space<hbm>> -> memref<80x128xf32, #tpu.memory_space<hbm>>
    tpu.wait_dma2 semaphore(%arg18 : memref<!tpu.dma_semaphore, #tpu.memory_space<semaphore_mem>>) src(%dma_wait3A_393 : memref<80x128xf32, #tpu.memory_space<hbm>>) dst(%arg14 : memref<80x128xf32, #tpu.memory_space<vmem>>)
    %barrier3A_394 = arith.constant 0 : index
    tpu.barrier barrier_id(%barrier3A_394)
    %mul3A_395 = arith.constant 632 : i32
    %mul3A_396 = arith.muli %arg1, %mul3A_395 : i32
    %mul3A_397 = arith.constant 10112 : i32
    %mul3A_398 = arith.muli %arg0, %mul3A_397 : i32
    %mul3A_399 = arith.constant 632 : i32
    %mul3A_400 = arith.muli %arg1, %mul3A_399 : i32
    %add3A_401 = arith.addi %mul3A_398, %mul3A_400 : i32
    "tpu.region"() ({
      %run_scoped3A = tpu.sem_alloc : memref<!tpu.dma_semaphore, #tpu.memory_space<semaphore_mem>>
      %dma_start3A_402 = arith.constant 0 : i32
      %dma_start3A_403 = tpu.memref_slice %arg5[%add3A_401, %dma_start3A_402] : memref<20224x128xf32, #tpu.memory_space<hbm>> -> memref<632x128xf32, #tpu.memory_space<hbm>>
      %dma_start3A_404 = arith.constant 0 : i32
      %dma_start3A_405 = tpu.memref_slice %arg16[%mul3A_396, %dma_start3A_404] : memref<10112x128xf32, #tpu.memory_space<vmem_shared>> -> memref<632x128xf32, #tpu.memory_space<vmem_shared>>
      tpu.enqueue_dma source(%dma_start3A_405 : memref<632x128xf32, #tpu.memory_space<vmem_shared>>) target(%dma_start3A_403 : memref<632x128xf32, #tpu.memory_space<hbm>>) target_semaphore(%run_scoped3A : memref<!tpu.dma_semaphore, #tpu.memory_space<semaphore_mem>>)
      %dma_wait3A_406 = arith.constant 0 : i32
      %dma_wait3A_407 = tpu.memref_slice %arg5[%add3A_401, %dma_wait3A_406] : memref<20224x128xf32, #tpu.memory_space<hbm>> -> memref<632x128xf32, #tpu.memory_space<hbm>>
      %dma_wait3A_408 = arith.constant 0 : i32
      %dma_wait3A_409 = tpu.memref_slice %arg16[%mul3A_396, %dma_wait3A_408] : memref<10112x128xf32, #tpu.memory_space<vmem_shared>> -> memref<632x128xf32, #tpu.memory_space<vmem_shared>>
      tpu.wait_dma2 semaphore(%run_scoped3A : memref<!tpu.dma_semaphore, #tpu.memory_space<semaphore_mem>>) src(%dma_wait3A_409 : memref<632x128xf32, #tpu.memory_space<vmem_shared>>) dst(%dma_wait3A_407 : memref<632x128xf32, #tpu.memory_space<hbm>>)
      tpu.yield
    }) : () -> ()
    return
  }
}

module attributes {stable_mosaic.version = 14 : i64} {
  func.func @_layer1_body(%arg0: i32, %arg1: memref<1264x128xf32, #tpu.memory_space<vmem>>, %arg2: memref<1264x128xf32, #tpu.memory_space<vmem>>, %arg3: memref<1264x8xf32, #tpu.memory_space<vmem>>, %arg4: memref<1264x8xf32, #tpu.memory_space<vmem>>, %arg5: memref<1264x136xf32, #tpu.memory_space<vmem>>, %arg6: memref<128x128xf32, #tpu.memory_space<vmem>>, %arg7: memref<128x128xf32, #tpu.memory_space<vmem>>, %arg8: memref<1x128xf32, #tpu.memory_space<vmem>>, %arg9: memref<1264x128xf32, #tpu.memory_space<vmem>>, %arg10: memref<1264x1xf32, #tpu.memory_space<vmem>>) attributes {dimension_semantics = [#tpu.dimension_semantics<arbitrary>], iteration_bounds = array<i64: 8>, scalar_prefetch = 0 : i64, scratch_operands = 0 : i64, tpu.core_type = #tpu.core_type<tc>, window_params = [{transform_indices = @transform_0, window_bounds = array<i64: 1264, 128>}, {transform_indices = @transform_1, window_bounds = array<i64: 1264, 128>}, {transform_indices = @transform_2, window_bounds = array<i64: 1264, 8>}, {transform_indices = @transform_3, window_bounds = array<i64: 1264, 8>}, {transform_indices = @transform_4, window_bounds = array<i64: 1264, 136>}, {pipeline_mode = #tpu.pipeline_mode<synchronous>, transform_indices = @transform_5, window_bounds = array<i64: 128, 128>}, {pipeline_mode = #tpu.pipeline_mode<synchronous>, transform_indices = @transform_6, window_bounds = array<i64: 128, 128>}, {pipeline_mode = #tpu.pipeline_mode<synchronous>, transform_indices = @transform_7, window_bounds = array<i64: 1, 128>}, {transform_indices = @transform_8, window_bounds = array<i64: 1264, 128>}, {transform_indices = @transform_9, window_bounds = array<i64: 1264, 1>}]} {
    %get3A = arith.constant 0 : index
    %get3A_0 = arith.constant 0 : index
    %get3A_1 = vector.load %arg3[%get3A, %get3A_0] : memref<1264x8xf32, #tpu.memory_space<vmem>>, vector<1264x1xf32>
    %get3A_2 = arith.constant 0 : index
    %get3A_3 = arith.constant 0 : index
    %get3A_4 = vector.load %arg4[%get3A_2, %get3A_3] : memref<1264x8xf32, #tpu.memory_space<vmem>>, vector<1264x1xf32>
    %add3A = arith.addf %get3A_1, %get3A_4 : vector<1264x1xf32>
    %max3A = arith.constant 1.000000e+00 : f32
    %max3A_5 = vector.broadcast %max3A : f32 to vector<1264x1xf32>
    %max3A_6 = arith.maximumf %add3A, %max3A_5 : vector<1264x1xf32>
    %div3A = arith.constant 1.000000e+00 : f32
    %div3A_7 = vector.broadcast %div3A : f32 to vector<1264x1xf32>
    %div3A_8 = arith.divf %div3A_7, %max3A_6 : vector<1264x1xf32>
    %get3A_9 = arith.constant 0 : index
    %get3A_10 = arith.constant 0 : index
    %get3A_11 = vector.load %arg1[%get3A_9, %get3A_10] : memref<1264x128xf32, #tpu.memory_space<vmem>>, vector<1264x128xf32>
    %get3A_12 = arith.constant 0 : index
    %get3A_13 = arith.constant 0 : index
    %get3A_14 = vector.load %arg2[%get3A_12, %get3A_13] : memref<1264x128xf32, #tpu.memory_space<vmem>>, vector<1264x128xf32>
    %add3A_15 = arith.addf %get3A_11, %get3A_14 : vector<1264x128xf32>
    %mul3A = vector.broadcast %div3A_8 : vector<1264x1xf32> to vector<1264x128xf32>
    %mul3A_16 = arith.mulf %add3A_15, %mul3A : vector<1264x128xf32>
    %get3A_17 = arith.constant 0 : index
    %get3A_18 = arith.constant 0 : index
    %get3A_19 = vector.load %arg6[%get3A_17, %get3A_18] : memref<128x128xf32, #tpu.memory_space<vmem>>, vector<128x128xf32>
    %dot_general3A = arith.constant dense<0.000000e+00> : vector<1264x128xf32>
    %dot_general3A_20 = tpu.matmul %mul3A_16, %get3A_19, %dot_general3A {dimension_numbers = #tpu.dot_dimension_numbers<[1], [1], [0], [0], [0, 0, 1, 0], [], []>, transpose_lhs_hint = false} : vector<1264x128xf32>, vector<128x128xf32>, vector<1264x128xf32> -> vector<1264x128xf32>
    %get3A_21 = arith.constant 0 : index
    %get3A_22 = arith.constant 0 : index
    %get3A_23 = vector.load %arg5[%get3A_21, %get3A_22] : memref<1264x136xf32, #tpu.memory_space<vmem>>, vector<1264x128xf32>
    %get3A_24 = arith.constant 0 : index
    %get3A_25 = arith.constant 0 : index
    %get3A_26 = vector.load %arg7[%get3A_24, %get3A_25] : memref<128x128xf32, #tpu.memory_space<vmem>>, vector<128x128xf32>
    %dot_general3A_27 = arith.constant dense<0.000000e+00> : vector<1264x128xf32>
    %dot_general3A_28 = tpu.matmul %get3A_23, %get3A_26, %dot_general3A_27 {dimension_numbers = #tpu.dot_dimension_numbers<[1], [1], [0], [0], [0, 0, 1, 0], [], []>, transpose_lhs_hint = false} : vector<1264x128xf32>, vector<128x128xf32>, vector<1264x128xf32> -> vector<1264x128xf32>
    %add3A_29 = arith.addf %dot_general3A_20, %dot_general3A_28 : vector<1264x128xf32>
    %get3A_30 = arith.constant 0 : index
    %get3A_31 = arith.constant 0 : index
    %get3A_32 = vector.load %arg8[%get3A_30, %get3A_31] : memref<1x128xf32, #tpu.memory_space<vmem>>, vector<1x128xf32>
    %add3A_33 = vector.broadcast %get3A_32 : vector<1x128xf32> to vector<1264x128xf32>
    %add3A_34 = arith.addf %add3A_29, %add3A_33 : vector<1264x128xf32>
    %max3A_35 = arith.constant 0.000000e+00 : f32
    %max3A_36 = vector.broadcast %max3A_35 : f32 to vector<1264x128xf32>
    %max3A_37 = arith.maximumf %add3A_34, %max3A_36 : vector<1264x128xf32>
    %swap3A = arith.constant 0 : index
    %swap3A_38 = arith.constant 0 : index
    %swap3A_39 = vector.load %arg9[%swap3A, %swap3A_38] : memref<1264x128xf32, #tpu.memory_space<vmem>>, vector<1264x128xf32>
    tpu.vector_store %arg9[%swap3A, %swap3A_38], %max3A_37 {strides = array<i32>} : memref<1264x128xf32, #tpu.memory_space<vmem>>, vector<1264x128xf32>,
    %swap3A_40 = arith.constant 0 : index
    %swap3A_41 = arith.constant 0 : index
    %swap3A_42 = vector.load %arg10[%swap3A_40, %swap3A_41] : memref<1264x1xf32, #tpu.memory_space<vmem>>, vector<1264x1xf32>
    tpu.vector_store %arg10[%swap3A_40, %swap3A_41], %div3A_8 {strides = array<i32>} : memref<1264x1xf32, #tpu.memory_space<vmem>>, vector<1264x1xf32>,
    return
  }
  func.func @transform_0(%arg0: i32) -> (i32, i32) {
    %c0_i32 = arith.constant 0 : i32
    %c0_i32_0 = arith.constant 0 : i32
    return %arg0, %c0_i32 : i32, i32
  }
  func.func @transform_1(%arg0: i32) -> (i32, i32) {
    %add3A = arith.constant 8 : i32
    %add3A_0 = arith.addi %arg0, %add3A : i32
    %c0_i32 = arith.constant 0 : i32
    %c0_i32_1 = arith.constant 0 : i32
    return %add3A_0, %c0_i32 : i32, i32
  }
  func.func @transform_2(%arg0: i32) -> (i32, i32) {
    %c0_i32 = arith.constant 0 : i32
    %c0_i32_0 = arith.constant 0 : i32
    return %arg0, %c0_i32 : i32, i32
  }
  func.func @transform_3(%arg0: i32) -> (i32, i32) {
    %add3A = arith.constant 8 : i32
    %add3A_0 = arith.addi %arg0, %add3A : i32
    %c0_i32 = arith.constant 0 : i32
    %c0_i32_1 = arith.constant 0 : i32
    return %add3A_0, %c0_i32 : i32, i32
  }
  func.func @transform_4(%arg0: i32) -> (i32, i32) {
    %c0_i32 = arith.constant 0 : i32
    %c0_i32_0 = arith.constant 0 : i32
    return %arg0, %c0_i32 : i32, i32
  }
  func.func @transform_5(%arg0: i32) -> (i32, i32) {
    %c0_i32 = arith.constant 0 : i32
    %c0_i32_0 = arith.constant 0 : i32
    %c0_i32_1 = arith.constant 0 : i32
    return %c0_i32, %c0_i32_0 : i32, i32
  }
  func.func @transform_6(%arg0: i32) -> (i32, i32) {
    %c0_i32 = arith.constant 0 : i32
    %c0_i32_0 = arith.constant 0 : i32
    %c0_i32_1 = arith.constant 0 : i32
    return %c0_i32, %c0_i32_0 : i32, i32
  }
  func.func @transform_7(%arg0: i32) -> (i32, i32) {
    %c0_i32 = arith.constant 0 : i32
    %c0_i32_0 = arith.constant 0 : i32
    %c0_i32_1 = arith.constant 0 : i32
    return %c0_i32, %c0_i32_0 : i32, i32
  }
  func.func @transform_8(%arg0: i32) -> (i32, i32) {
    %c0_i32 = arith.constant 0 : i32
    %c0_i32_0 = arith.constant 0 : i32
    return %arg0, %c0_i32 : i32, i32
  }
  func.func @transform_9(%arg0: i32) -> (i32, i32) {
    %c0_i32 = arith.constant 0 : i32
    %c0_i32_0 = arith.constant 0 : i32
    return %arg0, %c0_i32 : i32, i32
  }
}

module attributes {stable_mosaic.version = 14 : i64} {
  func.func @_layer2_body(%arg0: i32, %arg1: memref<1264x128xf32, #tpu.memory_space<vmem>>, %arg2: memref<1264x128xf32, #tpu.memory_space<vmem>>, %arg3: memref<1264x128xf32, #tpu.memory_space<vmem>>, %arg4: memref<1264x1xf32, #tpu.memory_space<vmem>>, %arg5: memref<128x128xf32, #tpu.memory_space<vmem>>, %arg6: memref<128x128xf32, #tpu.memory_space<vmem>>, %arg7: memref<1x128xf32, #tpu.memory_space<vmem>>, %arg8: memref<1x128xf32, #tpu.memory_space<vmem>>, %arg9: memref<1x1xf32, #tpu.memory_space<vmem>>, %arg10: memref<1264x1xf32, #tpu.memory_space<vmem>>) attributes {dimension_semantics = [#tpu.dimension_semantics<arbitrary>], iteration_bounds = array<i64: 8>, scalar_prefetch = 0 : i64, scratch_operands = 0 : i64, tpu.core_type = #tpu.core_type<tc>, window_params = [{transform_indices = @transform_0, window_bounds = array<i64: 1264, 128>}, {transform_indices = @transform_1, window_bounds = array<i64: 1264, 128>}, {transform_indices = @transform_2, window_bounds = array<i64: 1264, 128>}, {transform_indices = @transform_3, window_bounds = array<i64: 1264, 1>}, {pipeline_mode = #tpu.pipeline_mode<synchronous>, transform_indices = @transform_4, window_bounds = array<i64: 128, 128>}, {pipeline_mode = #tpu.pipeline_mode<synchronous>, transform_indices = @transform_5, window_bounds = array<i64: 128, 128>}, {pipeline_mode = #tpu.pipeline_mode<synchronous>, transform_indices = @transform_6, window_bounds = array<i64: 1, 128>}, {pipeline_mode = #tpu.pipeline_mode<synchronous>, transform_indices = @transform_7, window_bounds = array<i64: 1, 128>}, {pipeline_mode = #tpu.pipeline_mode<synchronous>, transform_indices = @transform_8, window_bounds = array<i64: 1, 1>}, {transform_indices = @transform_9, window_bounds = array<i64: 1264, 1>}]} {
    %get3A = arith.constant 0 : index
    %get3A_0 = arith.constant 0 : index
    %get3A_1 = vector.load %arg1[%get3A, %get3A_0] : memref<1264x128xf32, #tpu.memory_space<vmem>>, vector<1264x128xf32>
    %get3A_2 = arith.constant 0 : index
    %get3A_3 = arith.constant 0 : index
    %get3A_4 = vector.load %arg2[%get3A_2, %get3A_3] : memref<1264x128xf32, #tpu.memory_space<vmem>>, vector<1264x128xf32>
    %add3A = arith.addf %get3A_1, %get3A_4 : vector<1264x128xf32>
    %get3A_5 = arith.constant 0 : index
    %get3A_6 = arith.constant 0 : index
    %get3A_7 = vector.load %arg4[%get3A_5, %get3A_6] : memref<1264x1xf32, #tpu.memory_space<vmem>>, vector<1264x1xf32>
    %mul3A = vector.broadcast %get3A_7 : vector<1264x1xf32> to vector<1264x128xf32>
    %mul3A_8 = arith.mulf %add3A, %mul3A : vector<1264x128xf32>
    %get3A_9 = arith.constant 0 : index
    %get3A_10 = arith.constant 0 : index
    %get3A_11 = vector.load %arg5[%get3A_9, %get3A_10] : memref<128x128xf32, #tpu.memory_space<vmem>>, vector<128x128xf32>
    %dot_general3A = arith.constant dense<0.000000e+00> : vector<1264x128xf32>
    %dot_general3A_12 = tpu.matmul %mul3A_8, %get3A_11, %dot_general3A {dimension_numbers = #tpu.dot_dimension_numbers<[1], [1], [0], [0], [0, 0, 1, 0], [], []>, transpose_lhs_hint = false} : vector<1264x128xf32>, vector<128x128xf32>, vector<1264x128xf32> -> vector<1264x128xf32>
    %get3A_13 = arith.constant 0 : index
    %get3A_14 = arith.constant 0 : index
    %get3A_15 = vector.load %arg3[%get3A_13, %get3A_14] : memref<1264x128xf32, #tpu.memory_space<vmem>>, vector<1264x128xf32>
    %get3A_16 = arith.constant 0 : index
    %get3A_17 = arith.constant 0 : index
    %get3A_18 = vector.load %arg6[%get3A_16, %get3A_17] : memref<128x128xf32, #tpu.memory_space<vmem>>, vector<128x128xf32>
    %dot_general3A_19 = arith.constant dense<0.000000e+00> : vector<1264x128xf32>
    %dot_general3A_20 = tpu.matmul %get3A_15, %get3A_18, %dot_general3A_19 {dimension_numbers = #tpu.dot_dimension_numbers<[1], [1], [0], [0], [0, 0, 1, 0], [], []>, transpose_lhs_hint = false} : vector<1264x128xf32>, vector<128x128xf32>, vector<1264x128xf32> -> vector<1264x128xf32>
    %add3A_21 = arith.addf %dot_general3A_12, %dot_general3A_20 : vector<1264x128xf32>
    %get3A_22 = arith.constant 0 : index
    %get3A_23 = arith.constant 0 : index
    %get3A_24 = vector.load %arg7[%get3A_22, %get3A_23] : memref<1x128xf32, #tpu.memory_space<vmem>>, vector<1x128xf32>
    %add3A_25 = vector.broadcast %get3A_24 : vector<1x128xf32> to vector<1264x128xf32>
    %add3A_26 = arith.addf %add3A_21, %add3A_25 : vector<1264x128xf32>
    %max3A = arith.constant 0.000000e+00 : f32
    %max3A_27 = vector.broadcast %max3A : f32 to vector<1264x128xf32>
    %max3A_28 = arith.maximumf %add3A_26, %max3A_27 : vector<1264x128xf32>
    %get3A_29 = arith.constant 0 : index
    %get3A_30 = arith.constant 0 : index
    %get3A_31 = vector.load %arg8[%get3A_29, %get3A_30] : memref<1x128xf32, #tpu.memory_space<vmem>>, vector<1x128xf32>
    %mul3A_32 = vector.broadcast %get3A_31 : vector<1x128xf32> to vector<1264x128xf32>
    %mul3A_33 = arith.mulf %max3A_28, %mul3A_32 : vector<1264x128xf32>
    %reduce_sum3A = arith.constant dense<0.000000e+00> : vector<1264xf32>
    %reduce_sum3A_34 = vector.multi_reduction <add>, %mul3A_33, %reduce_sum3A [1] : vector<1264x128xf32> to vector<1264xf32>
    %broadcast_in_dim3A = vector.shape_cast %reduce_sum3A_34 : vector<1264xf32> to vector<1264x1xf32>
    %get3A_35 = arith.constant 0 : index
    %get3A_36 = arith.constant 0 : index
    %get3A_37 = vector.load %arg9[%get3A_35, %get3A_36] : memref<1x1xf32, #tpu.memory_space<vmem>>, vector<1x1xf32>
    %get3A_38 = vector.extract %get3A_37[0, 0] : f32 from vector<1x1xf32>
    %add3A_39 = vector.broadcast %get3A_38 : f32 to vector<1264x1xf32>
    %add3A_40 = arith.addf %broadcast_in_dim3A, %add3A_39 : vector<1264x1xf32>
    %swap3A = arith.constant 0 : index
    %swap3A_41 = arith.constant 0 : index
    %swap3A_42 = vector.load %arg10[%swap3A, %swap3A_41] : memref<1264x1xf32, #tpu.memory_space<vmem>>, vector<1264x1xf32>
    tpu.vector_store %arg10[%swap3A, %swap3A_41], %add3A_40 {strides = array<i32>} : memref<1264x1xf32, #tpu.memory_space<vmem>>, vector<1264x1xf32>,
    return
  }
  func.func @transform_0(%arg0: i32) -> (i32, i32) {
    %c0_i32 = arith.constant 0 : i32
    %c0_i32_0 = arith.constant 0 : i32
    return %arg0, %c0_i32 : i32, i32
  }
  func.func @transform_1(%arg0: i32) -> (i32, i32) {
    %add3A = arith.constant 8 : i32
    %add3A_0 = arith.addi %arg0, %add3A : i32
    %c0_i32 = arith.constant 0 : i32
    %c0_i32_1 = arith.constant 0 : i32
    return %add3A_0, %c0_i32 : i32, i32
  }
  func.func @transform_2(%arg0: i32) -> (i32, i32) {
    %c0_i32 = arith.constant 0 : i32
    %c0_i32_0 = arith.constant 0 : i32
    return %arg0, %c0_i32 : i32, i32
  }
  func.func @transform_3(%arg0: i32) -> (i32, i32) {
    %c0_i32 = arith.constant 0 : i32
    %c0_i32_0 = arith.constant 0 : i32
    return %arg0, %c0_i32 : i32, i32
  }
  func.func @transform_4(%arg0: i32) -> (i32, i32) {
    %c0_i32 = arith.constant 0 : i32
    %c0_i32_0 = arith.constant 0 : i32
    %c0_i32_1 = arith.constant 0 : i32
    return %c0_i32, %c0_i32_0 : i32, i32
  }
  func.func @transform_5(%arg0: i32) -> (i32, i32) {
    %c0_i32 = arith.constant 0 : i32
    %c0_i32_0 = arith.constant 0 : i32
    %c0_i32_1 = arith.constant 0 : i32
    return %c0_i32, %c0_i32_0 : i32, i32
  }
  func.func @transform_6(%arg0: i32) -> (i32, i32) {
    %c0_i32 = arith.constant 0 : i32
    %c0_i32_0 = arith.constant 0 : i32
    %c0_i32_1 = arith.constant 0 : i32
    return %c0_i32, %c0_i32_0 : i32, i32
  }
  func.func @transform_7(%arg0: i32) -> (i32, i32) {
    %c0_i32 = arith.constant 0 : i32
    %c0_i32_0 = arith.constant 0 : i32
    %c0_i32_1 = arith.constant 0 : i32
    return %c0_i32, %c0_i32_0 : i32, i32
  }
  func.func @transform_8(%arg0: i32) -> (i32, i32) {
    %c0_i32 = arith.constant 0 : i32
    %c0_i32_0 = arith.constant 0 : i32
    %c0_i32_1 = arith.constant 0 : i32
    return %c0_i32, %c0_i32_0 : i32, i32
  }
  func.func @transform_9(%arg0: i32) -> (i32, i32) {
    %c0_i32 = arith.constant 0 : i32
    %c0_i32_0 = arith.constant 0 : i32
    return %arg0, %c0_i32 : i32, i32
  }
}

</mosaic_0001>

<sc_bundles>
// kernel: kernel.10.cloned.1.call-start
scs
__scs_entry_jumppad:
0x0: {  	(pc) =	sbr.rel $0x88, $3  }
0x1: {  	(tag) =	ssettag $0x0;
	lr =	simm.s32 $0x1  }
0x2: {  	[smem:$0x3F97] =	sst lr;
	_ =	strace $0xD0000000  }
0x3: {  	_ = 	snop  }
0x4: {  	_ = 	snop  }
0x5: {  	_ = 	snop  }
0x6: {  	_ = 	snop  }
0x7: {  	_ = 	snop  }
__scs_overlays_trampoline_lowered:
0x8: {  	[smem:$0x3FA6] =	sst s0  }
0x9: {  	[smem:$0x3FA7] =	sst s1  }
0xa: {  	[smem:$0x3FA8] =	sst s2  }
0xb: {  	[smem:$0x3FA9] =	sst s3  }
0xc: {  	[smem:$0x3FAA] =	sst s4  }
0xd: {  	[smem:$0x3FAB] =	sst s5  }
0xe: {  	[smem:$0x3FAC] =	sst s6  }
0xf: {  	[smem:$0x3FAD] =	sst s7  }
0x10: {  	[smem:$0x3FAE] =	sst s8  }
0x11: {  	[smem:$0x3FAF] =	sst s9;
	s0 =	simm.s32 @!p0 $0x0  }
0x12: {  	s1 =	sld [smem:$0x3F95];
	s0 =	simm.s32 @p0 $0x1  }
0x13: {  	[smem:$0x3FB0] =	sst s0;
	s0 =	simm.s32 @!p1 $0x0  }
0x14: {  	s2 =	sld [smem:$0x3F94];
	s0 =	simm.s32 @p1 $0x1  }
0x15: {  	[smem:$0x3FB1] =	sst s0;
	s0 =	simm.s32 @!p2 $0x0  }
0x16: {  	s3 =	sld [smem:$0x3FDB];
	s0 =	simm.s32 @p2 $0x1  }
0x17: {  	s4 =	simm.s32 $0x1BF5;
	[smem:$0x3FB3] =	sst s0  }
0x18: {  	s0 =	sld [smem:$0x3F96];
	_ =	swait.ge [sflag:s4], $0x0  }
0x19: {  	s7 =	sld [smem:$0x3F97]  }
0x1a: {  	s8 =	sadd.s32 $0xFFFFE003, lr  }
0x1b: {  	s9 =	sadd.s32 $0xFFFFFEF7, lr;
	s5 =	simm.s32 $0xFFFFFFFF;
	p2 =	slt.u32 s8, $0xFFFFF086  }
0x1c: {  	p1 =	slt.u32 s9, $0xF7A;
	s5 =	simm.s32 @!p2 $0x0  }
0x1d: {  	s5 =	simm.s32 @p1 $0x1;
	p0 =	seq.s32 s7, s2  }
0x1e: {  	s7 =	smul.u32 @!p0 $0xF7A, s2;
	p2 =	seq.s32 @!p0 s5, $0x0  }
0x1f: {  	s9 =	smul.u32 $0xF7A, s1;
	s8 =	simm.s32 @!p0 $0x1BF5;
	p2 =	por !p2, p0  }
0x20: {  	[sflag:s8] =	ssyncset.s32 @!p0 $0xFFFFF086;
	s6 =	sadd.s32 @!p0 s3, s7;
	s7 =	simm.s32 @!p0 $0x108  }
0x21: {  	s3 =	sadd.s32 s3, s9;
	s6 =	sadd.s32 @!p0 $0x88, s6;
	s7 =	simm.s32 @p2 $0x1082  }
0x22: {  	[simem:s7], [sflag:s8] =	dma.local @!p0 [hbm:s6], $0xF7A  }
0x23: {  	s9 =	sor.u32 $0xD0000000, s2;
	s6 =	simm.s32 $0x108;
	_ =	swait.ge @!p0 [sflag:s8], $0x0  }
0x24: {  	s3 =	sadd.s32 $0x88, s3;
	s6 =	simm.s32 @!p1 $0x1082;
	[sflag:s4] =	ssyncset.s32 $0xFFFFF086  }
0x25: {  	[simem:s6], [sflag:s4] =	dma.local [hbm:s3], $0xF7A  }
0x26: {  	[smem:$0x3F97] =	sst s1;
	(tag) =	ssettag s2;
	_ =	strace s9  }
0x27: {  	s1 =	sld [smem:$0x3FA7]  }
0x28: {  	s2 =	sld [smem:$0x3FA8]  }
0x29: {  	s4 =	sld [smem:$0x3FAA]  }
0x2a: {  	p0 =	seq.s32 s5, $0x0;
	s5 =	sld [smem:$0x3FAB]  }
0x2b: {  	s6 =	sld [smem:$0x3FAC]  }
0x2c: {  	s7 =	sld [smem:$0x3FAD]  }
0x2d: {  	s3 =	simm.s32 $0x108;
	s8 =	sld [smem:$0x3FAE]  }
0x2e: {  	s3 =	simm.s32 @!p0 $0x1082;
	s9 =	sld [smem:$0x3FAF]  }
0x2f: {  	lr =	sadd.s32 s0, s3;
	s0 =	sld [smem:$0x3FA6]  }
0x30: {  	s3 =	sld [smem:$0x3FA9]  }
0x31: {  	[smem:$0x3FB2] =	sst s10  }
0x32: {  	s10 =	sld [smem:$0x3FB0];
	_ =	sdelay $0x3  }
0x33: {  	p0 =	seq.s32 s10, $0x1;
	s10 =	sld [smem:$0x3FB2];
	_ =	sdelay $0x3  }
0x34: {  	[smem:$0x3FB2] =	sst s10  }
0x35: {  	s10 =	sld [smem:$0x3FB1];
	_ =	sdelay $0x3  }
0x36: {  	p1 =	seq.s32 s10, $0x1;
	s10 =	sld [smem:$0x3FB2];
	_ =	sdelay $0x3  }
0x37: {  	[smem:$0x3FB2] =	sst s10  }
0x38: {  	s10 =	sld [smem:$0x3FB3]  }
0x39: {  	_ = 	snop;
	(pc) =	sbr.ind lr, $3  }
0x3a: {  	_ = 	snop  }
0x3b: {  	_ = 	snop  }
0x3c: {  	p2 =	seq.s32 s10, $0x1;
	s10 =	sld [smem:$0x3FB2]  }
0x3d: {  	_ =	shalt  }
0x3e: {  	_ =	shalt  }
0x3f: {  	_ =	shalt  }
0x40: {  	_ =	shalt  }
0x41: {  	_ =	shalt  }
0x42: {  	_ =	shalt  }
0x43: {  	_ =	shalt  }
0x44: {  	_ =	shalt  }
0x45: {  	_ =	shalt  }
0x46: {  	_ =	shalt  }
0x47: {  	_ =	shalt  }
0x48: {  	_ =	shalt  }
0x49: {  	_ =	shalt  }
0x4a: {  	_ =	shalt  }
0x4b: {  	_ =	shalt  }
0x4c: {  	_ =	shalt  }
0x4d: {  	_ =	shalt  }
0x4e: {  	_ =	shalt  }
0x4f: {  	_ =	shalt  }
0x50: {  	_ =	shalt  }
0x51: {  	_ =	shalt  }
0x52: {  	_ =	shalt  }
0x53: {  	_ =	shalt  }
0x54: {  	_ =	shalt  }
0x55: {  	_ =	shalt  }
0x56: {  	_ =	shalt  }
0x57: {  	_ =	shalt  }
0x58: {  	_ =	shalt  }
0x59: {  	_ =	shalt  }
0x5a: {  	_ =	shalt  }
0x5b: {  	_ =	shalt  }
0x5c: {  	_ =	shalt  }
0x5d: {  	_ =	shalt  }
0x5e: {  	_ =	shalt  }
0x5f: {  	_ =	shalt  }
0x60: {  	_ =	shalt  }
0x61: {  	_ =	shalt  }
0x62: {  	_ =	shalt  }
0x63: {  	_ =	shalt  }
0x64: {  	_ =	shalt  }
0x65: {  	_ =	shalt  }
0x66: {  	_ =	shalt  }
0x67: {  	_ =	shalt  }
0x68: {  	_ =	shalt  }
0x69: {  	_ =	shalt  }
0x6a: {  	_ =	shalt  }
0x6b: {  	_ =	shalt  }
0x6c: {  	_ =	shalt  }
0x6d: {  	_ =	shalt  }
0x6e: {  	_ =	shalt  }
0x6f: {  	_ =	shalt  }
0x70: {  	_ =	shalt  }
0x71: {  	_ =	shalt  }
0x72: {  	_ =	shalt  }
0x73: {  	_ =	shalt  }
0x74: {  	_ =	shalt  }
0x75: {  	_ =	shalt  }
0x76: {  	_ =	shalt  }
0x77: {  	_ =	shalt  }
0x78: {  	_ =	shalt  }
0x79: {  	_ =	shalt  }
0x7a: {  	_ =	shalt  }
0x7b: {  	_ =	shalt  }
0x7c: {  	_ =	shalt  }
0x7d: {  	_ =	shalt  }
0x7e: {  	_ =	shalt  }
0x7f: {  	_ =	shalt  }
0x80: {  	_ =	shalt  }
0x81: {  	_ =	shalt  }
0x82: {  	_ =	shalt  }
0x83: {  	_ =	shalt  }
0x84: {  	_ =	shalt  }
0x85: {  	_ =	shalt  }
0x86: {  	_ =	shalt  }
0x87: {  	_ =	shalt  }
.Lfunc_end0:
.L_simem_size_0:
called_computation.1_lowered:
.L_overlay_start_0:
0x88: {  	s2 =	sld [smem:$0x3FD9]  }
0x89: {  	s3 =	sld [smem:$0x3FFE];
	_ =	sdelay $0x1  }
0x8a: {  	s1 =	srdreg.scid  }
0x8b: {  	s0 =	sand.u32 $0x1, s1  }
0x8c: {  	s16 =	sshll.u32 s0, $0xA;
	s2 =	sadd.s32 s3, s2  }
0x8d: {  	s2 =	sadd.s32 s2, s16  }
0x8e: {  	[smem:$0x3FBE] =	sst s2  }
0x8f: {  	_ = 	snop  }
0x90: {  	(tm) =	ssettm $0x1  }
0x91: {  	s17 =	sld [smem:$0x3FFB];
	_ =	sdelay $0x3  }
0x92: {  	_ =	strace s17  }
0x93: {  	s2 =	sld [smem:$0x3FFC];
	_ =	sdelay $0x3  }
0x94: {  	_ =	strace s2  }
0x95: {  	s2 =	sld [smem:$0x3FFD];
	_ =	sdelay $0x3  }
0x96: {  	_ =	strace s2  }
0x97: {  	_ =	strace $0x8FFFFFFF  }
0x98: {  	s18 =	sld [smem:$0x3FDB];
	_ =	sdelay $0x1  }
0x99: {  	s19 =	simm.s32 $_scs_section_size  }
0x9a: {  	s4 =	simm.s32 $_size__tile_overlayer_lowered;
	s5 =	simm.s32 $_tile_overlayer_lowered  }
0x9b: {  	s22 =	simm.s32 $0x1BFF;
	s21 =	sshll.u32 s5, $0x1;
	s2 =	sadd.s32 s19, s18  }
0x9c: {  	s6 =	simm.s32 $0x0;
	s20 =	sshll.u32 s4, $0x1;
	s4 =	sadd.s32 s21, s2  }
0x9d: {  	[timem:s6], [sflag:s22] =	dma.local [hbm:s4], s20  }
0x9e: {  	_ =	swait.ge [sflag:s22], s20  }
0x9f: {  	s3 =	ssub.s32 $0x0, s20;
	[sflag:s22] =	ssyncset.done $0x0  }
0xa0: {  	[sflag:s22] =	ssyncadd.s32 s3;
	_ =	sdelay $0x1  }
0xa1: {  	s23 =	simm.s32 $0x1B8B  }
0xa2: {  	_ =	swait.ge [sflag:s23], $0x1  }
0xa3: {  	[sflag:s23] =	ssyncset.done $0x0  }
0xa4: {  	s25 =	simm.s32 $0x1B8E;
	s24 =	sld [smem:$0x3FFE];
	[sflag:s23] =	ssyncadd.s32 $0xFFFFFFFF  }
0xa5: {  	s26 =	simm.s32 $execute0_lowered;
	[smem:$0x3FD2] =	sst s25  }
0xa6: {  	s4 =	sshll.u32 s26, $0x1;
	_ =	strace $0x80000049;
	[dreg:$0x1] =	wrdreg $0xFFFFFFFF  }
0xa7: {  	s28 =	simm.s32 $_size_execute0_lowered;
	s2 =	sadd.s32 s2, s4;
	[dreg:$0x0] =	wrdreg $0x0  }
0xa8: {  	s4 =	sshll.u32 s28, $0x1;
	[dreg:$0x2] =	wrdreg s2  }
0xa9: {  	[dreg:$0x3] =	wrdreg s4  }
0xaa: {  	[dreg:$0x4] =	wrdreg $0xC0  }
0xab: {  	_ =	task [dreg:s6], $0x5FFFF  }
0xac: {  	[dreg:$0x1] =	wrdreg $0xFFFFFFFF  }
0xad: {  	[dreg:$0x0] =	wrdreg $0x60  }
0xae: {  	[dreg:$0x2] =	wrdreg s24  }
0xaf: {  	[dreg:$0x3] =	wrdreg $0xA8700  }
0xb0: {  	[dreg:$0x4] =	wrdreg $0x9  }
0xb1: {  	_ =	task.clear_ibuf [dreg:s6], $0x5FFFF;
	_ =	strace $0x90000049  }
0xb2: {  	s29 =	simm.s32 $0x9;
	_ =	strace $0x8000004B  }
0xb3: {  	_ =	swait.ge [sflag:s29], $0x1  }
0xb4: {  	[sflag:s29] =	ssyncadd.s32 $0xFFFFFFFF  }
0xb5: {  	_ =	strace $0x9000004B  }
0xb6: {  	_ =	sfence  }
0xb7: {  	s30 =	sld [smem:$0x0];
	_ =	sdelay $0x2  }
0xb8: {  	s31 =	sshll.u32 s1, $0xD;
	s1 =	sshrl.u32 s1, $0x2  }
0xb9: {  	s3 =	sand.u32 $0x4000, s31;
	s1 =	sadd.s32 s1, s30  }
0xba: {  	s0 =	sor.u32 s3, s0;
	s1 =	sshll.u32 s1, $0x11  }
0xbb: {  	s0 =	sor.u32 s1, s0  }
0xbc: {  	s0 =	sadd.s32 $0x8F2B, s0  }
0xbd: {  	[sflag:s0] =	ssyncadd.remote.s32 $0x1  }
0xbe: {  	_ =	sfence.sel $0xFFFF  }
0xbf: {  	[dreg:$0x0] =	wrdreg $0xFFFFFFFF;
	(pc) =	sbr.abs _section_cstart, $3  }
0xc0: {  	[dreg:$0x1] =	wrdreg $0xFFFFFFFF  }
0xc1: {  	_ =	task.clear_ibuf [dreg:s6], $0x2FFFF;
	_ =	strace $0x9FFFFFFF  }
0xc2: {  	(tm) =	ssettm $0x7FFFFFFF  }
0xc3: {  	_ =	shalt  }
tec
execute0_lowered:
.L_overlay_start_1:
0x0: {  	(tag) =	ssettag $0x1  }
0x1: {  	s6 =	rddreg [dreg:$0x0]  }
0x2: {  	s2 =	rddreg [dreg:$0x1];
	s3 =	srdreg.scid  }
0x3: {  	s1 =	stileid.u32;
	s14 =	simm.s32 $0x2710;
	s15 =	simm.s32 $0x28F0  }
0x4: {  	s16 =	simm.s32 $0x2760;
	s17 =	simm.s32 $0x5370;
	s18 =	simm.s32 $0x1  }
0x5: {  	s19 =	simm.s32 $0x2800;
	s20 =	simm.s32 $0x27B0;
	s21 =	simm.s32 $0x7DF0  }
0x6: {  	s22 =	simm.s32 $0x2850;
	s23 =	simm.s32 $0x2;
	s24 =	simm.s32 $0x28A0  }
0x7: {  	s28 =	simm.s32 $0x11;
	s29 =	simm.s32 $0x0;
	s7 =	sand.u32 $0x1, s3  }
0x8: {  	s4 =	sshll.u32 s1, $0x1;
	s5 =	smul.u32 $0x278, s1;
	s3 =	simm.s32 $0x0  }
0x9: {  	s11 =	smul.u32 $0x53F00, s1;
	s31 =	sshll.u32 s1, $0x6;
	s4 =	sor.u32 s7, s4  }
0xa: {  	s8 =	smul.u32 $0x2780, s7;
	[smem:$0x7FF] =	sst s3;
	s7 =	ssub.s32 $0x2, s7  }
0xb: {  	s9 =	smul.u32 $0x4E2, s4;
	_ =	strace $0x8000004A;
	s4 =	sadd.s32 $0x6F800, s6  }
0xc: {  	s25 =	sshrl.u32 s7, $0x1;
	s26 =	sshrl.u32 s11, $0x2;
	s8 =	sadd.s32 s5, s8  }
0xd: {  	s5 =	sadd.s32 $0x3000, s6;
	s30 =	ssub.s32 s7, s25;
	s13 =	sadd.s32 s26, s2  }
0xe: {  	s26 =	simm.s32 $0x10;
	s9 =	sadd.s32 s9, s6;
	s10 =	sshll.u32 s8, $0x4  }
0xf: {  	s12 =	sadd.s32 s8, s6;
	s25 =	sadd.s32 $0x80, s13;
	s11 =	sshrl.u32 s13, $0x3  }
0x10: {  	s13 =	simm.s32 $0x50;
	s10 =	sadd.s32 s10, s6;
	s6 =	sor.u32 $0x1C03, s31  }
0x11: {  	s7 =	sadd.s32 $0x16A00, s9;
	s9 =	sadd.s32 $0x5A00, s12;
	s12 =	simm.s32 $0x3  }
0x12: {  	s25 =	sshrl.u32 s25, $0x3;
	s8 =	sadd.s32 $0x99800, s10;
	s10 =	smax.u32 s30, $0x1  }
.LBB2_1:
0x13: {  	[spmem:s11], [sflag:s6] =	dma.local [hbm:s5], $0x29F8  }
0x14: {  	_ =	swait.ge [sflag:s12], $0x29F8  }
0x15: {  	[sflag:s12] =	ssyncset.done $0x0  }
0x16: {  	[sflag:s12] =	ssyncadd.s32 $0xFFFFD608  }
0x17: {  	[tilespmem:s3], [sflag:$0x3] =	stream.linear.gather [hbm4b:s7+s3], $0x2710, $0x38;
	[tilespmem:$0x1F830] =	vst v63  }
0x18: {  	_ =	swait.ge [sflag:s12], $0x2710  }
0x19: {  	[sflag:s12] =	ssyncset.done $0x0  }
0x1a: {  	[sflag:s12] =	ssyncadd.s32 $0xFFFFD8F0  }
0x1b: {  	[bflag:$0x0] =	sbarrier.arrive $0xFFFF  }
0x1c: {  	v0 =	vld [tilespmem:$0x0];
	_ =	sdelay $0x1  }
0x1d: {  	v1 =	vld [tilespmem:$0x10];
	_ =	sdelay $0x1  }
0x1e: {  	v2 =	vld [tilespmem:$0x20]  }
0x1f: {  	v3 =	vand.u32 $0x3FFF, v0  }
0x20: {  	v0 =	vshrl.u32 v0, $0xE;
	[tilespmem:$0x2710] =	vst v3;
	v3 =	vld [tilespmem:$0x30]  }
0x21: {  	[tilespmem:$0x2800] =	vst v0;
	v0 =	vand.u32 $0x3FFF, v1  }
0x22: {  	[tilespmem:$0x2720] =	vst v0;
	v0 =	vshrl.u32 v1, $0xE;
	v1 =	vld [tilespmem:$0x40]  }
0x23: {  	[tilespmem:$0x2810] =	vst v0;
	v0 =	vand.u32 $0x3FFF, v2  }
0x24: {  	[tilespmem:$0x2730] =	vst v0;
	v0 =	vshrl.u32 v2, $0xE  }
0x25: {  	[tilespmem:$0x2820] =	vst v0;
	v0 =	vand.u32 $0x3FFF, v3  }
0x26: {  	[tilespmem:$0x2740] =	vst v0;
	v0 =	vshrl.u32 v3, $0xE  }
0x27: {  	[tilespmem:$0x2830] =	vst v0;
	v0 =	vand.u32 $0x3FFF, v1  }
0x28: {  	[tilespmem:$0x2750] =	vst v0;
	v0 =	vshrl.u32 v1, $0xE  }
0x29: {  	[tilespmem:$0x2840] =	vst v0  }
0x2a: {  	[tilespmem:s15], [sflag:$0x1] =	stream.indirect.gather [hbm4b:s4+s13], $0x88, s14, s13, $0xb8;
	[tilespmem:$0x1F830] =	vst v63  }
0x2b: {  	v0 =	vld [tilespmem:$0x50];
	_ =	sdelay $0x1  }
0x2c: {  	v1 =	vld [tilespmem:$0x60];
	_ =	sdelay $0x1  }
0x2d: {  	v2 =	vld [tilespmem:$0x70]  }
0x2e: {  	v3 =	vand.u32 $0x3FFF, v0  }
0x2f: {  	v0 =	vshrl.u32 v0, $0xE;
	[tilespmem:$0x2760] =	vst v3;
	v3 =	vld [tilespmem:$0x80]  }
0x30: {  	[tilespmem:$0x2850] =	vst v0;
	v0 =	vand.u32 $0x3FFF, v1  }
0x31: {  	[tilespmem:$0x2770] =	vst v0;
	v0 =	vshrl.u32 v1, $0xE;
	v1 =	vld [tilespmem:$0x90]  }
0x32: {  	[tilespmem:$0x2860] =	vst v0;
	v0 =	vand.u32 $0x3FFF, v2  }
0x33: {  	[tilespmem:$0x2780] =	vst v0;
	v0 =	vshrl.u32 v2, $0xE  }
0x34: {  	[tilespmem:$0x2870] =	vst v0;
	v0 =	vand.u32 $0x3FFF, v3  }
0x35: {  	[tilespmem:$0x2790] =	vst v0;
	v0 =	vshrl.u32 v3, $0xE  }
0x36: {  	[tilespmem:$0x2880] =	vst v0;
	v0 =	vand.u32 $0x3FFF, v1  }
0x37: {  	[tilespmem:$0x27A0] =	vst v0;
	v0 =	vshrl.u32 v1, $0xE  }
0x38: {  	[tilespmem:$0x2890] =	vst v0  }
0x39: {  	[tilespmem:s17], [sflag:$0x1] =	stream.indirect.gather [hbm4b:s4+s13], $0x88, s16, s13, $0xb8;
	[tilespmem:$0x1F830] =	vst v63  }
0x3a: {  	_ =	swait.ge [sflag:s18], $0x2A80  }
0x3b: {  	[sflag:s18] =	ssyncset.done $0x0  }
0x3c: {  	[sflag:s18] =	ssyncadd.s32 $0xFFFFD580  }
0x3d: {  	[spmem:s2] =	stream.indirect.scatter.add.f32 [tilespmem:s15], [sflag:$0x2], $0x88, s19, s13, $0xb8;
	[tilespmem:$0x1F830] =	vst v63  }
0x3e: {  	v0 =	vld [tilespmem:$0xA0];
	_ =	sdelay $0x1  }
0x3f: {  	v1 =	vld [tilespmem:$0xB0];
	_ =	sdelay $0x1  }
0x40: {  	v2 =	vld [tilespmem:$0xC0]  }
0x41: {  	v3 =	vand.u32 $0x3FFF, v0  }
0x42: {  	v0 =	vshrl.u32 v0, $0xE;
	[tilespmem:$0x27B0] =	vst v3;
	v3 =	vld [tilespmem:$0xD0]  }
0x43: {  	[tilespmem:$0x28A0] =	vst v0;
	v0 =	vand.u32 $0x3FFF, v1  }
0x44: {  	[tilespmem:$0x27C0] =	vst v0;
	v0 =	vshrl.u32 v1, $0xE;
	v1 =	vld [tilespmem:$0xE0]  }
0x45: {  	[tilespmem:$0x28B0] =	vst v0;
	v0 =	vand.u32 $0x3FFF, v2  }
0x46: {  	[tilespmem:$0x27D0] =	vst v0;
	v0 =	vshrl.u32 v2, $0xE  }
0x47: {  	[tilespmem:$0x28C0] =	vst v0;
	v0 =	vand.u32 $0x3FFF, v3  }
0x48: {  	[tilespmem:$0x27E0] =	vst v0;
	v0 =	vshrl.u32 v3, $0xE  }
0x49: {  	[tilespmem:$0x28D0] =	vst v0;
	v0 =	vand.u32 $0x3FFF, v1  }
0x4a: {  	[tilespmem:$0x27F0] =	vst v0;
	v0 =	vshrl.u32 v1, $0xE  }
0x4b: {  	[tilespmem:$0x28E0] =	vst v0  }
0x4c: {  	[tilespmem:s21], [sflag:$0x1] =	stream.indirect.gather [hbm4b:s4+s13], $0x88, s20, s13, $0xb8;
	[tilespmem:$0x1F830] =	vst v63  }
0x4d: {  	_ =	swait.ge [sflag:s18], $0x2A80  }
0x4e: {  	[sflag:s18] =	ssyncset.done $0x0  }
0x4f: {  	[sflag:s18] =	ssyncadd.s32 $0xFFFFD580  }
0x50: {  	[spmem:s2] =	stream.indirect.scatter.add.f32 [tilespmem:s17], [sflag:$0x2], $0x88, s22, s13, $0xb8;
	[tilespmem:$0x1F830] =	vst v63  }
0x51: {  	_ =	swait.ge [sflag:s23], $0x2A80  }
0x52: {  	[sflag:s23] =	ssyncset.done $0x0  }
0x53: {  	s30 =	simm.s32 $0x1D0;
	[sflag:s23] =	ssyncadd.s32 $0xFFFFD580  }
0x54: {  	v0 =	vld [tilespmem:s30+$0xFFFFFF20];
	_ =	sdelay $0x4  }
0x55: {  	v1 =	vand.u32 $0x3FFF, v0  }
0x56: {  	v0 =	vshrl.u32 v0, $0xE;
	[tilespmem:$0x2710] =	vst v1  }
0x57: {  	[tilespmem:$0x2800] =	vst v0  }
0x58: {  	v0 =	vld [tilespmem:s30+$0xFFFFFF30];
	_ =	sdelay $0x4  }
0x59: {  	v1 =	vand.u32 $0x3FFF, v0  }
0x5a: {  	v0 =	vshrl.u32 v0, $0xE;
	[tilespmem:$0x2720] =	vst v1  }
0x5b: {  	[tilespmem:$0x2810] =	vst v0  }
0x5c: {  	v0 =	vld [tilespmem:s30+$0xFFFFFF40];
	_ =	sdelay $0x4  }
0x5d: {  	v1 =	vand.u32 $0x3FFF, v0  }
0x5e: {  	v0 =	vshrl.u32 v0, $0xE;
	[tilespmem:$0x2730] =	vst v1  }
0x5f: {  	[tilespmem:$0x2820] =	vst v0  }
0x60: {  	v0 =	vld [tilespmem:s30+$0xFFFFFF50];
	_ =	sdelay $0x4  }
0x61: {  	v1 =	vand.u32 $0x3FFF, v0  }
0x62: {  	v0 =	vshrl.u32 v0, $0xE;
	[tilespmem:$0x2740] =	vst v1  }
0x63: {  	[tilespmem:$0x2830] =	vst v0  }
0x64: {  	v0 =	vld [tilespmem:s30+$0xFFFFFF60];
	_ =	sdelay $0x4  }
0x65: {  	v1 =	vand.u32 $0x3FFF, v0  }
0x66: {  	v0 =	vshrl.u32 v0, $0xE;
	[tilespmem:$0x2750] =	vst v1  }
0x67: {  	[tilespmem:$0x2840] =	vst v0  }
0x68: {  	[tilespmem:s15], [sflag:$0x1] =	stream.indirect.gather [hbm4b:s4+s13], $0x88, s14, s13, $0xb8;
	[tilespmem:$0x1F830] =	vst v63  }
0x69: {  	_ =	swait.ge [sflag:s18], $0x2A80  }
0x6a: {  	[sflag:s18] =	ssyncset.done $0x0  }
0x6b: {  	[sflag:s18] =	ssyncadd.s32 $0xFFFFD580  }
0x6c: {  	[spmem:s2] =	stream.indirect.scatter.add.f32 [tilespmem:s21], [sflag:$0x2], $0x88, s24, s13, $0xb8;
	[tilespmem:$0x1F830] =	vst v63  }
0x6d: {  	_ =	swait.ge [sflag:s23], $0x2A80  }
0x6e: {  	[sflag:s23] =	ssyncset.done $0x0  }
0x6f: {  	[sflag:s23] =	ssyncadd.s32 $0xFFFFD580  }
0x70: {  	v0 =	vld [tilespmem:s30+$0xFFFFFF70];
	_ =	sdelay $0x4  }
0x71: {  	v1 =	vand.u32 $0x3FFF, v0  }
0x72: {  	v0 =	vshrl.u32 v0, $0xE;
	[tilespmem:$0x2760] =	vst v1  }
0x73: {  	[tilespmem:$0x2850] =	vst v0  }
0x74: {  	v0 =	vld [tilespmem:s30+$0xFFFFFF80];
	_ =	sdelay $0x4  }
0x75: {  	v1 =	vand.u32 $0x3FFF, v0  }
0x76: {  	v0 =	vshrl.u32 v0, $0xE;
	[tilespmem:$0x2770] =	vst v1  }
0x77: {  	[tilespmem:$0x2860] =	vst v0  }
0x78: {  	v0 =	vld [tilespmem:s30+$0xFFFFFF90];
	_ =	sdelay $0x4  }
0x79: {  	v1 =	vand.u32 $0x3FFF, v0  }
0x7a: {  	v0 =	vshrl.u32 v0, $0xE;
	[tilespmem:$0x2780] =	vst v1  }
0x7b: {  	[tilespmem:$0x2870] =	vst v0  }
0x7c: {  	v0 =	vld [tilespmem:s30+$0xFFFFFFA0];
	_ =	sdelay $0x4  }
0x7d: {  	v1 =	vand.u32 $0x3FFF, v0  }
0x7e: {  	v0 =	vshrl.u32 v0, $0xE;
	[tilespmem:$0x2790] =	vst v1  }
0x7f: {  	[tilespmem:$0x2880] =	vst v0  }
0x80: {  	v0 =	vld [tilespmem:s30+$0xFFFFFFB0];
	_ =	sdelay $0x4  }
0x81: {  	v1 =	vand.u32 $0x3FFF, v0  }
0x82: {  	v0 =	vshrl.u32 v0, $0xE;
	[tilespmem:$0x27A0] =	vst v1  }
0x83: {  	[tilespmem:$0x2890] =	vst v0  }
0x84: {  	[tilespmem:s17], [sflag:$0x1] =	stream.indirect.gather [hbm4b:s4+s13], $0x88, s16, s13, $0xb8;
	[tilespmem:$0x1F830] =	vst v63  }
0x85: {  	_ =	swait.ge [sflag:s18], $0x2A80  }
0x86: {  	[sflag:s18] =	ssyncset.done $0x0  }
0x87: {  	[sflag:s18] =	ssyncadd.s32 $0xFFFFD580  }
0x88: {  	[spmem:s2] =	stream.indirect.scatter.add.f32 [tilespmem:s15], [sflag:$0x2], $0x88, s19, s13, $0xb8;
	[tilespmem:$0x1F830] =	vst v63  }
0x89: {  	_ =	swait.ge [sflag:s23], $0x2A80  }
0x8a: {  	[sflag:s23] =	ssyncset.done $0x0  }
0x8b: {  	[sflag:s23] =	ssyncadd.s32 $0xFFFFD580  }
0x8c: {  	v0 =	vld [tilespmem:s30+$0xFFFFFFC0];
	_ =	sdelay $0x4  }
0x8d: {  	v1 =	vand.u32 $0x3FFF, v0  }
0x8e: {  	v0 =	vshrl.u32 v0, $0xE;
	[tilespmem:$0x27B0] =	vst v1  }
0x8f: {  	[tilespmem:$0x28A0] =	vst v0  }
0x90: {  	v0 =	vld [tilespmem:s30+$0xFFFFFFD0];
	_ =	sdelay $0x4  }
0x91: {  	v1 =	vand.u32 $0x3FFF, v0  }
0x92: {  	v0 =	vshrl.u32 v0, $0xE;
	[tilespmem:$0x27C0] =	vst v1  }
0x93: {  	[tilespmem:$0x28B0] =	vst v0  }
0x94: {  	v0 =	vld [tilespmem:s30+$0xFFFFFFE0];
	_ =	sdelay $0x4  }
0x95: {  	v1 =	vand.u32 $0x3FFF, v0  }
0x96: {  	v0 =	vshrl.u32 v0, $0xE;
	[tilespmem:$0x27D0] =	vst v1  }
0x97: {  	[tilespmem:$0x28C0] =	vst v0  }
0x98: {  	s31 =	simm.s32 $0xB00;
	v0 =	vld [tilespmem:s30+$0xFFFFFFF0]  }
.LBB2_2:
0x99: {  	_ =	sdelay $0x3  }
0x9a: {  	p0 =	sne.s32 s31, $0x9980;
	s0 =	smov.u32 s31;
	s31 =	sadd.s32 $0x3C0, s31;
	v1 =	vand.u32 $0x3FFF, v0;
	v0 =	vshrl.u32 v0, $0xE  }
0x9b: {  	[tilespmem:$0x27E0] =	vst v1  }
0x9c: {  	[tilespmem:$0x28D0] =	vst v0  }
0x9d: {  	v0 =	vld [tilespmem:s30+$0x0];
	_ =	sdelay $0x4  }
0x9e: {  	v1 =	vand.u32 $0x3FFF, v0;
	v0 =	vshrl.u32 v0, $0xE  }
0x9f: {  	[tilespmem:$0x27F0] =	vst v1  }
0xa0: {  	[tilespmem:$0x28E0] =	vst v0  }
0xa1: {  	[tilespmem:s21], [sflag:$0x1] =	stream.indirect.gather [hbm4b:s4+s13], $0x88, s20, s13, $0xb8;
	[tilespmem:$0x1F830] =	vst v63  }
0xa2: {  	_ =	swait.ge [sflag:s18], $0x2A80  }
0xa3: {  	[sflag:s18] =	ssyncset.done $0x0  }
0xa4: {  	[sflag:s18] =	ssyncadd.s32 $0xFFFFD580  }
0xa5: {  	[spmem:s2] =	stream.indirect.scatter.add.f32 [tilespmem:s17], [sflag:$0x2], $0x88, s22, s13, $0xb8;
	[tilespmem:$0x1F830] =	vst v63  }
0xa6: {  	_ =	swait.ge [sflag:s23], $0x2A80  }
0xa7: {  	[sflag:s23] =	ssyncset.done $0x0  }
0xa8: {  	s30 =	sshra.s32 s0, $0x2;
	[sflag:s23] =	ssyncadd.s32 $0xFFFFD580  }
0xa9: {  	v0 =	vld [tilespmem:s30+$0xFFFFFF20];
	_ =	sdelay $0x4  }
0xaa: {  	v1 =	vand.u32 $0x3FFF, v0;
	v0 =	vshrl.u32 v0, $0xE  }
0xab: {  	[tilespmem:$0x2710] =	vst v1  }
0xac: {  	[tilespmem:$0x2800] =	vst v0  }
0xad: {  	v0 =	vld [tilespmem:s30+$0xFFFFFF30];
	_ =	sdelay $0x4  }
0xae: {  	v1 =	vand.u32 $0x3FFF, v0;
	v0 =	vshrl.u32 v0, $0xE  }
0xaf: {  	[tilespmem:$0x2720] =	vst v1  }
0xb0: {  	[tilespmem:$0x2810] =	vst v0  }
0xb1: {  	v0 =	vld [tilespmem:s30+$0xFFFFFF40];
	_ =	sdelay $0x4  }
0xb2: {  	v1 =	vand.u32 $0x3FFF, v0;
	v0 =	vshrl.u32 v0, $0xE  }
0xb3: {  	[tilespmem:$0x2730] =	vst v1  }
0xb4: {  	[tilespmem:$0x2820] =	vst v0  }
0xb5: {  	v0 =	vld [tilespmem:s30+$0xFFFFFF50];
	_ =	sdelay $0x4  }
0xb6: {  	v1 =	vand.u32 $0x3FFF, v0;
	v0 =	vshrl.u32 v0, $0xE  }
0xb7: {  	[tilespmem:$0x2740] =	vst v1  }
0xb8: {  	[tilespmem:$0x2830] =	vst v0  }
0xb9: {  	v0 =	vld [tilespmem:s30+$0xFFFFFF60];
	_ =	sdelay $0x4  }
0xba: {  	v1 =	vand.u32 $0x3FFF, v0;
	v0 =	vshrl.u32 v0, $0xE  }
0xbb: {  	[tilespmem:$0x2750] =	vst v1  }
0xbc: {  	[tilespmem:$0x2840] =	vst v0  }
0xbd: {  	[tilespmem:s15], [sflag:$0x1] =	stream.indirect.gather [hbm4b:s4+s13], $0x88, s14, s13, $0xb8;
	[tilespmem:$0x1F830] =	vst v63  }
0xbe: {  	_ =	swait.ge [sflag:s18], $0x2A80  }
0xbf: {  	[sflag:s18] =	ssyncset.done $0x0  }
0xc0: {  	[sflag:s18] =	ssyncadd.s32 $0xFFFFD580  }
0xc1: {  	[spmem:s2] =	stream.indirect.scatter.add.f32 [tilespmem:s21], [sflag:$0x2], $0x88, s24, s13, $0xb8;
	[tilespmem:$0x1F830] =	vst v63  }
0xc2: {  	_ =	swait.ge [sflag:s23], $0x2A80  }
0xc3: {  	[sflag:s23] =	ssyncset.done $0x0  }
0xc4: {  	[sflag:s23] =	ssyncadd.s32 $0xFFFFD580  }
0xc5: {  	v0 =	vld [tilespmem:s30+$0xFFFFFF70];
	_ =	sdelay $0x4  }
0xc6: {  	v1 =	vand.u32 $0x3FFF, v0;
	v0 =	vshrl.u32 v0, $0xE  }
0xc7: {  	[tilespmem:$0x2760] =	vst v1  }
0xc8: {  	[tilespmem:$0x2850] =	vst v0  }
0xc9: {  	v0 =	vld [tilespmem:s30+$0xFFFFFF80];
	_ =	sdelay $0x4  }
0xca: {  	v1 =	vand.u32 $0x3FFF, v0;
	v0 =	vshrl.u32 v0, $0xE  }
0xcb: {  	[tilespmem:$0x2770] =	vst v1  }
0xcc: {  	[tilespmem:$0x2860] =	vst v0  }
0xcd: {  	v0 =	vld [tilespmem:s30+$0xFFFFFF90];
	_ =	sdelay $0x4  }
0xce: {  	v1 =	vand.u32 $0x3FFF, v0;
	v0 =	vshrl.u32 v0, $0xE  }
0xcf: {  	[tilespmem:$0x2780] =	vst v1  }
0xd0: {  	[tilespmem:$0x2870] =	vst v0  }
0xd1: {  	v0 =	vld [tilespmem:s30+$0xFFFFFFA0];
	_ =	sdelay $0x4  }
0xd2: {  	v1 =	vand.u32 $0x3FFF, v0;
	v0 =	vshrl.u32 v0, $0xE  }
0xd3: {  	[tilespmem:$0x2790] =	vst v1  }
0xd4: {  	[tilespmem:$0x2880] =	vst v0  }
0xd5: {  	v0 =	vld [tilespmem:s30+$0xFFFFFFB0];
	_ =	sdelay $0x4  }
0xd6: {  	v1 =	vand.u32 $0x3FFF, v0;
	v0 =	vshrl.u32 v0, $0xE  }
0xd7: {  	[tilespmem:$0x27A0] =	vst v1  }
0xd8: {  	[tilespmem:$0x2890] =	vst v0  }
0xd9: {  	[tilespmem:s17], [sflag:$0x1] =	stream.indirect.gather [hbm4b:s4+s13], $0x88, s16, s13, $0xb8;
	[tilespmem:$0x1F830] =	vst v63  }
0xda: {  	_ =	swait.ge [sflag:s18], $0x2A80  }
0xdb: {  	[sflag:s18] =	ssyncset.done $0x0  }
0xdc: {  	[sflag:s18] =	ssyncadd.s32 $0xFFFFD580  }
0xdd: {  	[spmem:s2] =	stream.indirect.scatter.add.f32 [tilespmem:s15], [sflag:$0x2], $0x88, s19, s13, $0xb8;
	[tilespmem:$0x1F830] =	vst v63  }
0xde: {  	_ =	swait.ge [sflag:s23], $0x2A80  }
0xdf: {  	[sflag:s23] =	ssyncset.done $0x0  }
0xe0: {  	[sflag:s23] =	ssyncadd.s32 $0xFFFFD580  }
0xe1: {  	v0 =	vld [tilespmem:s30+$0xFFFFFFC0];
	_ =	sdelay $0x4  }
0xe2: {  	v1 =	vand.u32 $0x3FFF, v0;
	v0 =	vshrl.u32 v0, $0xE  }
0xe3: {  	[tilespmem:$0x27B0] =	vst v1  }
0xe4: {  	[tilespmem:$0x28A0] =	vst v0  }
0xe5: {  	v0 =	vld [tilespmem:s30+$0xFFFFFFD0];
	_ =	sdelay $0x4  }
0xe6: {  	v1 =	vand.u32 $0x3FFF, v0;
	v0 =	vshrl.u32 v0, $0xE  }
0xe7: {  	[tilespmem:$0x27C0] =	vst v1  }
0xe8: {  	[tilespmem:$0x28B0] =	vst v0  }
0xe9: {  	v0 =	vld [tilespmem:s30+$0xFFFFFFE0];
	_ =	sdelay $0x3  }
.Ltmp0:
0xea: {  	(pc) =	sbr.rel @p0 .LBB2_2-.Ltmp0, $4  }
0xeb: {  	v1 =	vand.u32 $0x3FFF, v0;
	v0 =	vshrl.u32 v0, $0xE  }
0xec: {  	[tilespmem:$0x27D0] =	vst v1  }
0xed: {  	[tilespmem:$0x28C0] =	vst v0  }
0xee: {  	v0 =	vld [tilespmem:s30+$0xFFFFFFF0]  }
0xef: {  	_ =	sdelay $0x3  }
0xf0: {  	v1 =	vand.u32 $0x3FFF, v0  }
0xf1: {  	v36 =	vshrl.u32 v0, $0xE;
	[tilespmem:$0x27E0] =	vst v1  }
0xf2: {  	[tilespmem:$0x28D0] =	vst v36  }
0xf3: {  	v0 =	vld [tilespmem:s30+$0x0];
	_ =	sdelay $0x4  }
0xf4: {  	v37 =	vand.u32 $0x3FFF, v0  }
0xf5: {  	v0 =	vshrl.u32 v0, $0xE;
	[tilespmem:$0x27F0] =	vst v37  }
0xf6: {  	[tilespmem:$0x28E0] =	vst v0  }
0xf7: {  	[tilespmem:s21], [sflag:$0x1] =	stream.indirect.gather [hbm4b:s4+s13], $0x88, s20, s13, $0xb8;
	[tilespmem:$0x1F830] =	vst v63  }
0xf8: {  	_ =	swait.ge [sflag:s18], $0x2A80  }
0xf9: {  	[sflag:s18] =	ssyncset.done $0x0  }
0xfa: {  	[sflag:s18] =	ssyncadd.s32 $0xFFFFD580  }
0xfb: {  	[spmem:s2] =	stream.indirect.scatter.add.f32 [tilespmem:s17], [sflag:$0x2], $0x88, s22, s13, $0xb8;
	[tilespmem:$0x1F830] =	vst v63  }
0xfc: {  	_ =	swait.ge [sflag:s23], $0x2A80  }
0xfd: {  	[sflag:s23] =	ssyncset.done $0x0  }
0xfe: {  	[sflag:s23] =	ssyncadd.s32 $0xFFFFD580  }
0xff: {  	v38 =	vld [tilespmem:$0x2670];
	_ =	sdelay $0x1  }
0x100: {  	v39 =	vld [tilespmem:$0x2680];
	_ =	sdelay $0x1  }
0x101: {  	v2 =	vld [tilespmem:$0x2690]  }
0x102: {  	v3 =	vand.u32 $0x3FFF, v38  }
0x103: {  	v40 =	vld [tilespmem:$0x26A0];
	v0 =	vshrl.u32 v38, $0xE;
	[tilespmem:$0x2710] =	vst v3  }
0x104: {  	v41 =	vand.u32 $0x3FFF, v39;
	[tilespmem:$0x2800] =	vst v0  }
0x105: {  	v43 =	vld [tilespmem:$0x26B0];
	v42 =	vshrl.u32 v39, $0xE;
	[tilespmem:$0x2720] =	vst v41  }
0x106: {  	v44 =	vand.u32 $0x3FFF, v2;
	[tilespmem:$0x2810] =	vst v42  }
0x107: {  	v45 =	vshrl.u32 v2, $0xE;
	[tilespmem:$0x2730] =	vst v44  }
0x108: {  	v46 =	vand.u32 $0x3FFF, v40;
	[tilespmem:$0x2820] =	vst v45  }
0x109: {  	v47 =	vshrl.u32 v40, $0xE;
	[tilespmem:$0x2740] =	vst v46  }
0x10a: {  	v48 =	vand.u32 $0x3FFF, v43;
	[tilespmem:$0x2830] =	vst v47  }
0x10b: {  	v49 =	vshrl.u32 v43, $0xE;
	[tilespmem:$0x2750] =	vst v48  }
0x10c: {  	[tilespmem:$0x2840] =	vst v49  }
0x10d: {  	[tilespmem:s15], [sflag:$0x1] =	stream.indirect.gather [hbm4b:s4+s13], $0x88, s14, s13, $0xb8;
	[tilespmem:$0x1F830] =	vst v63  }
0x10e: {  	_ =	swait.ge [sflag:s18], $0x2A80  }
0x10f: {  	[sflag:s18] =	ssyncset.done $0x0  }
0x110: {  	[sflag:s18] =	ssyncadd.s32 $0xFFFFD580  }
0x111: {  	[spmem:s2] =	stream.indirect.scatter.add.f32 [tilespmem:s21], [sflag:$0x2], $0x88, s24, s13, $0xb8;
	[tilespmem:$0x1F830] =	vst v63  }
0x112: {  	_ =	swait.ge [sflag:s23], $0x2A80  }
0x113: {  	[sflag:s23] =	ssyncset.done $0x0  }
0x114: {  	[sflag:s23] =	ssyncadd.s32 $0xFFFFD580  }
0x115: {  	v50 =	vld [tilespmem:$0x26C0];
	_ =	sdelay $0x1  }
0x116: {  	v51 =	vld [tilespmem:$0x26D0];
	_ =	sdelay $0x1  }
0x117: {  	v52 =	vld [tilespmem:$0x26E0]  }
0x118: {  	v53 =	vand.u32 $0x3FFF, v50  }
0x119: {  	v54 =	vld [tilespmem:$0x26F0];
	v0 =	vshrl.u32 v50, $0xE;
	[tilespmem:$0x2760] =	vst v53  }
0x11a: {  	v55 =	vand.u32 $0x3FFF, v51;
	[tilespmem:$0x2850] =	vst v0  }
0x11b: {  	v57 =	vld [tilespmem:$0x2700];
	v56 =	vshrl.u32 v51, $0xE;
	[tilespmem:$0x2770] =	vst v55  }
0x11c: {  	v58 =	vand.u32 $0x3FFF, v52;
	[tilespmem:$0x2860] =	vst v56  }
0x11d: {  	v59 =	vshrl.u32 v52, $0xE;
	[tilespmem:$0x2780] =	vst v58  }
0x11e: {  	v60 =	vand.u32 $0x3FFF, v54;
	[tilespmem:$0x2870] =	vst v59  }
0x11f: {  	v61 =	vshrl.u32 v54, $0xE;
	[tilespmem:$0x2790] =	vst v60  }
0x120: {  	v62 =	vand.u32 $0x3FFF, v57;
	[tilespmem:$0x2880] =	vst v61  }
0x121: {  	v63 =	vshrl.u32 v57, $0xE;
	[tilespmem:$0x27A0] =	vst v62  }
0x122: {  	[tilespmem:$0x2890] =	vst v63  }
0x123: {  	[tilespmem:s17], [sflag:$0x1] =	stream.indirect.gather [hbm4b:s4+s13], $0x88, s16, s13, $0xb8;
	[tilespmem:$0x1F830] =	vst v63  }
0x124: {  	_ =	swait.ge [sflag:s18], $0x2A80  }
0x125: {  	[sflag:s18] =	ssyncset.done $0x0  }
0x126: {  	[sflag:s18] =	ssyncadd.s32 $0xFFFFD580  }
0x127: {  	[spmem:s2] =	stream.indirect.scatter.add.f32 [tilespmem:s15], [sflag:$0x2], $0x88, s19, s13, $0xb8;
	[tilespmem:$0x1F830] =	vst v63  }
0x128: {  	_ =	swait.ge [sflag:s18], $0x2A80  }
0x129: {  	[sflag:s18] =	ssyncset.done $0x0  }
0x12a: {  	[sflag:s18] =	ssyncadd.s32 $0xFFFFD580  }
0x12b: {  	[spmem:s2] =	stream.indirect.scatter.add.f32 [tilespmem:s17], [sflag:$0x2], $0x88, s22, s13, $0xb8;
	[tilespmem:$0x1F830] =	vst v63  }
0x12c: {  	_ =	swait.ge [sflag:s23], $0x2A80  }
0x12d: {  	[sflag:s23] =	ssyncset.done $0x0  }
0x12e: {  	[sflag:s23] =	ssyncadd.s32 $0xFFFFD580  }
0x12f: {  	_ =	swait.ge [sflag:s23], $0x2A80  }
0x130: {  	[sflag:s23] =	ssyncset.done $0x0  }
0x131: {  	[sflag:s23] =	ssyncadd.s32 $0xFFFFD580  }
0x132: {  	_ =	swait.ge [sflag:s23], $0x2A80  }
0x133: {  	[sflag:s23] =	ssyncset.done $0x0  }
0x134: {  	[sflag:s23] =	ssyncadd.s32 $0xFFFFD580  }
0x135: {  	[bflag:$0x0] =	sbarrier.arrive $0xFFFF  }
0x136: {  	[hbm:s8@s26], [sflag:s6] =	dma.strided [spmem:s11@s28], $0x2780, s18, $0x10   }
0x137: {  	s29 =	sadd.s32 $0x1, s29;
	_ =	swait.ge [sflag:s12], $0x2780  }
0x138: {  	p0 =	sne.s32 s29, s10;
	[sflag:s12] =	ssyncset.done $0x0  }
.Ltmp1:
0x139: {  	[sflag:s12] =	ssyncadd.s32 $0xFFFFD880;
	(pc) =	sbr.rel @p0 .LBB2_1-.Ltmp1, $4  }
0x13a: {  	[hbm:s9@s18], [sflag:s6] =	dma.strided [spmem:s25@s28], $0x278, s18, $0x1   }
0x13b: {  	_ =	swait.ge [sflag:s12], $0x278  }
0x13c: {  	[sflag:s12] =	ssyncset.done $0x0  }
0x13d: {  	[sflag:s12] =	ssyncadd.s32 $0xFFFFFD88  }
0x13e: {  	_ =	sfence.sel $0x180000  }
0x13f: {  	[bflag:$0x0] =	sbarrier.arrive $0xFFFF  }
0x140: {  	_ =	strace $0x9000004A  }
0x141: {  	[bflag:$0x2] =	sbarrier.arrive $0xFFFF  }
0x142: {  	p0 =	sne.s32 s1, $0x0;
	s0 =	rddreg [dreg:$0x2]  }
0x143: {  	s0 =	sadd.s32 @!p0 $0x100000, s0  }
0x144: {  	[sflag:s0] =	ssyncadd.tile.s32 @!p0 $0x1;
	_ =	shalt  }
.Lfunc_end2:
_tile_overlayer_lowered:
.L_overlay_start_2:
0x145: {  	(tag) =	ssettag $0x2  }
0x146: {  	s0 =	rddreg [dreg:$0x0];
	s2 =	stileid.u32  }
0x147: {  	s1 =	rddreg [dreg:$0x1];
	p0 =	sne.s32 s2, $0x0  }
0x148: {  	s3 =	rddreg [dreg:$0x2];
	[bflag:$0x3] =	sbarrier.arrive $0xFFFF;
	s2 =	simm.s32 @!p0 $0x1C03  }
0x149: {  	[timem:s3], [sflag:s2] =	dma.local @!p0 [hbm:s0], s1  }
0x14a: {  	s0 =	simm.s32 @!p0 $0x3  }
0x14b: {  	_ =	swait.ge @!p0 [sflag:s0], s1  }
0x14c: {  	s1 =	ssub.s32 @!p0 $0x0, s1;
	[sflag:s0] =	ssyncset.done @!p0 $0x0  }
0x14d: {  	[sflag:s0] =	ssyncadd.s32 @!p0 s1  }
0x14e: {  	[bflag:$0x3] =	sbarrier.arrive $0xFFFF  }
0x14f: {  	_ =	shalt  }

// kernel: kernel.13.cloned.1.call-start
scs
__scs_entry_jumppad:
0x0: {  	(pc) =	sbr.rel $0x88, $3  }
0x1: {  	(tag) =	ssettag $0x0;
	lr =	simm.s32 $0x1  }
0x2: {  	[smem:$0x3F97] =	sst lr;
	_ =	strace $0xD0000000  }
0x3: {  	_ = 	snop  }
0x4: {  	_ = 	snop  }
0x5: {  	_ = 	snop  }
0x6: {  	_ = 	snop  }
0x7: {  	_ = 	snop  }
__scs_overlays_trampoline_lowered:
0x8: {  	[smem:$0x3FA6] =	sst s0  }
0x9: {  	[smem:$0x3FA7] =	sst s1  }
0xa: {  	[smem:$0x3FA8] =	sst s2  }
0xb: {  	[smem:$0x3FA9] =	sst s3  }
0xc: {  	[smem:$0x3FAA] =	sst s4  }
0xd: {  	[smem:$0x3FAB] =	sst s5  }
0xe: {  	[smem:$0x3FAC] =	sst s6  }
0xf: {  	[smem:$0x3FAD] =	sst s7  }
0x10: {  	[smem:$0x3FAE] =	sst s8  }
0x11: {  	[smem:$0x3FAF] =	sst s9;
	s0 =	simm.s32 @!p0 $0x0  }
0x12: {  	s1 =	sld [smem:$0x3F95];
	s0 =	simm.s32 @p0 $0x1  }
0x13: {  	[smem:$0x3FB0] =	sst s0;
	s0 =	simm.s32 @!p1 $0x0  }
0x14: {  	s2 =	sld [smem:$0x3F94];
	s0 =	simm.s32 @p1 $0x1  }
0x15: {  	[smem:$0x3FB1] =	sst s0;
	s0 =	simm.s32 @!p2 $0x0  }
0x16: {  	s3 =	sld [smem:$0x3FDB];
	s0 =	simm.s32 @p2 $0x1  }
0x17: {  	s4 =	simm.s32 $0x1BF5;
	[smem:$0x3FB3] =	sst s0  }
0x18: {  	s0 =	sld [smem:$0x3F96];
	_ =	swait.ge [sflag:s4], $0x0  }
0x19: {  	s7 =	sld [smem:$0x3F97]  }
0x1a: {  	s8 =	sadd.s32 $0xFFFFE003, lr  }
0x1b: {  	s9 =	sadd.s32 $0xFFFFFEF7, lr;
	s5 =	simm.s32 $0xFFFFFFFF;
	p2 =	slt.u32 s8, $0xFFFFF086  }
0x1c: {  	p1 =	slt.u32 s9, $0xF7A;
	s5 =	simm.s32 @!p2 $0x0  }
0x1d: {  	s5 =	simm.s32 @p1 $0x1;
	p0 =	seq.s32 s7, s2  }
0x1e: {  	s7 =	smul.u32 @!p0 $0xF7A, s2;
	p2 =	seq.s32 @!p0 s5, $0x0  }
0x1f: {  	s9 =	smul.u32 $0xF7A, s1;
	s8 =	simm.s32 @!p0 $0x1BF5;
	p2 =	por !p2, p0  }
0x20: {  	[sflag:s8] =	ssyncset.s32 @!p0 $0xFFFFF086;
	s6 =	sadd.s32 @!p0 s3, s7;
	s7 =	simm.s32 @!p0 $0x108  }
0x21: {  	s3 =	sadd.s32 s3, s9;
	s6 =	sadd.s32 @!p0 $0x88, s6;
	s7 =	simm.s32 @p2 $0x1082  }
0x22: {  	[simem:s7], [sflag:s8] =	dma.local @!p0 [hbm:s6], $0xF7A  }
0x23: {  	s9 =	sor.u32 $0xD0000000, s2;
	s6 =	simm.s32 $0x108;
	_ =	swait.ge @!p0 [sflag:s8], $0x0  }
0x24: {  	s3 =	sadd.s32 $0x88, s3;
	s6 =	simm.s32 @!p1 $0x1082;
	[sflag:s4] =	ssyncset.s32 $0xFFFFF086  }
0x25: {  	[simem:s6], [sflag:s4] =	dma.local [hbm:s3], $0xF7A  }
0x26: {  	[smem:$0x3F97] =	sst s1;
	(tag) =	ssettag s2;
	_ =	strace s9  }
0x27: {  	s1 =	sld [smem:$0x3FA7]  }
0x28: {  	s2 =	sld [smem:$0x3FA8]  }
0x29: {  	s4 =	sld [smem:$0x3FAA]  }
0x2a: {  	p0 =	seq.s32 s5, $0x0;
	s5 =	sld [smem:$0x3FAB]  }
0x2b: {  	s6 =	sld [smem:$0x3FAC]  }
0x2c: {  	s7 =	sld [smem:$0x3FAD]  }
0x2d: {  	s3 =	simm.s32 $0x108;
	s8 =	sld [smem:$0x3FAE]  }
0x2e: {  	s3 =	simm.s32 @!p0 $0x1082;
	s9 =	sld [smem:$0x3FAF]  }
0x2f: {  	lr =	sadd.s32 s0, s3;
	s0 =	sld [smem:$0x3FA6]  }
0x30: {  	s3 =	sld [smem:$0x3FA9]  }
0x31: {  	[smem:$0x3FB2] =	sst s10  }
0x32: {  	s10 =	sld [smem:$0x3FB0];
	_ =	sdelay $0x3  }
0x33: {  	p0 =	seq.s32 s10, $0x1;
	s10 =	sld [smem:$0x3FB2];
	_ =	sdelay $0x3  }
0x34: {  	[smem:$0x3FB2] =	sst s10  }
0x35: {  	s10 =	sld [smem:$0x3FB1];
	_ =	sdelay $0x3  }
0x36: {  	p1 =	seq.s32 s10, $0x1;
	s10 =	sld [smem:$0x3FB2];
	_ =	sdelay $0x3  }
0x37: {  	[smem:$0x3FB2] =	sst s10  }
0x38: {  	s10 =	sld [smem:$0x3FB3]  }
0x39: {  	_ = 	snop;
	(pc) =	sbr.ind lr, $3  }
0x3a: {  	_ = 	snop  }
0x3b: {  	_ = 	snop  }
0x3c: {  	p2 =	seq.s32 s10, $0x1;
	s10 =	sld [smem:$0x3FB2]  }
0x3d: {  	_ =	shalt  }
0x3e: {  	_ =	shalt  }
0x3f: {  	_ =	shalt  }
0x40: {  	_ =	shalt  }
0x41: {  	_ =	shalt  }
0x42: {  	_ =	shalt  }
0x43: {  	_ =	shalt  }
0x44: {  	_ =	shalt  }
0x45: {  	_ =	shalt  }
0x46: {  	_ =	shalt  }
0x47: {  	_ =	shalt  }
0x48: {  	_ =	shalt  }
0x49: {  	_ =	shalt  }
0x4a: {  	_ =	shalt  }
0x4b: {  	_ =	shalt  }
0x4c: {  	_ =	shalt  }
0x4d: {  	_ =	shalt  }
0x4e: {  	_ =	shalt  }
0x4f: {  	_ =	shalt  }
0x50: {  	_ =	shalt  }
0x51: {  	_ =	shalt  }
0x52: {  	_ =	shalt  }
0x53: {  	_ =	shalt  }
0x54: {  	_ =	shalt  }
0x55: {  	_ =	shalt  }
0x56: {  	_ =	shalt  }
0x57: {  	_ =	shalt  }
0x58: {  	_ =	shalt  }
0x59: {  	_ =	shalt  }
0x5a: {  	_ =	shalt  }
0x5b: {  	_ =	shalt  }
0x5c: {  	_ =	shalt  }
0x5d: {  	_ =	shalt  }
0x5e: {  	_ =	shalt  }
0x5f: {  	_ =	shalt  }
0x60: {  	_ =	shalt  }
0x61: {  	_ =	shalt  }
0x62: {  	_ =	shalt  }
0x63: {  	_ =	shalt  }
0x64: {  	_ =	shalt  }
0x65: {  	_ =	shalt  }
0x66: {  	_ =	shalt  }
0x67: {  	_ =	shalt  }
0x68: {  	_ =	shalt  }
0x69: {  	_ =	shalt  }
0x6a: {  	_ =	shalt  }
0x6b: {  	_ =	shalt  }
0x6c: {  	_ =	shalt  }
0x6d: {  	_ =	shalt  }
0x6e: {  	_ =	shalt  }
0x6f: {  	_ =	shalt  }
0x70: {  	_ =	shalt  }
0x71: {  	_ =	shalt  }
0x72: {  	_ =	shalt  }
0x73: {  	_ =	shalt  }
0x74: {  	_ =	shalt  }
0x75: {  	_ =	shalt  }
0x76: {  	_ =	shalt  }
0x77: {  	_ =	shalt  }
0x78: {  	_ =	shalt  }
0x79: {  	_ =	shalt  }
0x7a: {  	_ =	shalt  }
0x7b: {  	_ =	shalt  }
0x7c: {  	_ =	shalt  }
0x7d: {  	_ =	shalt  }
0x7e: {  	_ =	shalt  }
0x7f: {  	_ =	shalt  }
0x80: {  	_ =	shalt  }
0x81: {  	_ =	shalt  }
0x82: {  	_ =	shalt  }
0x83: {  	_ =	shalt  }
0x84: {  	_ =	shalt  }
0x85: {  	_ =	shalt  }
0x86: {  	_ =	shalt  }
0x87: {  	_ =	shalt  }
.Lfunc_end0:
.L_simem_size_0:
called_computation.2_lowered:
.L_overlay_start_0:
0x88: {  	s2 =	sld [smem:$0x3FD9]  }
0x89: {  	s3 =	sld [smem:$0x3FFE];
	_ =	sdelay $0x1  }
0x8a: {  	s1 =	srdreg.scid  }
0x8b: {  	s0 =	sand.u32 $0x1, s1  }
0x8c: {  	s16 =	sshll.u32 s0, $0xA;
	s2 =	sadd.s32 s3, s2  }
0x8d: {  	s2 =	sadd.s32 s2, s16  }
0x8e: {  	[smem:$0x3FBE] =	sst s2  }
0x8f: {  	_ = 	snop  }
0x90: {  	(tm) =	ssettm $0x1  }
0x91: {  	s17 =	sld [smem:$0x3FFB];
	_ =	sdelay $0x3  }
0x92: {  	_ =	strace s17  }
0x93: {  	s2 =	sld [smem:$0x3FFC];
	_ =	sdelay $0x3  }
0x94: {  	_ =	strace s2  }
0x95: {  	s2 =	sld [smem:$0x3FFD];
	_ =	sdelay $0x3  }
0x96: {  	_ =	strace s2  }
0x97: {  	_ =	strace $0x8FFFFFFF  }
0x98: {  	s18 =	sld [smem:$0x3FDB];
	_ =	sdelay $0x1  }
0x99: {  	s19 =	simm.s32 $_scs_section_size  }
0x9a: {  	s4 =	simm.s32 $_size__tile_overlayer_lowered;
	s5 =	simm.s32 $_tile_overlayer_lowered  }
0x9b: {  	s22 =	simm.s32 $0x1BFF;
	s21 =	sshll.u32 s5, $0x1;
	s2 =	sadd.s32 s19, s18  }
0x9c: {  	s6 =	simm.s32 $0x0;
	s20 =	sshll.u32 s4, $0x1;
	s4 =	sadd.s32 s21, s2  }
0x9d: {  	[timem:s6], [sflag:s22] =	dma.local [hbm:s4], s20  }
0x9e: {  	_ =	swait.ge [sflag:s22], s20  }
0x9f: {  	s3 =	ssub.s32 $0x0, s20;
	[sflag:s22] =	ssyncset.done $0x0  }
0xa0: {  	[sflag:s22] =	ssyncadd.s32 s3;
	_ =	sdelay $0x1  }
0xa1: {  	s23 =	simm.s32 $0x1B8B  }
0xa2: {  	_ =	swait.ge [sflag:s23], $0x1  }
0xa3: {  	[sflag:s23] =	ssyncset.done $0x0  }
0xa4: {  	s25 =	simm.s32 $0x1B8E;
	s24 =	sld [smem:$0x3FFE];
	[sflag:s23] =	ssyncadd.s32 $0xFFFFFFFF  }
0xa5: {  	s26 =	simm.s32 $execute0_lowered;
	[smem:$0x3FD2] =	sst s25  }
0xa6: {  	s4 =	sshll.u32 s26, $0x1;
	_ =	strace $0x8000004C;
	[dreg:$0x1] =	wrdreg $0xFFFFFFFF  }
0xa7: {  	s28 =	simm.s32 $_size_execute0_lowered;
	s2 =	sadd.s32 s2, s4;
	[dreg:$0x0] =	wrdreg $0x0  }
0xa8: {  	s4 =	sshll.u32 s28, $0x1;
	[dreg:$0x2] =	wrdreg s2  }
0xa9: {  	[dreg:$0x3] =	wrdreg s4  }
0xaa: {  	[dreg:$0x4] =	wrdreg $0xC0  }
0xab: {  	_ =	task [dreg:s6], $0x5FFFF  }
0xac: {  	[dreg:$0x1] =	wrdreg $0xFFFFFFFF  }
0xad: {  	[dreg:$0x0] =	wrdreg $0x60  }
0xae: {  	[dreg:$0x2] =	wrdreg s24  }
0xaf: {  	[dreg:$0x3] =	wrdreg $0xA0F00  }
0xb0: {  	[dreg:$0x4] =	wrdreg $0x9  }
0xb1: {  	_ =	task.clear_ibuf [dreg:s6], $0x5FFFF;
	_ =	strace $0x9000004C  }
0xb2: {  	s29 =	simm.s32 $0x9;
	_ =	strace $0x8000004E  }
0xb3: {  	_ =	swait.ge [sflag:s29], $0x1  }
0xb4: {  	[sflag:s29] =	ssyncadd.s32 $0xFFFFFFFF  }
0xb5: {  	_ =	strace $0x9000004E  }
0xb6: {  	_ =	sfence  }
0xb7: {  	s30 =	sld [smem:$0x0];
	_ =	sdelay $0x2  }
0xb8: {  	s31 =	sshll.u32 s1, $0xD;
	s1 =	sshrl.u32 s1, $0x2  }
0xb9: {  	s3 =	sand.u32 $0x4000, s31;
	s1 =	sadd.s32 s1, s30  }
0xba: {  	s0 =	sor.u32 s3, s0;
	s1 =	sshll.u32 s1, $0x11  }
0xbb: {  	s0 =	sor.u32 s1, s0  }
0xbc: {  	s0 =	sadd.s32 $0x8F2B, s0  }
0xbd: {  	[sflag:s0] =	ssyncadd.remote.s32 $0x1  }
0xbe: {  	_ =	sfence.sel $0xFFFF  }
0xbf: {  	[dreg:$0x0] =	wrdreg $0xFFFFFFFF;
	(pc) =	sbr.abs _section_cstart, $3  }
0xc0: {  	[dreg:$0x1] =	wrdreg $0xFFFFFFFF  }
0xc1: {  	_ =	task.clear_ibuf [dreg:s6], $0x2FFFF;
	_ =	strace $0x9FFFFFFF  }
0xc2: {  	(tm) =	ssettm $0x7FFFFFFF  }
0xc3: {  	_ =	shalt  }
tec
execute0_lowered:
.L_overlay_start_1:
0x0: {  	(tag) =	ssettag $0x1  }
0x1: {  	s1 =	srdreg.scid  }
0x2: {  	s0 =	stileid.u32;
	s7 =	rddreg [dreg:$0x0]  }
0x3: {  	s2 =	rddreg [dreg:$0x1];
	s3 =	simm.s32 $0x0;
	s14 =	simm.s32 $0x28F0  }
0x4: {  	s15 =	simm.s32 $0x2760;
	s16 =	simm.s32 $0x50F0;
	s17 =	simm.s32 $0x1  }
0x5: {  	s18 =	simm.s32 $0x2800;
	s19 =	simm.s32 $0x27B0;
	s20 =	simm.s32 $0x78F0  }
0x6: {  	s21 =	simm.s32 $0x2850;
	s22 =	simm.s32 $0x2;
	s23 =	simm.s32 $0x28A0  }
0x7: {  	s24 =	simm.s32 $0x0;
	s6 =	sand.u32 $0x1, s1;
	s8 =	smul.u32 $0x2780, s0  }
0x8: {  	s29 =	sshll.u32 s0, $0x1;
	[smem:$0x7FF] =	sst s3;
	s30 =	smul.u32 $0x4F000, s0  }
0x9: {  	s4 =	sadd.s32 $0x20800, s7;
	s1 =	sor.u32 s6, s29;
	s9 =	smul.u32 $0x27800, s6  }
0xa: {  	s11 =	sshll.u32 s0, $0x6;
	s6 =	ssub.s32 $0x2, s6;
	s5 =	smul.u32 $0x4E2, s1  }
0xb: {  	s1 =	rddreg [dreg:$0x2];
	_ =	strace $0x8000004D;
	s31 =	sshrl.u32 s6, $0x1  }
0xc: {  	s8 =	sadd.s32 s8, s9;
	s9 =	sshrl.u32 s30, $0x2;
	s12 =	ssub.s32 s6, s31  }
0xd: {  	s6 =	sor.u32 $0x1C03, s11;
	s11 =	simm.s32 $0x3;
	s10 =	sadd.s32 s5, s7  }
0xe: {  	s5 =	sadd.s32 $0x3000, s7;
	s8 =	sadd.s32 s8, s7;
	s13 =	sadd.s32 s9, s2  }
0xf: {  	s9 =	smax.u32 s12, $0x1;
	s12 =	simm.s32 $0x50;
	s7 =	sadd.s32 $0x16A00, s10  }
0x10: {  	s8 =	sadd.s32 $0x48000, s8;
	s10 =	sshrl.u32 s13, $0x3;
	s13 =	simm.s32 $0x2710  }
.LBB2_1:
0x11: {  	[spmem:s10], [sflag:s6] =	dma.local [hbm:s5], $0x2780  }
0x12: {  	_ =	swait.ge [sflag:s11], $0x2780  }
0x13: {  	[sflag:s11] =	ssyncset.done $0x0  }
0x14: {  	[sflag:s11] =	ssyncadd.s32 $0xFFFFD880  }
0x15: {  	[tilespmem:s3], [sflag:$0x3] =	stream.linear.gather [hbm4b:s7+s3], $0x2710, $0x38;
	[tilespmem:$0x1DCF0] =	vst v63  }
0x16: {  	_ =	swait.ge [sflag:s11], $0x2710  }
0x17: {  	[sflag:s11] =	ssyncset.done $0x0  }
0x18: {  	[sflag:s11] =	ssyncadd.s32 $0xFFFFD8F0  }
0x19: {  	[bflag:$0x0] =	sbarrier.arrive $0xFFFF  }
0x1a: {  	v0 =	vld [tilespmem:$0x0];
	_ =	sdelay $0x1  }
0x1b: {  	v1 =	vld [tilespmem:$0x10];
	_ =	sdelay $0x1  }
0x1c: {  	v2 =	vld [tilespmem:$0x20]  }
0x1d: {  	v3 =	vand.u32 $0x3FFF, v0  }
0x1e: {  	v0 =	vshrl.u32 v0, $0xE;
	[tilespmem:$0x2710] =	vst v3;
	v3 =	vld [tilespmem:$0x30]  }
0x1f: {  	[tilespmem:$0x2800] =	vst v0;
	v0 =	vand.u32 $0x3FFF, v1  }
0x20: {  	[tilespmem:$0x2720] =	vst v0;
	v0 =	vshrl.u32 v1, $0xE;
	v1 =	vld [tilespmem:$0x40]  }
0x21: {  	[tilespmem:$0x2810] =	vst v0;
	v0 =	vand.u32 $0x3FFF, v2  }
0x22: {  	[tilespmem:$0x2730] =	vst v0;
	v0 =	vshrl.u32 v2, $0xE  }
0x23: {  	[tilespmem:$0x2820] =	vst v0;
	v0 =	vand.u32 $0x3FFF, v3  }
0x24: {  	[tilespmem:$0x2740] =	vst v0;
	v0 =	vshrl.u32 v3, $0xE  }
0x25: {  	[tilespmem:$0x2830] =	vst v0;
	v0 =	vand.u32 $0x3FFF, v1  }
0x26: {  	[tilespmem:$0x2750] =	vst v0;
	v0 =	vshrl.u32 v1, $0xE  }
0x27: {  	[tilespmem:$0x2840] =	vst v0  }
0x28: {  	[tilespmem:s14], [sflag:$0x1] =	stream.indirect.gather [hbm4b:s4+s12], $0x80, s13, s12, $0xb8;
	[tilespmem:$0x1DCF0] =	vst v63  }
0x29: {  	v0 =	vld [tilespmem:$0x50];
	_ =	sdelay $0x1  }
0x2a: {  	v1 =	vld [tilespmem:$0x60];
	_ =	sdelay $0x1  }
0x2b: {  	v2 =	vld [tilespmem:$0x70]  }
0x2c: {  	v3 =	vand.u32 $0x3FFF, v0  }
0x2d: {  	v0 =	vshrl.u32 v0, $0xE;
	[tilespmem:$0x2760] =	vst v3;
	v3 =	vld [tilespmem:$0x80]  }
0x2e: {  	[tilespmem:$0x2850] =	vst v0;
	v0 =	vand.u32 $0x3FFF, v1  }
0x2f: {  	[tilespmem:$0x2770] =	vst v0;
	v0 =	vshrl.u32 v1, $0xE;
	v1 =	vld [tilespmem:$0x90]  }
0x30: {  	[tilespmem:$0x2860] =	vst v0;
	v0 =	vand.u32 $0x3FFF, v2  }
0x31: {  	[tilespmem:$0x2780] =	vst v0;
	v0 =	vshrl.u32 v2, $0xE  }
0x32: {  	[tilespmem:$0x2870] =	vst v0;
	v0 =	vand.u32 $0x3FFF, v3  }
0x33: {  	[tilespmem:$0x2790] =	vst v0;
	v0 =	vshrl.u32 v3, $0xE  }
0x34: {  	[tilespmem:$0x2880] =	vst v0;
	v0 =	vand.u32 $0x3FFF, v1  }
0x35: {  	[tilespmem:$0x27A0] =	vst v0;
	v0 =	vshrl.u32 v1, $0xE  }
0x36: {  	[tilespmem:$0x2890] =	vst v0  }
0x37: {  	[tilespmem:s16], [sflag:$0x1] =	stream.indirect.gather [hbm4b:s4+s12], $0x80, s15, s12, $0xb8;
	[tilespmem:$0x1DCF0] =	vst v63  }
0x38: {  	_ =	swait.ge [sflag:s17], $0x2800  }
0x39: {  	[sflag:s17] =	ssyncset.done $0x0  }
0x3a: {  	[sflag:s17] =	ssyncadd.s32 $0xFFFFD800  }
0x3b: {  	[spmem:s2] =	stream.indirect.scatter.add.f32 [tilespmem:s14], [sflag:$0x2], $0x80, s18, s12, $0xb8;
	[tilespmem:$0x1DCF0] =	vst v63  }
0x3c: {  	v0 =	vld [tilespmem:$0xA0];
	_ =	sdelay $0x1  }
0x3d: {  	v1 =	vld [tilespmem:$0xB0];
	_ =	sdelay $0x1  }
0x3e: {  	v2 =	vld [tilespmem:$0xC0]  }
0x3f: {  	v3 =	vand.u32 $0x3FFF, v0  }
0x40: {  	v0 =	vshrl.u32 v0, $0xE;
	[tilespmem:$0x27B0] =	vst v3;
	v3 =	vld [tilespmem:$0xD0]  }
0x41: {  	[tilespmem:$0x28A0] =	vst v0;
	v0 =	vand.u32 $0x3FFF, v1  }
0x42: {  	[tilespmem:$0x27C0] =	vst v0;
	v0 =	vshrl.u32 v1, $0xE;
	v1 =	vld [tilespmem:$0xE0]  }
0x43: {  	[tilespmem:$0x28B0] =	vst v0;
	v0 =	vand.u32 $0x3FFF, v2  }
0x44: {  	[tilespmem:$0x27D0] =	vst v0;
	v0 =	vshrl.u32 v2, $0xE  }
0x45: {  	[tilespmem:$0x28C0] =	vst v0;
	v0 =	vand.u32 $0x3FFF, v3  }
0x46: {  	[tilespmem:$0x27E0] =	vst v0;
	v0 =	vshrl.u32 v3, $0xE  }
0x47: {  	[tilespmem:$0x28D0] =	vst v0;
	v0 =	vand.u32 $0x3FFF, v1  }
0x48: {  	[tilespmem:$0x27F0] =	vst v0;
	v0 =	vshrl.u32 v1, $0xE  }
0x49: {  	[tilespmem:$0x28E0] =	vst v0  }
0x4a: {  	[tilespmem:s20], [sflag:$0x1] =	stream.indirect.gather [hbm4b:s4+s12], $0x80, s19, s12, $0xb8;
	[tilespmem:$0x1DCF0] =	vst v63  }
0x4b: {  	_ =	swait.ge [sflag:s17], $0x2800  }
0x4c: {  	[sflag:s17] =	ssyncset.done $0x0  }
0x4d: {  	[sflag:s17] =	ssyncadd.s32 $0xFFFFD800  }
0x4e: {  	[spmem:s2] =	stream.indirect.scatter.add.f32 [tilespmem:s16], [sflag:$0x2], $0x80, s21, s12, $0xb8;
	[tilespmem:$0x1DCF0] =	vst v63  }
0x4f: {  	_ =	swait.ge [sflag:s22], $0x2800  }
0x50: {  	[sflag:s22] =	ssyncset.done $0x0  }
0x51: {  	s25 =	simm.s32 $0x1D0;
	[sflag:s22] =	ssyncadd.s32 $0xFFFFD800  }
0x52: {  	v0 =	vld [tilespmem:s25+$0xFFFFFF20];
	_ =	sdelay $0x4  }
0x53: {  	v1 =	vand.u32 $0x3FFF, v0  }
0x54: {  	v0 =	vshrl.u32 v0, $0xE;
	[tilespmem:$0x2710] =	vst v1  }
0x55: {  	[tilespmem:$0x2800] =	vst v0  }
0x56: {  	v0 =	vld [tilespmem:s25+$0xFFFFFF30];
	_ =	sdelay $0x4  }
0x57: {  	v1 =	vand.u32 $0x3FFF, v0  }
0x58: {  	v0 =	vshrl.u32 v0, $0xE;
	[tilespmem:$0x2720] =	vst v1  }
0x59: {  	[tilespmem:$0x2810] =	vst v0  }
0x5a: {  	v0 =	vld [tilespmem:s25+$0xFFFFFF40];
	_ =	sdelay $0x4  }
0x5b: {  	v1 =	vand.u32 $0x3FFF, v0  }
0x5c: {  	v0 =	vshrl.u32 v0, $0xE;
	[tilespmem:$0x2730] =	vst v1  }
0x5d: {  	[tilespmem:$0x2820] =	vst v0  }
0x5e: {  	v0 =	vld [tilespmem:s25+$0xFFFFFF50];
	_ =	sdelay $0x4  }
0x5f: {  	v1 =	vand.u32 $0x3FFF, v0  }
0x60: {  	v0 =	vshrl.u32 v0, $0xE;
	[tilespmem:$0x2740] =	vst v1  }
0x61: {  	[tilespmem:$0x2830] =	vst v0  }
0x62: {  	v0 =	vld [tilespmem:s25+$0xFFFFFF60];
	_ =	sdelay $0x4  }
0x63: {  	v1 =	vand.u32 $0x3FFF, v0  }
0x64: {  	v0 =	vshrl.u32 v0, $0xE;
	[tilespmem:$0x2750] =	vst v1  }
0x65: {  	[tilespmem:$0x2840] =	vst v0  }
0x66: {  	[tilespmem:s14], [sflag:$0x1] =	stream.indirect.gather [hbm4b:s4+s12], $0x80, s13, s12, $0xb8;
	[tilespmem:$0x1DCF0] =	vst v63  }
0x67: {  	_ =	swait.ge [sflag:s17], $0x2800  }
0x68: {  	[sflag:s17] =	ssyncset.done $0x0  }
0x69: {  	[sflag:s17] =	ssyncadd.s32 $0xFFFFD800  }
0x6a: {  	[spmem:s2] =	stream.indirect.scatter.add.f32 [tilespmem:s20], [sflag:$0x2], $0x80, s23, s12, $0xb8;
	[tilespmem:$0x1DCF0] =	vst v63  }
0x6b: {  	_ =	swait.ge [sflag:s22], $0x2800  }
0x6c: {  	[sflag:s22] =	ssyncset.done $0x0  }
0x6d: {  	[sflag:s22] =	ssyncadd.s32 $0xFFFFD800  }
0x6e: {  	v0 =	vld [tilespmem:s25+$0xFFFFFF70];
	_ =	sdelay $0x4  }
0x6f: {  	v1 =	vand.u32 $0x3FFF, v0  }
0x70: {  	v0 =	vshrl.u32 v0, $0xE;
	[tilespmem:$0x2760] =	vst v1  }
0x71: {  	[tilespmem:$0x2850] =	vst v0  }
0x72: {  	v0 =	vld [tilespmem:s25+$0xFFFFFF80];
	_ =	sdelay $0x4  }
0x73: {  	v1 =	vand.u32 $0x3FFF, v0  }
0x74: {  	v0 =	vshrl.u32 v0, $0xE;
	[tilespmem:$0x2770] =	vst v1  }
0x75: {  	[tilespmem:$0x2860] =	vst v0  }
0x76: {  	v0 =	vld [tilespmem:s25+$0xFFFFFF90];
	_ =	sdelay $0x4  }
0x77: {  	v1 =	vand.u32 $0x3FFF, v0  }
0x78: {  	v0 =	vshrl.u32 v0, $0xE;
	[tilespmem:$0x2780] =	vst v1  }
0x79: {  	[tilespmem:$0x2870] =	vst v0  }
0x7a: {  	v0 =	vld [tilespmem:s25+$0xFFFFFFA0];
	_ =	sdelay $0x4  }
0x7b: {  	v1 =	vand.u32 $0x3FFF, v0  }
0x7c: {  	v0 =	vshrl.u32 v0, $0xE;
	[tilespmem:$0x2790] =	vst v1  }
0x7d: {  	[tilespmem:$0x2880] =	vst v0  }
0x7e: {  	v0 =	vld [tilespmem:s25+$0xFFFFFFB0];
	_ =	sdelay $0x4  }
0x7f: {  	v1 =	vand.u32 $0x3FFF, v0  }
0x80: {  	v0 =	vshrl.u32 v0, $0xE;
	[tilespmem:$0x27A0] =	vst v1  }
0x81: {  	[tilespmem:$0x2890] =	vst v0  }
0x82: {  	[tilespmem:s16], [sflag:$0x1] =	stream.indirect.gather [hbm4b:s4+s12], $0x80, s15, s12, $0xb8;
	[tilespmem:$0x1DCF0] =	vst v63  }
0x83: {  	_ =	swait.ge [sflag:s17], $0x2800  }
0x84: {  	[sflag:s17] =	ssyncset.done $0x0  }
0x85: {  	[sflag:s17] =	ssyncadd.s32 $0xFFFFD800  }
0x86: {  	[spmem:s2] =	stream.indirect.scatter.add.f32 [tilespmem:s14], [sflag:$0x2], $0x80, s18, s12, $0xb8;
	[tilespmem:$0x1DCF0] =	vst v63  }
0x87: {  	_ =	swait.ge [sflag:s22], $0x2800  }
0x88: {  	[sflag:s22] =	ssyncset.done $0x0  }
0x89: {  	[sflag:s22] =	ssyncadd.s32 $0xFFFFD800  }
0x8a: {  	v0 =	vld [tilespmem:s25+$0xFFFFFFC0];
	_ =	sdelay $0x4  }
0x8b: {  	v1 =	vand.u32 $0x3FFF, v0  }
0x8c: {  	v0 =	vshrl.u32 v0, $0xE;
	[tilespmem:$0x27B0] =	vst v1  }
0x8d: {  	[tilespmem:$0x28A0] =	vst v0  }
0x8e: {  	v0 =	vld [tilespmem:s25+$0xFFFFFFD0];
	_ =	sdelay $0x4  }
0x8f: {  	v1 =	vand.u32 $0x3FFF, v0  }
0x90: {  	v0 =	vshrl.u32 v0, $0xE;
	[tilespmem:$0x27C0] =	vst v1  }
0x91: {  	[tilespmem:$0x28B0] =	vst v0  }
0x92: {  	v0 =	vld [tilespmem:s25+$0xFFFFFFE0];
	_ =	sdelay $0x4  }
0x93: {  	v1 =	vand.u32 $0x3FFF, v0  }
0x94: {  	v0 =	vshrl.u32 v0, $0xE;
	[tilespmem:$0x27D0] =	vst v1  }
0x95: {  	[tilespmem:$0x28C0] =	vst v0  }
0x96: {  	s26 =	simm.s32 $0xB00;
	v0 =	vld [tilespmem:s25+$0xFFFFFFF0]  }
.LBB2_2:
0x97: {  	_ =	sdelay $0x3  }
0x98: {  	p0 =	sne.s32 s26, $0x9980;
	s28 =	smov.u32 s26;
	s26 =	sadd.s32 $0x3C0, s26;
	v1 =	vand.u32 $0x3FFF, v0;
	v0 =	vshrl.u32 v0, $0xE  }
0x99: {  	[tilespmem:$0x27E0] =	vst v1  }
0x9a: {  	[tilespmem:$0x28D0] =	vst v0  }
0x9b: {  	v0 =	vld [tilespmem:s25+$0x0];
	_ =	sdelay $0x4  }
0x9c: {  	v1 =	vand.u32 $0x3FFF, v0;
	v0 =	vshrl.u32 v0, $0xE  }
0x9d: {  	[tilespmem:$0x27F0] =	vst v1  }
0x9e: {  	[tilespmem:$0x28E0] =	vst v0  }
0x9f: {  	[tilespmem:s20], [sflag:$0x1] =	stream.indirect.gather [hbm4b:s4+s12], $0x80, s19, s12, $0xb8;
	[tilespmem:$0x1DCF0] =	vst v63  }
0xa0: {  	_ =	swait.ge [sflag:s17], $0x2800  }
0xa1: {  	[sflag:s17] =	ssyncset.done $0x0  }
0xa2: {  	[sflag:s17] =	ssyncadd.s32 $0xFFFFD800  }
0xa3: {  	[spmem:s2] =	stream.indirect.scatter.add.f32 [tilespmem:s16], [sflag:$0x2], $0x80, s21, s12, $0xb8;
	[tilespmem:$0x1DCF0] =	vst v63  }
0xa4: {  	_ =	swait.ge [sflag:s22], $0x2800  }
0xa5: {  	[sflag:s22] =	ssyncset.done $0x0  }
0xa6: {  	s25 =	sshra.s32 s28, $0x2;
	[sflag:s22] =	ssyncadd.s32 $0xFFFFD800  }
0xa7: {  	v0 =	vld [tilespmem:s25+$0xFFFFFF20];
	_ =	sdelay $0x4  }
0xa8: {  	v1 =	vand.u32 $0x3FFF, v0;
	v0 =	vshrl.u32 v0, $0xE  }
0xa9: {  	[tilespmem:$0x2710] =	vst v1  }
0xaa: {  	[tilespmem:$0x2800] =	vst v0  }
0xab: {  	v0 =	vld [tilespmem:s25+$0xFFFFFF30];
	_ =	sdelay $0x4  }
0xac: {  	v1 =	vand.u32 $0x3FFF, v0;
	v0 =	vshrl.u32 v0, $0xE  }
0xad: {  	[tilespmem:$0x2720] =	vst v1  }
0xae: {  	[tilespmem:$0x2810] =	vst v0  }
0xaf: {  	v0 =	vld [tilespmem:s25+$0xFFFFFF40];
	_ =	sdelay $0x4  }
0xb0: {  	v1 =	vand.u32 $0x3FFF, v0;
	v0 =	vshrl.u32 v0, $0xE  }
0xb1: {  	[tilespmem:$0x2730] =	vst v1  }
0xb2: {  	[tilespmem:$0x2820] =	vst v0  }
0xb3: {  	v0 =	vld [tilespmem:s25+$0xFFFFFF50];
	_ =	sdelay $0x4  }
0xb4: {  	v1 =	vand.u32 $0x3FFF, v0;
	v0 =	vshrl.u32 v0, $0xE  }
0xb5: {  	[tilespmem:$0x2740] =	vst v1  }
0xb6: {  	[tilespmem:$0x2830] =	vst v0  }
0xb7: {  	v0 =	vld [tilespmem:s25+$0xFFFFFF60];
	_ =	sdelay $0x4  }
0xb8: {  	v1 =	vand.u32 $0x3FFF, v0;
	v0 =	vshrl.u32 v0, $0xE  }
0xb9: {  	[tilespmem:$0x2750] =	vst v1  }
0xba: {  	[tilespmem:$0x2840] =	vst v0  }
0xbb: {  	[tilespmem:s14], [sflag:$0x1] =	stream.indirect.gather [hbm4b:s4+s12], $0x80, s13, s12, $0xb8;
	[tilespmem:$0x1DCF0] =	vst v63  }
0xbc: {  	_ =	swait.ge [sflag:s17], $0x2800  }
0xbd: {  	[sflag:s17] =	ssyncset.done $0x0  }
0xbe: {  	[sflag:s17] =	ssyncadd.s32 $0xFFFFD800  }
0xbf: {  	[spmem:s2] =	stream.indirect.scatter.add.f32 [tilespmem:s20], [sflag:$0x2], $0x80, s23, s12, $0xb8;
	[tilespmem:$0x1DCF0] =	vst v63  }
0xc0: {  	_ =	swait.ge [sflag:s22], $0x2800  }
0xc1: {  	[sflag:s22] =	ssyncset.done $0x0  }
0xc2: {  	[sflag:s22] =	ssyncadd.s32 $0xFFFFD800  }
0xc3: {  	v0 =	vld [tilespmem:s25+$0xFFFFFF70];
	_ =	sdelay $0x4  }
0xc4: {  	v1 =	vand.u32 $0x3FFF, v0;
	v0 =	vshrl.u32 v0, $0xE  }
0xc5: {  	[tilespmem:$0x2760] =	vst v1  }
0xc6: {  	[tilespmem:$0x2850] =	vst v0  }
0xc7: {  	v0 =	vld [tilespmem:s25+$0xFFFFFF80];
	_ =	sdelay $0x4  }
0xc8: {  	v1 =	vand.u32 $0x3FFF, v0;
	v0 =	vshrl.u32 v0, $0xE  }
0xc9: {  	[tilespmem:$0x2770] =	vst v1  }
0xca: {  	[tilespmem:$0x2860] =	vst v0  }
0xcb: {  	v0 =	vld [tilespmem:s25+$0xFFFFFF90];
	_ =	sdelay $0x4  }
0xcc: {  	v1 =	vand.u32 $0x3FFF, v0;
	v0 =	vshrl.u32 v0, $0xE  }
0xcd: {  	[tilespmem:$0x2780] =	vst v1  }
0xce: {  	[tilespmem:$0x2870] =	vst v0  }
0xcf: {  	v0 =	vld [tilespmem:s25+$0xFFFFFFA0];
	_ =	sdelay $0x4  }
0xd0: {  	v1 =	vand.u32 $0x3FFF, v0;
	v0 =	vshrl.u32 v0, $0xE  }
0xd1: {  	[tilespmem:$0x2790] =	vst v1  }
0xd2: {  	[tilespmem:$0x2880] =	vst v0  }
0xd3: {  	v0 =	vld [tilespmem:s25+$0xFFFFFFB0];
	_ =	sdelay $0x4  }
0xd4: {  	v1 =	vand.u32 $0x3FFF, v0;
	v0 =	vshrl.u32 v0, $0xE  }
0xd5: {  	[tilespmem:$0x27A0] =	vst v1  }
0xd6: {  	[tilespmem:$0x2890] =	vst v0  }
0xd7: {  	[tilespmem:s16], [sflag:$0x1] =	stream.indirect.gather [hbm4b:s4+s12], $0x80, s15, s12, $0xb8;
	[tilespmem:$0x1DCF0] =	vst v63  }
0xd8: {  	_ =	swait.ge [sflag:s17], $0x2800  }
0xd9: {  	[sflag:s17] =	ssyncset.done $0x0  }
0xda: {  	[sflag:s17] =	ssyncadd.s32 $0xFFFFD800  }
0xdb: {  	[spmem:s2] =	stream.indirect.scatter.add.f32 [tilespmem:s14], [sflag:$0x2], $0x80, s18, s12, $0xb8;
	[tilespmem:$0x1DCF0] =	vst v63  }
0xdc: {  	_ =	swait.ge [sflag:s22], $0x2800  }
0xdd: {  	[sflag:s22] =	ssyncset.done $0x0  }
0xde: {  	[sflag:s22] =	ssyncadd.s32 $0xFFFFD800  }
0xdf: {  	v0 =	vld [tilespmem:s25+$0xFFFFFFC0];
	_ =	sdelay $0x4  }
0xe0: {  	v1 =	vand.u32 $0x3FFF, v0;
	v0 =	vshrl.u32 v0, $0xE  }
0xe1: {  	[tilespmem:$0x27B0] =	vst v1  }
0xe2: {  	[tilespmem:$0x28A0] =	vst v0  }
0xe3: {  	v0 =	vld [tilespmem:s25+$0xFFFFFFD0];
	_ =	sdelay $0x4  }
0xe4: {  	v1 =	vand.u32 $0x3FFF, v0;
	v0 =	vshrl.u32 v0, $0xE  }
0xe5: {  	[tilespmem:$0x27C0] =	vst v1  }
0xe6: {  	[tilespmem:$0x28B0] =	vst v0  }
0xe7: {  	v0 =	vld [tilespmem:s25+$0xFFFFFFE0];
	_ =	sdelay $0x3  }
.Ltmp0:
0xe8: {  	(pc) =	sbr.rel @p0 .LBB2_2-.Ltmp0, $4  }
0xe9: {  	v1 =	vand.u32 $0x3FFF, v0;
	v0 =	vshrl.u32 v0, $0xE  }
0xea: {  	[tilespmem:$0x27D0] =	vst v1  }
0xeb: {  	[tilespmem:$0x28C0] =	vst v0  }
0xec: {  	v0 =	vld [tilespmem:s25+$0xFFFFFFF0]  }
0xed: {  	_ =	sdelay $0x3  }
0xee: {  	v1 =	vand.u32 $0x3FFF, v0  }
0xef: {  	v36 =	vshrl.u32 v0, $0xE;
	[tilespmem:$0x27E0] =	vst v1  }
0xf0: {  	[tilespmem:$0x28D0] =	vst v36  }
0xf1: {  	v0 =	vld [tilespmem:s25+$0x0];
	_ =	sdelay $0x4  }
0xf2: {  	v37 =	vand.u32 $0x3FFF, v0  }
0xf3: {  	v0 =	vshrl.u32 v0, $0xE;
	[tilespmem:$0x27F0] =	vst v37  }
0xf4: {  	[tilespmem:$0x28E0] =	vst v0  }
0xf5: {  	[tilespmem:s20], [sflag:$0x1] =	stream.indirect.gather [hbm4b:s4+s12], $0x80, s19, s12, $0xb8;
	[tilespmem:$0x1DCF0] =	vst v63  }
0xf6: {  	_ =	swait.ge [sflag:s17], $0x2800  }
0xf7: {  	[sflag:s17] =	ssyncset.done $0x0  }
0xf8: {  	[sflag:s17] =	ssyncadd.s32 $0xFFFFD800  }
0xf9: {  	[spmem:s2] =	stream.indirect.scatter.add.f32 [tilespmem:s16], [sflag:$0x2], $0x80, s21, s12, $0xb8;
	[tilespmem:$0x1DCF0] =	vst v63  }
0xfa: {  	_ =	swait.ge [sflag:s22], $0x2800  }
0xfb: {  	[sflag:s22] =	ssyncset.done $0x0  }
0xfc: {  	[sflag:s22] =	ssyncadd.s32 $0xFFFFD800  }
0xfd: {  	v38 =	vld [tilespmem:$0x2670];
	_ =	sdelay $0x1  }
0xfe: {  	v39 =	vld [tilespmem:$0x2680];
	_ =	sdelay $0x1  }
0xff: {  	v2 =	vld [tilespmem:$0x2690]  }
0x100: {  	v3 =	vand.u32 $0x3FFF, v38  }
0x101: {  	v40 =	vld [tilespmem:$0x26A0];
	v0 =	vshrl.u32 v38, $0xE;
	[tilespmem:$0x2710] =	vst v3  }
0x102: {  	v41 =	vand.u32 $0x3FFF, v39;
	[tilespmem:$0x2800] =	vst v0  }
0x103: {  	v43 =	vld [tilespmem:$0x26B0];
	v42 =	vshrl.u32 v39, $0xE;
	[tilespmem:$0x2720] =	vst v41  }
0x104: {  	v44 =	vand.u32 $0x3FFF, v2;
	[tilespmem:$0x2810] =	vst v42  }
0x105: {  	v45 =	vshrl.u32 v2, $0xE;
	[tilespmem:$0x2730] =	vst v44  }
0x106: {  	v46 =	vand.u32 $0x3FFF, v40;
	[tilespmem:$0x2820] =	vst v45  }
0x107: {  	v47 =	vshrl.u32 v40, $0xE;
	[tilespmem:$0x2740] =	vst v46  }
0x108: {  	v48 =	vand.u32 $0x3FFF, v43;
	[tilespmem:$0x2830] =	vst v47  }
0x109: {  	v49 =	vshrl.u32 v43, $0xE;
	[tilespmem:$0x2750] =	vst v48  }
0x10a: {  	[tilespmem:$0x2840] =	vst v49  }
0x10b: {  	[tilespmem:s14], [sflag:$0x1] =	stream.indirect.gather [hbm4b:s4+s12], $0x80, s13, s12, $0xb8;
	[tilespmem:$0x1DCF0] =	vst v63  }
0x10c: {  	_ =	swait.ge [sflag:s17], $0x2800  }
0x10d: {  	[sflag:s17] =	ssyncset.done $0x0  }
0x10e: {  	[sflag:s17] =	ssyncadd.s32 $0xFFFFD800  }
0x10f: {  	[spmem:s2] =	stream.indirect.scatter.add.f32 [tilespmem:s20], [sflag:$0x2], $0x80, s23, s12, $0xb8;
	[tilespmem:$0x1DCF0] =	vst v63  }
0x110: {  	_ =	swait.ge [sflag:s22], $0x2800  }
0x111: {  	[sflag:s22] =	ssyncset.done $0x0  }
0x112: {  	[sflag:s22] =	ssyncadd.s32 $0xFFFFD800  }
0x113: {  	v50 =	vld [tilespmem:$0x26C0];
	_ =	sdelay $0x1  }
0x114: {  	v51 =	vld [tilespmem:$0x26D0];
	_ =	sdelay $0x1  }
0x115: {  	v52 =	vld [tilespmem:$0x26E0]  }
0x116: {  	v53 =	vand.u32 $0x3FFF, v50  }
0x117: {  	v54 =	vld [tilespmem:$0x26F0];
	v0 =	vshrl.u32 v50, $0xE;
	[tilespmem:$0x2760] =	vst v53  }
0x118: {  	v55 =	vand.u32 $0x3FFF, v51;
	[tilespmem:$0x2850] =	vst v0  }
0x119: {  	v57 =	vld [tilespmem:$0x2700];
	v56 =	vshrl.u32 v51, $0xE;
	[tilespmem:$0x2770] =	vst v55  }
0x11a: {  	v58 =	vand.u32 $0x3FFF, v52;
	[tilespmem:$0x2860] =	vst v56  }
0x11b: {  	v59 =	vshrl.u32 v52, $0xE;
	[tilespmem:$0x2780] =	vst v58  }
0x11c: {  	v60 =	vand.u32 $0x3FFF, v54;
	[tilespmem:$0x2870] =	vst v59  }
0x11d: {  	v61 =	vshrl.u32 v54, $0xE;
	[tilespmem:$0x2790] =	vst v60  }
0x11e: {  	v62 =	vand.u32 $0x3FFF, v57;
	[tilespmem:$0x2880] =	vst v61  }
0x11f: {  	v63 =	vshrl.u32 v57, $0xE;
	[tilespmem:$0x27A0] =	vst v62  }
0x120: {  	[tilespmem:$0x2890] =	vst v63  }
0x121: {  	[tilespmem:s16], [sflag:$0x1] =	stream.indirect.gather [hbm4b:s4+s12], $0x80, s15, s12, $0xb8;
	[tilespmem:$0x1DCF0] =	vst v63  }
0x122: {  	_ =	swait.ge [sflag:s17], $0x2800  }
0x123: {  	[sflag:s17] =	ssyncset.done $0x0  }
0x124: {  	[sflag:s17] =	ssyncadd.s32 $0xFFFFD800  }
0x125: {  	[spmem:s2] =	stream.indirect.scatter.add.f32 [tilespmem:s14], [sflag:$0x2], $0x80, s18, s12, $0xb8;
	[tilespmem:$0x1DCF0] =	vst v63  }
0x126: {  	_ =	swait.ge [sflag:s17], $0x2800  }
0x127: {  	[sflag:s17] =	ssyncset.done $0x0  }
0x128: {  	[sflag:s17] =	ssyncadd.s32 $0xFFFFD800  }
0x129: {  	[spmem:s2] =	stream.indirect.scatter.add.f32 [tilespmem:s16], [sflag:$0x2], $0x80, s21, s12, $0xb8;
	[tilespmem:$0x1DCF0] =	vst v63  }
0x12a: {  	_ =	swait.ge [sflag:s22], $0x2800  }
0x12b: {  	[sflag:s22] =	ssyncset.done $0x0  }
0x12c: {  	[sflag:s22] =	ssyncadd.s32 $0xFFFFD800  }
0x12d: {  	_ =	swait.ge [sflag:s22], $0x2800  }
0x12e: {  	[sflag:s22] =	ssyncset.done $0x0  }
0x12f: {  	[sflag:s22] =	ssyncadd.s32 $0xFFFFD800  }
0x130: {  	_ =	swait.ge [sflag:s22], $0x2800  }
0x131: {  	s24 =	sadd.s32 $0x1, s24;
	[sflag:s22] =	ssyncset.done $0x0  }
0x132: {  	p0 =	sne.s32 s24, s9;
	[sflag:s22] =	ssyncadd.s32 $0xFFFFD800  }
.Ltmp1:
0x133: {  	[bflag:$0x0] =	sbarrier.arrive $0xFFFF;
	(pc) =	sbr.rel @p0 .LBB2_1-.Ltmp1, $4  }
0x134: {  	[hbm:s8], [sflag:s6] =	dma.local [spmem:s10], $0x2780  }
0x135: {  	_ =	swait.ge [sflag:s11], $0x2780  }
0x136: {  	[sflag:s11] =	ssyncset.done $0x0  }
0x137: {  	[sflag:s11] =	ssyncadd.s32 $0xFFFFD880  }
0x138: {  	_ =	sfence.sel $0x180000  }
0x139: {  	[bflag:$0x0] =	sbarrier.arrive $0xFFFF  }
0x13a: {  	p0 =	sne.s32 s0, $0x0;
	_ =	strace $0x9000004D  }
0x13b: {  	s0 =	sadd.s32 @!p0 $0x100000, s1;
	[bflag:$0x2] =	sbarrier.arrive $0xFFFF  }
0x13c: {  	[sflag:s0] =	ssyncadd.tile.s32 @!p0 $0x1;
	_ =	shalt  }
.Lfunc_end2:
_tile_overlayer_lowered:
.L_overlay_start_2:
0x13d: {  	(tag) =	ssettag $0x2  }
0x13e: {  	s0 =	rddreg [dreg:$0x0];
	s2 =	stileid.u32  }
0x13f: {  	s1 =	rddreg [dreg:$0x1];
	p0 =	sne.s32 s2, $0x0  }
0x140: {  	s3 =	rddreg [dreg:$0x2];
	[bflag:$0x3] =	sbarrier.arrive $0xFFFF;
	s2 =	simm.s32 @!p0 $0x1C03  }
0x141: {  	[timem:s3], [sflag:s2] =	dma.local @!p0 [hbm:s0], s1  }
0x142: {  	s0 =	simm.s32 @!p0 $0x3  }
0x143: {  	_ =	swait.ge @!p0 [sflag:s0], s1  }
0x144: {  	s1 =	ssub.s32 @!p0 $0x0, s1;
	[sflag:s0] =	ssyncset.done @!p0 $0x0  }
0x145: {  	[sflag:s0] =	ssyncadd.s32 @!p0 s1  }
0x146: {  	[bflag:$0x3] =	sbarrier.arrive $0xFFFF  }
0x147: {  	_ =	shalt  }

// kernel: kernel.7.cloned.1.call-start
scs
__scs_entry_jumppad:
0x0: {  	(pc) =	sbr.rel $0x88, $3  }
0x1: {  	(tag) =	ssettag $0x0;
	lr =	simm.s32 $0x1  }
0x2: {  	[smem:$0x3F97] =	sst lr;
	_ =	strace $0xD0000000  }
0x3: {  	_ = 	snop  }
0x4: {  	_ = 	snop  }
0x5: {  	_ = 	snop  }
0x6: {  	_ = 	snop  }
0x7: {  	_ = 	snop  }
__scs_overlays_trampoline_lowered:
0x8: {  	[smem:$0x3FA6] =	sst s0  }
0x9: {  	[smem:$0x3FA7] =	sst s1  }
0xa: {  	[smem:$0x3FA8] =	sst s2  }
0xb: {  	[smem:$0x3FA9] =	sst s3  }
0xc: {  	[smem:$0x3FAA] =	sst s4  }
0xd: {  	[smem:$0x3FAB] =	sst s5  }
0xe: {  	[smem:$0x3FAC] =	sst s6  }
0xf: {  	[smem:$0x3FAD] =	sst s7  }
0x10: {  	[smem:$0x3FAE] =	sst s8  }
0x11: {  	[smem:$0x3FAF] =	sst s9;
	s0 =	simm.s32 @!p0 $0x0  }
0x12: {  	s1 =	sld [smem:$0x3F95];
	s0 =	simm.s32 @p0 $0x1  }
0x13: {  	[smem:$0x3FB0] =	sst s0;
	s0 =	simm.s32 @!p1 $0x0  }
0x14: {  	s2 =	sld [smem:$0x3F94];
	s0 =	simm.s32 @p1 $0x1  }
0x15: {  	[smem:$0x3FB1] =	sst s0;
	s0 =	simm.s32 @!p2 $0x0  }
0x16: {  	s3 =	sld [smem:$0x3FDB];
	s0 =	simm.s32 @p2 $0x1  }
0x17: {  	s4 =	simm.s32 $0x1BF5;
	[smem:$0x3FB3] =	sst s0  }
0x18: {  	s0 =	sld [smem:$0x3F96];
	_ =	swait.ge [sflag:s4], $0x0  }
0x19: {  	s7 =	sld [smem:$0x3F97]  }
0x1a: {  	s8 =	sadd.s32 $0xFFFFE003, lr  }
0x1b: {  	s9 =	sadd.s32 $0xFFFFFEF7, lr;
	s5 =	simm.s32 $0xFFFFFFFF;
	p2 =	slt.u32 s8, $0xFFFFF086  }
0x1c: {  	p1 =	slt.u32 s9, $0xF7A;
	s5 =	simm.s32 @!p2 $0x0  }
0x1d: {  	s5 =	simm.s32 @p1 $0x1;
	p0 =	seq.s32 s7, s2  }
0x1e: {  	s7 =	smul.u32 @!p0 $0xF7A, s2;
	p2 =	seq.s32 @!p0 s5, $0x0  }
0x1f: {  	s9 =	smul.u32 $0xF7A, s1;
	s8 =	simm.s32 @!p0 $0x1BF5;
	p2 =	por !p2, p0  }
0x20: {  	[sflag:s8] =	ssyncset.s32 @!p0 $0xFFFFF086;
	s6 =	sadd.s32 @!p0 s3, s7;
	s7 =	simm.s32 @!p0 $0x108  }
0x21: {  	s3 =	sadd.s32 s3, s9;
	s6 =	sadd.s32 @!p0 $0x88, s6;
	s7 =	simm.s32 @p2 $0x1082  }
0x22: {  	[simem:s7], [sflag:s8] =	dma.local @!p0 [hbm:s6], $0xF7A  }
0x23: {  	s9 =	sor.u32 $0xD0000000, s2;
	s6 =	simm.s32 $0x108;
	_ =	swait.ge @!p0 [sflag:s8], $0x0  }
0x24: {  	s3 =	sadd.s32 $0x88, s3;
	s6 =	simm.s32 @!p1 $0x1082;
	[sflag:s4] =	ssyncset.s32 $0xFFFFF086  }
0x25: {  	[simem:s6], [sflag:s4] =	dma.local [hbm:s3], $0xF7A  }
0x26: {  	[smem:$0x3F97] =	sst s1;
	(tag) =	ssettag s2;
	_ =	strace s9  }
0x27: {  	s1 =	sld [smem:$0x3FA7]  }
0x28: {  	s2 =	sld [smem:$0x3FA8]  }
0x29: {  	s4 =	sld [smem:$0x3FAA]  }
0x2a: {  	p0 =	seq.s32 s5, $0x0;
	s5 =	sld [smem:$0x3FAB]  }
0x2b: {  	s6 =	sld [smem:$0x3FAC]  }
0x2c: {  	s7 =	sld [smem:$0x3FAD]  }
0x2d: {  	s3 =	simm.s32 $0x108;
	s8 =	sld [smem:$0x3FAE]  }
0x2e: {  	s3 =	simm.s32 @!p0 $0x1082;
	s9 =	sld [smem:$0x3FAF]  }
0x2f: {  	lr =	sadd.s32 s0, s3;
	s0 =	sld [smem:$0x3FA6]  }
0x30: {  	s3 =	sld [smem:$0x3FA9]  }
0x31: {  	[smem:$0x3FB2] =	sst s10  }
0x32: {  	s10 =	sld [smem:$0x3FB0];
	_ =	sdelay $0x3  }
0x33: {  	p0 =	seq.s32 s10, $0x1;
	s10 =	sld [smem:$0x3FB2];
	_ =	sdelay $0x3  }
0x34: {  	[smem:$0x3FB2] =	sst s10  }
0x35: {  	s10 =	sld [smem:$0x3FB1];
	_ =	sdelay $0x3  }
0x36: {  	p1 =	seq.s32 s10, $0x1;
	s10 =	sld [smem:$0x3FB2];
	_ =	sdelay $0x3  }
0x37: {  	[smem:$0x3FB2] =	sst s10  }
0x38: {  	s10 =	sld [smem:$0x3FB3]  }
0x39: {  	_ = 	snop;
	(pc) =	sbr.ind lr, $3  }
0x3a: {  	_ = 	snop  }
0x3b: {  	_ = 	snop  }
0x3c: {  	p2 =	seq.s32 s10, $0x1;
	s10 =	sld [smem:$0x3FB2]  }
0x3d: {  	_ =	shalt  }
0x3e: {  	_ =	shalt  }
0x3f: {  	_ =	shalt  }
0x40: {  	_ =	shalt  }
0x41: {  	_ =	shalt  }
0x42: {  	_ =	shalt  }
0x43: {  	_ =	shalt  }
0x44: {  	_ =	shalt  }
0x45: {  	_ =	shalt  }
0x46: {  	_ =	shalt  }
0x47: {  	_ =	shalt  }
0x48: {  	_ =	shalt  }
0x49: {  	_ =	shalt  }
0x4a: {  	_ =	shalt  }
0x4b: {  	_ =	shalt  }
0x4c: {  	_ =	shalt  }
0x4d: {  	_ =	shalt  }
0x4e: {  	_ =	shalt  }
0x4f: {  	_ =	shalt  }
0x50: {  	_ =	shalt  }
0x51: {  	_ =	shalt  }
0x52: {  	_ =	shalt  }
0x53: {  	_ =	shalt  }
0x54: {  	_ =	shalt  }
0x55: {  	_ =	shalt  }
0x56: {  	_ =	shalt  }
0x57: {  	_ =	shalt  }
0x58: {  	_ =	shalt  }
0x59: {  	_ =	shalt  }
0x5a: {  	_ =	shalt  }
0x5b: {  	_ =	shalt  }
0x5c: {  	_ =	shalt  }
0x5d: {  	_ =	shalt  }
0x5e: {  	_ =	shalt  }
0x5f: {  	_ =	shalt  }
0x60: {  	_ =	shalt  }
0x61: {  	_ =	shalt  }
0x62: {  	_ =	shalt  }
0x63: {  	_ =	shalt  }
0x64: {  	_ =	shalt  }
0x65: {  	_ =	shalt  }
0x66: {  	_ =	shalt  }
0x67: {  	_ =	shalt  }
0x68: {  	_ =	shalt  }
0x69: {  	_ =	shalt  }
0x6a: {  	_ =	shalt  }
0x6b: {  	_ =	shalt  }
0x6c: {  	_ =	shalt  }
0x6d: {  	_ =	shalt  }
0x6e: {  	_ =	shalt  }
0x6f: {  	_ =	shalt  }
0x70: {  	_ =	shalt  }
0x71: {  	_ =	shalt  }
0x72: {  	_ =	shalt  }
0x73: {  	_ =	shalt  }
0x74: {  	_ =	shalt  }
0x75: {  	_ =	shalt  }
0x76: {  	_ =	shalt  }
0x77: {  	_ =	shalt  }
0x78: {  	_ =	shalt  }
0x79: {  	_ =	shalt  }
0x7a: {  	_ =	shalt  }
0x7b: {  	_ =	shalt  }
0x7c: {  	_ =	shalt  }
0x7d: {  	_ =	shalt  }
0x7e: {  	_ =	shalt  }
0x7f: {  	_ =	shalt  }
0x80: {  	_ =	shalt  }
0x81: {  	_ =	shalt  }
0x82: {  	_ =	shalt  }
0x83: {  	_ =	shalt  }
0x84: {  	_ =	shalt  }
0x85: {  	_ =	shalt  }
0x86: {  	_ =	shalt  }
0x87: {  	_ =	shalt  }
.Lfunc_end0:
.L_simem_size_0:
called_computation_lowered:
.L_overlay_start_0:
0x88: {  	s2 =	sld [smem:$0x3FD9]  }
0x89: {  	s3 =	sld [smem:$0x3FFE];
	_ =	sdelay $0x1  }
0x8a: {  	s1 =	srdreg.scid  }
0x8b: {  	s0 =	sand.u32 $0x1, s1  }
0x8c: {  	s16 =	sshll.u32 s0, $0xA;
	s2 =	sadd.s32 s3, s2  }
0x8d: {  	s2 =	sadd.s32 s2, s16  }
0x8e: {  	[smem:$0x3FBE] =	sst s2  }
0x8f: {  	_ = 	snop  }
0x90: {  	(tm) =	ssettm $0x1  }
0x91: {  	s17 =	sld [smem:$0x3FFB];
	_ =	sdelay $0x3  }
0x92: {  	_ =	strace s17  }
0x93: {  	s2 =	sld [smem:$0x3FFC];
	_ =	sdelay $0x3  }
0x94: {  	_ =	strace s2  }
0x95: {  	s2 =	sld [smem:$0x3FFD];
	_ =	sdelay $0x3  }
0x96: {  	_ =	strace s2  }
0x97: {  	_ =	strace $0x8FFFFFFF  }
0x98: {  	s18 =	sld [smem:$0x3FDB];
	_ =	sdelay $0x1  }
0x99: {  	s19 =	simm.s32 $_scs_section_size  }
0x9a: {  	s4 =	simm.s32 $_size__tile_overlayer_lowered;
	s5 =	simm.s32 $_tile_overlayer_lowered  }
0x9b: {  	s22 =	simm.s32 $0x1BFF;
	s21 =	sshll.u32 s5, $0x1;
	s2 =	sadd.s32 s19, s18  }
0x9c: {  	s6 =	simm.s32 $0x0;
	s20 =	sshll.u32 s4, $0x1;
	s4 =	sadd.s32 s21, s2  }
0x9d: {  	[timem:s6], [sflag:s22] =	dma.local [hbm:s4], s20  }
0x9e: {  	_ =	swait.ge [sflag:s22], s20  }
0x9f: {  	s3 =	ssub.s32 $0x0, s20;
	[sflag:s22] =	ssyncset.done $0x0  }
0xa0: {  	[sflag:s22] =	ssyncadd.s32 s3;
	_ =	sdelay $0x1  }
0xa1: {  	s23 =	simm.s32 $0x1B8B  }
0xa2: {  	_ =	swait.ge [sflag:s23], $0x1  }
0xa3: {  	[sflag:s23] =	ssyncset.done $0x0  }
0xa4: {  	s25 =	simm.s32 $0x1B8E;
	s24 =	sld [smem:$0x3FFE];
	[sflag:s23] =	ssyncadd.s32 $0xFFFFFFFF  }
0xa5: {  	s26 =	simm.s32 $execute0_lowered;
	[smem:$0x3FD2] =	sst s25  }
0xa6: {  	s4 =	sshll.u32 s26, $0x1;
	_ =	strace $0x80000046;
	[dreg:$0x1] =	wrdreg $0xFFFFFFFF  }
0xa7: {  	s28 =	simm.s32 $_size_execute0_lowered;
	s2 =	sadd.s32 s2, s4;
	[dreg:$0x0] =	wrdreg $0x0  }
0xa8: {  	s4 =	sshll.u32 s28, $0x1;
	[dreg:$0x2] =	wrdreg s2  }
0xa9: {  	[dreg:$0x3] =	wrdreg s4  }
0xaa: {  	[dreg:$0x4] =	wrdreg $0xC0  }
0xab: {  	_ =	task [dreg:s6], $0x5FFFF  }
0xac: {  	[dreg:$0x1] =	wrdreg $0xFFFFFFFF  }
0xad: {  	[dreg:$0x0] =	wrdreg $0x60  }
0xae: {  	[dreg:$0x2] =	wrdreg s24  }
0xaf: {  	[dreg:$0x3] =	wrdreg $0x9  }
0xb0: {  	_ =	task.clear_ibuf [dreg:s6], $0x4FFFF;
	_ =	strace $0x90000046  }
0xb1: {  	s29 =	simm.s32 $0x9;
	_ =	strace $0x80000048  }
0xb2: {  	_ =	swait.ge [sflag:s29], $0x1  }
0xb3: {  	[sflag:s29] =	ssyncadd.s32 $0xFFFFFFFF  }
0xb4: {  	_ =	strace $0x90000048  }
0xb5: {  	_ =	sfence  }
0xb6: {  	s30 =	sld [smem:$0x0];
	_ =	sdelay $0x2  }
0xb7: {  	s31 =	sshll.u32 s1, $0xD;
	s1 =	sshrl.u32 s1, $0x2  }
0xb8: {  	s3 =	sand.u32 $0x4000, s31;
	s1 =	sadd.s32 s1, s30  }
0xb9: {  	s0 =	sor.u32 s3, s0;
	s1 =	sshll.u32 s1, $0x11  }
0xba: {  	s0 =	sor.u32 s1, s0  }
0xbb: {  	s0 =	sadd.s32 $0x8F2B, s0  }
0xbc: {  	[sflag:s0] =	ssyncadd.remote.s32 $0x1  }
0xbd: {  	_ =	sfence.sel $0xFFFF  }
0xbe: {  	[dreg:$0x0] =	wrdreg $0xFFFFFFFF;
	(pc) =	sbr.abs _section_cstart, $3  }
0xbf: {  	[dreg:$0x1] =	wrdreg $0xFFFFFFFF  }
0xc0: {  	_ =	task.clear_ibuf [dreg:s6], $0x2FFFF;
	_ =	strace $0x9FFFFFFF  }
0xc1: {  	(tm) =	ssettm $0x7FFFFFFF  }
tec
execute0_lowered:
.L_overlay_start_1:
0x0: {  	(tag) =	ssettag $0x1  }
0x1: {  	s1 =	srdreg.scid  }
0x2: {  	s0 =	stileid.u32;
	s4 =	rddreg [dreg:$0x0]  }
0x3: {  	s2 =	simm.s32 $0x0;
	s3 =	sand.u32 $0x1, s1;
	s30 =	sshll.u32 s0, $0x1  }
0x4: {  	s7 =	simm.s32 $0x1;
	s8 =	simm.s32 $0x2710;
	s1 =	sor.u32 s3, s30  }
0x5: {  	s9 =	simm.s32 $0x4E20;
	s3 =	ssub.s32 $0x2, s3;
	s5 =	smul.u32 $0x2710, s1  }
0x6: {  	s10 =	simm.s32 $0x0;
	[smem:$0x7FF] =	sst s2;
	s31 =	sshrl.u32 s3, $0x1  }
0x7: {  	s1 =	rddreg [dreg:$0x1];
	s6 =	ssub.s32 s3, s31;
	s5 =	sshrl.u32 s5, $0x3  }
0x8: {  	_ =	strace $0x80000047;
	s6 =	smax.u32 s6, $0x1;
	s5 =	sadd.s32 s5, s4  }
0x9: {  	s3 =	sadd.s32 $0x3000, s5;
	s4 =	sadd.s32 $0xCC40, s5;
	s5 =	sadd.s32 $0x16A00, s5  }
.LBB2_1:
0xa: {  	[tilespmem:s2], [sflag:$0x1] =	stream.linear.gather [hbm4b:s3+s2], $0x2710, $0x38;
	[tilespmem:$0x7530] =	vst v63  }
0xb: {  	_ =	swait.ge [sflag:s7], $0x2710  }
0xc: {  	[sflag:s7] =	ssyncset.done $0x0  }
0xd: {  	[sflag:s7] =	ssyncadd.s32 $0xFFFFD8F0  }
0xe: {  	[tilespmem:s8], [sflag:$0x1] =	stream.linear.gather [hbm4b:s4+s2], $0x2710, $0x38;
	[tilespmem:$0x7530] =	vst v63  }
0xf: {  	_ =	swait.ge [sflag:s7], $0x2710  }
0x10: {  	[sflag:s7] =	ssyncset.done $0x0  }
0x11: {  	s11 =	simm.s32 $0x0;
	[sflag:s7] =	ssyncadd.s32 $0xFFFFD8F0  }
0x12: {  	v1 =	vld [tilespmem:s11+$0x2750]  }
0x13: {  	v2 =	vld [tilespmem:s11+$0x40]  }
0x14: {  	v4 =	vld [tilespmem:s11+$0x2710]  }
0x15: {  	v5 =	vld [tilespmem:s11+$0x2720]  }
0x16: {  	v6 =	vld [tilespmem:s11+$0x2730]  }
0x17: {  	v0 =	vld [tilespmem:s11+$0x2740]  }
0x18: {  	v3 =	vld [tilespmem:s11+$0x0];
	v1 =	vshll.u32 v1, $0xE  }
0x19: {  	v1 =	vor.u32 v2, v1;
	v2 =	vld [tilespmem:s11+$0x10]  }
0x1a: {  	[tilespmem:s11+$0x4E60] =	vst v1;
	v1 =	vld [tilespmem:s11+$0x20]  }
0x1b: {  	s12 =	simm.s32 $0x50;
	s13 =	simm.s32 $0x280;
	v7 =	vshll.u32 v4, $0xE;
	v5 =	vshll.u32 v5, $0xE;
	v6 =	vshll.u32 v6, $0xE;
	v4 =	vld [tilespmem:s11+$0x30]  }
.LBB2_2:
0x1c: {  	p0 =	sne.s32 s13, $0x9B00;
	v8 =	vld [tilespmem:s12+$0x2750];
	v0 =	vshll.u32 v0, $0xE  }
0x1d: {  	v9 =	vld [tilespmem:s12+$0x40];
	v3 =	vor.u32 v3, v7  }
0x1e: {  	v7 =	vld [tilespmem:s12+$0x2710];
	[tilespmem:s11+$0x4E20] =	vst v3;
	v2 =	vor.u32 v2, v5  }
0x1f: {  	v5 =	vld [tilespmem:s12+$0x2720];
	[tilespmem:s11+$0x4E30] =	vst v2;
	v1 =	vor.u32 v1, v6  }
0x20: {  	v6 =	vld [tilespmem:s12+$0x2730];
	[tilespmem:s11+$0x4E40] =	vst v1;
	v1 =	vor.u32 v4, v0  }
.Ltmp0:
0x21: {  	v0 =	vld [tilespmem:s12+$0x2740];
	v2 =	vshll.u32 v8, $0xE;
	[tilespmem:s11+$0x4E50] =	vst v1;
	s11 =	smov.u32 s12;
	(pc) =	sbr.rel @p0 .LBB2_2-.Ltmp0, $4  }
0x22: {  	v3 =	vld [tilespmem:s11+$0x0];
	v1 =	vor.u32 v9, v2  }
0x23: {  	v7 =	vshll.u32 v7, $0xE;
	v2 =	vld [tilespmem:s11+$0x10];
	[tilespmem:s11+$0x4E60] =	vst v1  }
0x24: {  	v5 =	vshll.u32 v5, $0xE;
	v1 =	vld [tilespmem:s11+$0x20]  }
0x25: {  	s12 =	sshra.s32 s13, $0x2;
	s13 =	sadd.s32 $0x140, s13;
	v6 =	vshll.u32 v6, $0xE;
	v4 =	vld [tilespmem:s11+$0x30]  }
0x26: {  	v8 =	vld [tilespmem:s12+$0x2750]  }
0x27: {  	v9 =	vld [tilespmem:s12+$0x40];
	v3 =	vor.u32 v3, v7  }
0x28: {  	v57 =	vld [tilespmem:s12+$0x2710];
	[tilespmem:s11+$0x4E20] =	vst v3;
	v2 =	vor.u32 v2, v5  }
0x29: {  	v0 =	vshll.u32 v0, $0xE;
	v3 =	vld [tilespmem:s12+$0x2720];
	[tilespmem:s11+$0x4E30] =	vst v2;
	v1 =	vor.u32 v1, v6  }
0x2a: {  	v2 =	vld [tilespmem:s12+$0x2730];
	[tilespmem:s11+$0x4E40] =	vst v1;
	v0 =	vor.u32 v4, v0  }
0x2b: {  	v1 =	vld [tilespmem:s12+$0x2740];
	[tilespmem:s11+$0x4E50] =	vst v0  }
0x2c: {  	v59 =	vld [tilespmem:s12+$0x0]  }
0x2d: {  	v60 =	vld [tilespmem:s12+$0x10]  }
0x2e: {  	v61 =	vld [tilespmem:s12+$0x20]  }
0x2f: {  	v58 =	vshll.u32 v8, $0xE;
	v62 =	vld [tilespmem:s12+$0x30]  }
0x30: {  	v7 =	vshll.u32 v57, $0xE;
	v0 =	vor.u32 v9, v58  }
0x31: {  	[tilespmem:s12+$0x4E60] =	vst v0;
	v3 =	vshll.u32 v3, $0xE;
	v4 =	vor.u32 v59, v7  }
0x32: {  	v2 =	vshll.u32 v2, $0xE;
	v3 =	vor.u32 v60, v3;
	[tilespmem:s12+$0x4E20] =	vst v4  }
0x33: {  	s10 =	sadd.s32 $0x1, s10;
	v1 =	vshll.u32 v1, $0xE;
	v0 =	vor.u32 v61, v2;
	[tilespmem:s12+$0x4E30] =	vst v3  }
0x34: {  	p0 =	sne.s32 s10, s6;
	v63 =	vor.u32 v62, v1;
	[tilespmem:s12+$0x4E40] =	vst v0  }
.Ltmp1:
0x35: {  	[tilespmem:s12+$0x4E50] =	vst v63;
	(pc) =	sbr.rel @p0 .LBB2_1-.Ltmp1, $4  }
0x36: {  	[hbm4b:s5+s2] =	stream.linear.scatter [tilespmem:s9], [sflag:$0x1], $0x2710, $0x38;
	[tilespmem:$0x7530] =	vst v63  }
0x37: {  	_ =	swait.ge [sflag:s7], $0x2710  }
0x38: {  	[sflag:s7] =	ssyncset.done $0x0  }
0x39: {  	[sflag:s7] =	ssyncadd.s32 $0xFFFFD8F0  }
0x3a: {  	_ =	sfence.sel $0x180000  }
0x3b: {  	[bflag:$0x0] =	sbarrier.arrive $0xFFFF  }
0x3c: {  	p0 =	sne.s32 s0, $0x0;
	_ =	strace $0x90000047  }
0x3d: {  	s0 =	sadd.s32 @!p0 $0x100000, s1;
	[bflag:$0x2] =	sbarrier.arrive $0xFFFF  }
0x3e: {  	[sflag:s0] =	ssyncadd.tile.s32 @!p0 $0x1;
	_ =	shalt  }
.Lfunc_end2:
_tile_overlayer_lowered:
.L_overlay_start_2:
0x3f: {  	(tag) =	ssettag $0x2  }
0x40: {  	s0 =	rddreg [dreg:$0x0];
	s2 =	stileid.u32  }
0x41: {  	s1 =	rddreg [dreg:$0x1];
	p0 =	sne.s32 s2, $0x0  }
0x42: {  	s3 =	rddreg [dreg:$0x2];
	[bflag:$0x3] =	sbarrier.arrive $0xFFFF;
	s2 =	simm.s32 @!p0 $0x1C01  }
0x43: {  	[timem:s3], [sflag:s2] =	dma.local @!p0 [hbm:s0], s1  }
0x44: {  	s0 =	simm.s32 @!p0 $0x1  }
0x45: {  	_ =	swait.ge @!p0 [sflag:s0], s1  }
0x46: {  	s1 =	ssub.s32 @!p0 $0x0, s1;
	[sflag:s0] =	ssyncset.done @!p0 $0x0  }
0x47: {  	[sflag:s0] =	ssyncadd.s32 @!p0 s1  }
0x48: {  	[bflag:$0x3] =	sbarrier.arrive $0xFFFF  }
0x49: {  	_ =	shalt  }

</sc_bundles>
